<compile_context>
chip_gen: v7x
topology: tpu7x:2x2x1
jax: 0.10.2.dev20260603
libtpu: 0.0.44.dev20260713+nightly
codegen_flags: <defaults>
</compile_context>

<pallas_src>
import functools

import jax
import jax.numpy as jnp
from jax import lax
from jax.experimental import pallas as pl
from jax.experimental.pallas import tpu as pltpu
from jax.experimental.pallas import tpu_sc as plsc

B = 16384
L = 50
D = 128
LANES = 16
NC = 2
NS = 16
NW = NC * NS
SPW = B // NW
GP = 2
ROWS_G = GP * L
GPW = SPW // GP
NBUF = 4
JG = LANES // GP
CC = GPW // JG


def _sc_body(x_hbm, w_hbm, b_hbm, table_hbm, out_hbm,
             idx_v, w_v, b_v, out_v,
             rows0, rows1, rows2, rows3,
             sem0, sem1, sem2, sem3):
  rows_bufs = (rows0, rows1, rows2, rows3)
  sems = (sem0, sem1, sem2, sem3)
  wid = lax.axis_index("s") * NC + lax.axis_index("c")

  pltpu.sync_copy(x_hbm.at[pl.ds(wid * GPW, GPW), :], idx_v)
  pltpu.sync_copy(w_hbm, w_v)
  pltpu.sync_copy(b_hbm, b_v)

  for j in range(NBUF):
    pltpu.async_copy(table_hbm.at[idx_v.at[j]], rows_bufs[j], sems[j])

  zeros = jnp.zeros((LANES,), jnp.float32)
  lane = lax.broadcasted_iota(jnp.int32, (LANES,), 0)
  bias = b_v[...]

  def lane_sum(a):
    for shift in (8, 4, 2, 1):
      perm = (lane + shift) & (LANES - 1)
      a = a + a.at[perm].get(mode="promise_in_bounds")
    return a

  def cc_body(cc, carry):
    ov = zeros
    for j in range(JG):
      buf = rows_bufs[j % NBUF]
      sem = sems[j % NBUF]
      g = cc * JG + j
      pltpu.make_async_copy(table_hbm.at[idx_v.at[g]], buf, sem).wait()

      def l_body(l, accs):
        a0, a1 = accs
        for k in range(D // LANES):
          ds = pl.ds(k * LANES, LANES)
          wv = w_v[l, ds]
          a0 = a0 + buf[l, ds] * wv
          a1 = a1 + buf[L + l, ds] * wv
        return (a0, a1)

      a0, a1 = lax.fori_loop(0, L, l_body, (zeros, zeros))
      ov = jnp.where(lane == GP * j, lane_sum(a0), ov)
      ov = jnp.where(lane == GP * j + 1, lane_sum(a1), ov)

      nxt = g + NBUF

      @pl.when(nxt < GPW)
      def _():
        pltpu.async_copy(table_hbm.at[idx_v.at[nxt]], buf, sem)

    out_v[pl.ds(cc * LANES, LANES)] = ov + bias
    return carry

  lax.fori_loop(0, CC, cc_body, 0)
  pltpu.sync_copy(out_v, out_hbm.at[pl.ds(wid * SPW, SPW)])


@jax.jit
def _run(x2, table, w2, b16):
  mesh = plsc.VectorSubcoreMesh(
      core_axis_name="c", subcore_axis_name="s",
      num_cores=NC, num_subcores=NS)
  kern = pl.kernel(
      _sc_body,
      out_type=jax.ShapeDtypeStruct((B,), jnp.float32),
      mesh=mesh,
      scratch_types=[
          pltpu.VMEM((GPW, ROWS_G), jnp.int32),
          pltpu.VMEM((L, D), jnp.float32),
          pltpu.VMEM((LANES,), jnp.float32),
          pltpu.VMEM((SPW,), jnp.float32),
          pltpu.VMEM((ROWS_G, D), jnp.float32),
          pltpu.VMEM((ROWS_G, D), jnp.float32),
          pltpu.VMEM((ROWS_G, D), jnp.float32),
          pltpu.VMEM((ROWS_G, D), jnp.float32),
          pltpu.SemaphoreType.DMA,
          pltpu.SemaphoreType.DMA,
          pltpu.SemaphoreType.DMA,
          pltpu.SemaphoreType.DMA,
      ],
  )
  return kern(x2, w2, b16, table)


def kernel(x, table, W, b):
  x2 = x.reshape(B * L // ROWS_G, ROWS_G)
  w2 = W.reshape(L, D)
  b16 = jnp.broadcast_to(b, (LANES,)).astype(jnp.float32)
  return _run(x2, table, w2, b16)

# --- scband reference (transcript-rebuilt; emitter-appended) ---
"""Pipeline reference for scband-glo-ve-embedding-net-11914239279634 (READ-ONLY COPY).

The authoritative reference and input builder live on the scoring server;
editing this copy changes nothing except your own understanding.
"""

import jax, jax.numpy as jnp
import numpy as np

B = 16384
L = 50
V = 1000000
D = 128


def setup_inputs(seed: int = 0) -> dict:
    key = jax.random.key(seed)
    k1, k2, k3 = jax.random.split(key, 3)
    x = jax.random.randint(k1, (B, L), 0, V, dtype=jnp.int32)
    # pretrained GloVe-like embedding table (frozen in the torch module)
    table = jax.random.normal(k2, (V, D), dtype=jnp.float32)
    # nn.Linear(seq_length*embedding_dim, 1)
    fan_in = L * D
    bound = 1.0 / np.sqrt(fan_in)
    W = jax.random.uniform(k3, (1, fan_in), dtype=jnp.float32, minval=-bound, maxval=bound)
    b = jnp.zeros((1,), dtype=jnp.float32)
    return {"x": x, "table": table, "W": W, "b": b}


def reference(x, table, W, b):
    # embedding lookup: gather rows of the table
    embedded = jnp.take(table, x, axis=0)           # [B, L, D]
    flatten = embedded.reshape(-1, L * D)            # [B, L*D]
    out = flatten @ W.T + b                          # [B, 1]
    return out.squeeze(-1)                           # [B]

if __name__ == "__main__":
    import jax
    _d = setup_inputs()
    print(jax.jit(kernel)(*tuple(_d.values())))

</pallas_src>

<mosaic_0001>
#map = affine_map<(d0, d1) -> (0, 0)>
#map1 = affine_map<(d0, d1) -> (0)>
module attributes {stable_mosaic.version = 14 : i64} {
  func.func @_sc_body(%arg0: i32, %arg1: i32, %arg2: memref<8192x100xi32, #tpu.memory_space<hbm>>, %arg3: memref<50x128xf32, #tpu.memory_space<hbm>>, %arg4: memref<16xf32, #tpu.memory_space<hbm>>, %arg5: memref<1000000x128xf32, #tpu.memory_space<hbm>>, %arg6: memref<16384xf32, #tpu.memory_space<hbm>>, %arg7: memref<256x100xi32, #tpu.memory_space<vmem>>, %arg8: memref<50x128xf32, #tpu.memory_space<vmem>>, %arg9: memref<16xf32, #tpu.memory_space<vmem>>, %arg10: memref<512xf32, #tpu.memory_space<vmem>>, %arg11: memref<100x128xf32, #tpu.memory_space<vmem>>, %arg12: memref<100x128xf32, #tpu.memory_space<vmem>>, %arg13: memref<100x128xf32, #tpu.memory_space<vmem>>, %arg14: memref<100x128xf32, #tpu.memory_space<vmem>>, %arg15: memref<!tpu.dma_semaphore, #tpu.memory_space<semaphore_mem>>, %arg16: memref<!tpu.dma_semaphore, #tpu.memory_space<semaphore_mem>>, %arg17: memref<!tpu.dma_semaphore, #tpu.memory_space<semaphore_mem>>, %arg18: memref<!tpu.dma_semaphore, #tpu.memory_space<semaphore_mem>>) attributes {dimension_semantics = [#tpu.dimension_semantics<core_parallel>, #tpu.dimension_semantics<subcore_parallel>], iteration_bounds = array<i64: 2, 16>, scalar_prefetch = 0 : i64, scratch_operands = 12 : i64, tpu.core_type = #tpu.core_type<sc_vector_subcore>, window_params = [{transform_indices = #map}, {transform_indices = #map}, {transform_indices = #map1}, {transform_indices = #map}, {transform_indices = #map1}]} {
    %mul3A = arith.constant 2 : i32
    %mul3A_0 = arith.muli %arg1, %mul3A : i32
    %add3A = arith.addi %mul3A_0, %arg0 : i32
    %mul3A_1 = arith.constant 256 : i32
    %mul3A_2 = arith.muli %add3A, %mul3A_1 : i32
    "tpu.region"() ({
      %run_scoped3A = tpu.sem_alloc : memref<!tpu.dma_semaphore, #tpu.memory_space<semaphore_mem>>
      %dma_start3A_40 = arith.constant 0 : i32
      %dma_start3A_41 = tpu.memref_slice %arg2[%mul3A_2, %dma_start3A_40] : memref<8192x100xi32, #tpu.memory_space<hbm>> -> memref<256x100xi32, #tpu.memory_space<hbm>>
      %dma_start3A_42 = arith.constant 0 : i32
      %dma_start3A_43 = tpu.memref_slice %arg2[%mul3A_2, %dma_start3A_42] : memref<8192x100xi32, #tpu.memory_space<hbm>> -> memref<256x100xi32, #tpu.memory_space<hbm>>
      tpu.enqueue_dma source(%dma_start3A_43 : memref<256x100xi32, #tpu.memory_space<hbm>>) target(%arg7 : memref<256x100xi32, #tpu.memory_space<vmem>>) target_semaphore(%run_scoped3A : memref<!tpu.dma_semaphore, #tpu.memory_space<semaphore_mem>>)
      %dma_wait3A = arith.constant 0 : i32
      %dma_wait3A_44 = tpu.memref_slice %arg2[%mul3A_2, %dma_wait3A] : memref<8192x100xi32, #tpu.memory_space<hbm>> -> memref<256x100xi32, #tpu.memory_space<hbm>>
      %dma_wait3A_45 = arith.constant 0 : i32
      %dma_wait3A_46 = tpu.memref_slice %arg2[%mul3A_2, %dma_wait3A_45] : memref<8192x100xi32, #tpu.memory_space<hbm>> -> memref<256x100xi32, #tpu.memory_space<hbm>>
      tpu.wait_dma2 semaphore(%run_scoped3A : memref<!tpu.dma_semaphore, #tpu.memory_space<semaphore_mem>>) src(%dma_wait3A_46 : memref<256x100xi32, #tpu.memory_space<hbm>>) dst(%arg7 : memref<256x100xi32, #tpu.memory_space<vmem>>)
      tpu.yield
    }) : () -> ()
    "tpu.region"() ({
      %run_scoped3A = tpu.sem_alloc : memref<!tpu.dma_semaphore, #tpu.memory_space<semaphore_mem>>
      tpu.enqueue_dma source(%arg3 : memref<50x128xf32, #tpu.memory_space<hbm>>) target(%arg8 : memref<50x128xf32, #tpu.memory_space<vmem>>) target_semaphore(%run_scoped3A : memref<!tpu.dma_semaphore, #tpu.memory_space<semaphore_mem>>)
      tpu.wait_dma2 semaphore(%run_scoped3A : memref<!tpu.dma_semaphore, #tpu.memory_space<semaphore_mem>>) src(%arg3 : memref<50x128xf32, #tpu.memory_space<hbm>>) dst(%arg8 : memref<50x128xf32, #tpu.memory_space<vmem>>)
      tpu.yield
    }) : () -> ()
    "tpu.region"() ({
      %run_scoped3A = tpu.sem_alloc : memref<!tpu.dma_semaphore, #tpu.memory_space<semaphore_mem>>
      tpu.enqueue_dma source(%arg4 : memref<16xf32, #tpu.memory_space<hbm>>) target(%arg9 : memref<16xf32, #tpu.memory_space<vmem>>) target_semaphore(%run_scoped3A : memref<!tpu.dma_semaphore, #tpu.memory_space<semaphore_mem>>)
      tpu.wait_dma2 semaphore(%run_scoped3A : memref<!tpu.dma_semaphore, #tpu.memory_space<semaphore_mem>>) src(%arg4 : memref<16xf32, #tpu.memory_space<hbm>>) dst(%arg9 : memref<16xf32, #tpu.memory_space<vmem>>)
      tpu.yield
    }) : () -> ()
    %dma_start3A = arith.constant 0 : i32
    %dma_start3A_3 = arith.constant 0 : i32
    %dma_start3A_4 = tpu.memref_slice %arg7[%dma_start3A, %dma_start3A_3] : memref<256x100xi32, #tpu.memory_space<vmem>> -> memref<1x100xi32, #tpu.memory_space<vmem>>
    %dma_start3A_5 = tpu.memref_squeeze %dma_start3A_4 : memref<1x100xi32, #tpu.memory_space<vmem>> -> memref<100xi32, #tpu.memory_space<vmem>>
    %dma_start3A_6 = arith.constant 0 : i32
    %dma_start3A_7 = arith.constant 0 : i32
    %dma_start3A_8 = tpu.memref_slice %arg5[%dma_start3A_6, %dma_start3A_7] : memref<1000000x128xf32, #tpu.memory_space<hbm>> -> memref<1000000x128xf32, #tpu.memory_space<hbm>>
    tpu.enqueue_indirect_dma source(%dma_start3A_8 : memref<1000000x128xf32, #tpu.memory_space<hbm>>) target(%arg11 : memref<100x128xf32, #tpu.memory_space<vmem>>) offsets(%dma_start3A_5 : memref<100xi32, #tpu.memory_space<vmem>>) semaphore(%arg15 : memref<!tpu.dma_semaphore, #tpu.memory_space<semaphore_mem>>)
    %dma_start3A_9 = arith.constant 1 : i32
    %dma_start3A_10 = arith.constant 0 : i32
    %dma_start3A_11 = tpu.memref_slice %arg7[%dma_start3A_9, %dma_start3A_10] : memref<256x100xi32, #tpu.memory_space<vmem>> -> memref<1x100xi32, #tpu.memory_space<vmem>>
    %dma_start3A_12 = tpu.memref_squeeze %dma_start3A_11 : memref<1x100xi32, #tpu.memory_space<vmem>> -> memref<100xi32, #tpu.memory_space<vmem>>
    %dma_start3A_13 = arith.constant 0 : i32
    %dma_start3A_14 = arith.constant 0 : i32
    %dma_start3A_15 = tpu.memref_slice %arg5[%dma_start3A_13, %dma_start3A_14] : memref<1000000x128xf32, #tpu.memory_space<hbm>> -> memref<1000000x128xf32, #tpu.memory_space<hbm>>
    tpu.enqueue_indirect_dma source(%dma_start3A_15 : memref<1000000x128xf32, #tpu.memory_space<hbm>>) target(%arg12 : memref<100x128xf32, #tpu.memory_space<vmem>>) offsets(%dma_start3A_12 : memref<100xi32, #tpu.memory_space<vmem>>) semaphore(%arg16 : memref<!tpu.dma_semaphore, #tpu.memory_space<semaphore_mem>>)
    %dma_start3A_16 = arith.constant 2 : i32
    %dma_start3A_17 = arith.constant 0 : i32
    %dma_start3A_18 = tpu.memref_slice %arg7[%dma_start3A_16, %dma_start3A_17] : memref<256x100xi32, #tpu.memory_space<vmem>> -> memref<1x100xi32, #tpu.memory_space<vmem>>
    %dma_start3A_19 = tpu.memref_squeeze %dma_start3A_18 : memref<1x100xi32, #tpu.memory_space<vmem>> -> memref<100xi32, #tpu.memory_space<vmem>>
    %dma_start3A_20 = arith.constant 0 : i32
    %dma_start3A_21 = arith.constant 0 : i32
    %dma_start3A_22 = tpu.memref_slice %arg5[%dma_start3A_20, %dma_start3A_21] : memref<1000000x128xf32, #tpu.memory_space<hbm>> -> memref<1000000x128xf32, #tpu.memory_space<hbm>>
    tpu.enqueue_indirect_dma source(%dma_start3A_22 : memref<1000000x128xf32, #tpu.memory_space<hbm>>) target(%arg13 : memref<100x128xf32, #tpu.memory_space<vmem>>) offsets(%dma_start3A_19 : memref<100xi32, #tpu.memory_space<vmem>>) semaphore(%arg17 : memref<!tpu.dma_semaphore, #tpu.memory_space<semaphore_mem>>)
    %dma_start3A_23 = arith.constant 3 : i32
    %dma_start3A_24 = arith.constant 0 : i32
    %dma_start3A_25 = tpu.memref_slice %arg7[%dma_start3A_23, %dma_start3A_24] : memref<256x100xi32, #tpu.memory_space<vmem>> -> memref<1x100xi32, #tpu.memory_space<vmem>>
    %dma_start3A_26 = tpu.memref_squeeze %dma_start3A_25 : memref<1x100xi32, #tpu.memory_space<vmem>> -> memref<100xi32, #tpu.memory_space<vmem>>
    %dma_start3A_27 = arith.constant 0 : i32
    %dma_start3A_28 = arith.constant 0 : i32
    %dma_start3A_29 = tpu.memref_slice %arg5[%dma_start3A_27, %dma_start3A_28] : memref<1000000x128xf32, #tpu.memory_space<hbm>> -> memref<1000000x128xf32, #tpu.memory_space<hbm>>
    tpu.enqueue_indirect_dma source(%dma_start3A_29 : memref<1000000x128xf32, #tpu.memory_space<hbm>>) target(%arg14 : memref<100x128xf32, #tpu.memory_space<vmem>>) offsets(%dma_start3A_26 : memref<100xi32, #tpu.memory_space<vmem>>) semaphore(%arg18 : memref<!tpu.dma_semaphore, #tpu.memory_space<semaphore_mem>>)
    %broadcast_in_dim3A = arith.constant 0.000000e+00 : f32
    %broadcast_in_dim3A_30 = vector.broadcast %broadcast_in_dim3A : f32 to vector<16xf32>
    %iota3A = tpu.iota {dimensions = array<i32: 0>} : vector<16xi32>
    %get3A = arith.constant 0 : index
    %get3A_31 = tpu.vector_load %arg9[%get3A] {strides = array<i32>} : memref<16xf32, #tpu.memory_space<vmem>>, vector<16xf32>,
    %get3A_32 = vector.shape_cast %get3A_31 : vector<16xf32> to vector<16xf32>
    %scan3A = arith.constant 0 : i32
    %scan3A_33 = arith.constant 0 : i32
    %scan3A_34 = arith.constant 32 : i32
    %scan3A_35 = arith.addi %scan3A_33, %scan3A_34 : i32
    %scan3A_36 = arith.constant 1 : i32
    scf.for %scan3A_40 = %scan3A_33 to %scan3A_35 step %scan3A_36  : i32 {
      %mul3A_41 = arith.constant 8 : i32
      %mul3A_42 = arith.muli %scan3A_40, %mul3A_41 : i32
      %add3A_43 = arith.constant 0 : i32
      %add3A_44 = arith.addi %mul3A_42, %add3A_43 : i32
      %dma_wait3A = arith.constant 0 : i32
      %dma_wait3A_45 = tpu.memref_slice %arg7[%add3A_44, %dma_wait3A] : memref<256x100xi32, #tpu.memory_space<vmem>> -> memref<1x100xi32, #tpu.memory_space<vmem>>
      %dma_wait3A_46 = tpu.memref_squeeze %dma_wait3A_45 : memref<1x100xi32, #tpu.memory_space<vmem>> -> memref<100xi32, #tpu.memory_space<vmem>>
      %dma_wait3A_47 = arith.constant 0 : i32
      %dma_wait3A_48 = arith.constant 0 : i32
      %dma_wait3A_49 = tpu.memref_slice %arg5[%dma_wait3A_47, %dma_wait3A_48] : memref<1000000x128xf32, #tpu.memory_space<hbm>> -> memref<1000000x128xf32, #tpu.memory_space<hbm>>
      tpu.wait_indirect_dma semaphore(%arg15 : memref<!tpu.dma_semaphore, #tpu.memory_space<semaphore_mem>>) src(%dma_wait3A_49 : memref<1000000x128xf32, #tpu.memory_space<hbm>>) dst(%arg11 : memref<100x128xf32, #tpu.memory_space<vmem>>)
      %scan3A_50 = arith.constant 0 : i32
      %scan3A_51 = arith.constant 50 : i32
      %scan3A_52 = arith.addi %scan3A_50, %scan3A_51 : i32
      %scan3A_53 = arith.constant 1 : i32
      %scan3A_54:2 = scf.for %scan3A_1375 = %scan3A_50 to %scan3A_52 step %scan3A_53 iter_args(%scan3A_1376 = %broadcast_in_dim3A_30, %scan3A_1377 = %broadcast_in_dim3A_30) -> (vector<16xf32>, vector<16xf32>)  : i32 {
        %get3A_1378 = arith.index_cast %scan3A_1375 : i32 to index
        %get3A_1379 = arith.constant 0 : index
        %get3A_1380 = tpu.vector_load %arg8[%get3A_1378, %get3A_1379] {strides = array<i32>} : memref<50x128xf32, #tpu.memory_space<vmem>>, vector<1x16xf32>,
        %get3A_1381 = vector.shape_cast %get3A_1380 : vector<1x16xf32> to vector<16xf32>
        %get3A_1382 = arith.index_cast %scan3A_1375 : i32 to index
        %get3A_1383 = arith.constant 0 : index
        %get3A_1384 = tpu.vector_load %arg11[%get3A_1382, %get3A_1383] {strides = array<i32>} : memref<100x128xf32, #tpu.memory_space<vmem>>, vector<1x16xf32>,
        %get3A_1385 = vector.shape_cast %get3A_1384 : vector<1x16xf32> to vector<16xf32>
        %mul3A_1386 = arith.mulf %get3A_1385, %get3A_1381 : vector<16xf32>
        %add3A_1387 = arith.addf %scan3A_1376, %mul3A_1386 : vector<16xf32>
        %add3A_1388 = arith.constant 50 : i32
        %add3A_1389 = arith.addi %add3A_1388, %scan3A_1375 : i32
        %get3A_1390 = arith.index_cast %add3A_1389 : i32 to index
        %get3A_1391 = arith.constant 0 : index
        %get3A_1392 = tpu.vector_load %arg11[%get3A_1390, %get3A_1391] {strides = array<i32>} : memref<100x128xf32, #tpu.memory_space<vmem>>, vector<1x16xf32>,
        %get3A_1393 = vector.shape_cast %get3A_1392 : vector<1x16xf32> to vector<16xf32>
        %mul3A_1394 = arith.mulf %get3A_1393, %get3A_1381 : vector<16xf32>
        %add3A_1395 = arith.addf %scan3A_1377, %mul3A_1394 : vector<16xf32>
        %get3A_1396 = arith.index_cast %scan3A_1375 : i32 to index
        %get3A_1397 = arith.constant 16 : index
        %get3A_1398 = tpu.vector_load %arg8[%get3A_1396, %get3A_1397] {strides = array<i32>} : memref<50x128xf32, #tpu.memory_space<vmem>>, vector<1x16xf32>,
        %get3A_1399 = vector.shape_cast %get3A_1398 : vector<1x16xf32> to vector<16xf32>
        %get3A_1400 = arith.index_cast %scan3A_1375 : i32 to index
        %get3A_1401 = arith.constant 16 : index
        %get3A_1402 = tpu.vector_load %arg11[%get3A_1400, %get3A_1401] {strides = array<i32>} : memref<100x128xf32, #tpu.memory_space<vmem>>, vector<1x16xf32>,
        %get3A_1403 = vector.shape_cast %get3A_1402 : vector<1x16xf32> to vector<16xf32>
        %mul3A_1404 = arith.mulf %get3A_1403, %get3A_1399 : vector<16xf32>
        %add3A_1405 = arith.addf %add3A_1387, %mul3A_1404 : vector<16xf32>
        %add3A_1406 = arith.constant 50 : i32
        %add3A_1407 = arith.addi %add3A_1406, %scan3A_1375 : i32
        %get3A_1408 = arith.index_cast %add3A_1407 : i32 to index
        %get3A_1409 = arith.constant 16 : index
        %get3A_1410 = tpu.vector_load %arg11[%get3A_1408, %get3A_1409] {strides = array<i32>} : memref<100x128xf32, #tpu.memory_space<vmem>>, vector<1x16xf32>,
        %get3A_1411 = vector.shape_cast %get3A_1410 : vector<1x16xf32> to vector<16xf32>
        %mul3A_1412 = arith.mulf %get3A_1411, %get3A_1399 : vector<16xf32>
        %add3A_1413 = arith.addf %add3A_1395, %mul3A_1412 : vector<16xf32>
        %get3A_1414 = arith.index_cast %scan3A_1375 : i32 to index
        %get3A_1415 = arith.constant 32 : index
        %get3A_1416 = tpu.vector_load %arg8[%get3A_1414, %get3A_1415] {strides = array<i32>} : memref<50x128xf32, #tpu.memory_space<vmem>>, vector<1x16xf32>,
        %get3A_1417 = vector.shape_cast %get3A_1416 : vector<1x16xf32> to vector<16xf32>
        %get3A_1418 = arith.index_cast %scan3A_1375 : i32 to index
        %get3A_1419 = arith.constant 32 : index
        %get3A_1420 = tpu.vector_load %arg11[%get3A_1418, %get3A_1419] {strides = array<i32>} : memref<100x128xf32, #tpu.memory_space<vmem>>, vector<1x16xf32>,
        %get3A_1421 = vector.shape_cast %get3A_1420 : vector<1x16xf32> to vector<16xf32>
        %mul3A_1422 = arith.mulf %get3A_1421, %get3A_1417 : vector<16xf32>
        %add3A_1423 = arith.addf %add3A_1405, %mul3A_1422 : vector<16xf32>
        %add3A_1424 = arith.constant 50 : i32
        %add3A_1425 = arith.addi %add3A_1424, %scan3A_1375 : i32
        %get3A_1426 = arith.index_cast %add3A_1425 : i32 to index
        %get3A_1427 = arith.constant 32 : index
        %get3A_1428 = tpu.vector_load %arg11[%get3A_1426, %get3A_1427] {strides = array<i32>} : memref<100x128xf32, #tpu.memory_space<vmem>>, vector<1x16xf32>,
        %get3A_1429 = vector.shape_cast %get3A_1428 : vector<1x16xf32> to vector<16xf32>
        %mul3A_1430 = arith.mulf %get3A_1429, %get3A_1417 : vector<16xf32>
        %add3A_1431 = arith.addf %add3A_1413, %mul3A_1430 : vector<16xf32>
        %get3A_1432 = arith.index_cast %scan3A_1375 : i32 to index
        %get3A_1433 = arith.constant 48 : index
        %get3A_1434 = tpu.vector_load %arg8[%get3A_1432, %get3A_1433] {strides = array<i32>} : memref<50x128xf32, #tpu.memory_space<vmem>>, vector<1x16xf32>,
        %get3A_1435 = vector.shape_cast %get3A_1434 : vector<1x16xf32> to vector<16xf32>
        %get3A_1436 = arith.index_cast %scan3A_1375 : i32 to index
        %get3A_1437 = arith.constant 48 : index
        %get3A_1438 = tpu.vector_load %arg11[%get3A_1436, %get3A_1437] {strides = array<i32>} : memref<100x128xf32, #tpu.memory_space<vmem>>, vector<1x16xf32>,
        %get3A_1439 = vector.shape_cast %get3A_1438 : vector<1x16xf32> to vector<16xf32>
        %mul3A_1440 = arith.mulf %get3A_1439, %get3A_1435 : vector<16xf32>
        %add3A_1441 = arith.addf %add3A_1423, %mul3A_1440 : vector<16xf32>
        %add3A_1442 = arith.constant 50 : i32
        %add3A_1443 = arith.addi %add3A_1442, %scan3A_1375 : i32
        %get3A_1444 = arith.index_cast %add3A_1443 : i32 to index
        %get3A_1445 = arith.constant 48 : index
        %get3A_1446 = tpu.vector_load %arg11[%get3A_1444, %get3A_1445] {strides = array<i32>} : memref<100x128xf32, #tpu.memory_space<vmem>>, vector<1x16xf32>,
        %get3A_1447 = vector.shape_cast %get3A_1446 : vector<1x16xf32> to vector<16xf32>
        %mul3A_1448 = arith.mulf %get3A_1447, %get3A_1435 : vector<16xf32>
        %add3A_1449 = arith.addf %add3A_1431, %mul3A_1448 : vector<16xf32>
        %get3A_1450 = arith.index_cast %scan3A_1375 : i32 to index
        %get3A_1451 = arith.constant 64 : index
        %get3A_1452 = tpu.vector_load %arg8[%get3A_1450, %get3A_1451] {strides = array<i32>} : memref<50x128xf32, #tpu.memory_space<vmem>>, vector<1x16xf32>,
        %get3A_1453 = vector.shape_cast %get3A_1452 : vector<1x16xf32> to vector<16xf32>
        %get3A_1454 = arith.index_cast %scan3A_1375 : i32 to index
        %get3A_1455 = arith.constant 64 : index
        %get3A_1456 = tpu.vector_load %arg11[%get3A_1454, %get3A_1455] {strides = array<i32>} : memref<100x128xf32, #tpu.memory_space<vmem>>, vector<1x16xf32>,
        %get3A_1457 = vector.shape_cast %get3A_1456 : vector<1x16xf32> to vector<16xf32>
        %mul3A_1458 = arith.mulf %get3A_1457, %get3A_1453 : vector<16xf32>
        %add3A_1459 = arith.addf %add3A_1441, %mul3A_1458 : vector<16xf32>
        %add3A_1460 = arith.constant 50 : i32
        %add3A_1461 = arith.addi %add3A_1460, %scan3A_1375 : i32
        %get3A_1462 = arith.index_cast %add3A_1461 : i32 to index
        %get3A_1463 = arith.constant 64 : index
        %get3A_1464 = tpu.vector_load %arg11[%get3A_1462, %get3A_1463] {strides = array<i32>} : memref<100x128xf32, #tpu.memory_space<vmem>>, vector<1x16xf32>,
        %get3A_1465 = vector.shape_cast %get3A_1464 : vector<1x16xf32> to vector<16xf32>
        %mul3A_1466 = arith.mulf %get3A_1465, %get3A_1453 : vector<16xf32>
        %add3A_1467 = arith.addf %add3A_1449, %mul3A_1466 : vector<16xf32>
        %get3A_1468 = arith.index_cast %scan3A_1375 : i32 to index
        %get3A_1469 = arith.constant 80 : index
        %get3A_1470 = tpu.vector_load %arg8[%get3A_1468, %get3A_1469] {strides = array<i32>} : memref<50x128xf32, #tpu.memory_space<vmem>>, vector<1x16xf32>,
        %get3A_1471 = vector.shape_cast %get3A_1470 : vector<1x16xf32> to vector<16xf32>
        %get3A_1472 = arith.index_cast %scan3A_1375 : i32 to index
        %get3A_1473 = arith.constant 80 : index
        %get3A_1474 = tpu.vector_load %arg11[%get3A_1472, %get3A_1473] {strides = array<i32>} : memref<100x128xf32, #tpu.memory_space<vmem>>, vector<1x16xf32>,
        %get3A_1475 = vector.shape_cast %get3A_1474 : vector<1x16xf32> to vector<16xf32>
        %mul3A_1476 = arith.mulf %get3A_1475, %get3A_1471 : vector<16xf32>
        %add3A_1477 = arith.addf %add3A_1459, %mul3A_1476 : vector<16xf32>
        %add3A_1478 = arith.constant 50 : i32
        %add3A_1479 = arith.addi %add3A_1478, %scan3A_1375 : i32
        %get3A_1480 = arith.index_cast %add3A_1479 : i32 to index
        %get3A_1481 = arith.constant 80 : index
        %get3A_1482 = tpu.vector_load %arg11[%get3A_1480, %get3A_1481] {strides = array<i32>} : memref<100x128xf32, #tpu.memory_space<vmem>>, vector<1x16xf32>,
        %get3A_1483 = vector.shape_cast %get3A_1482 : vector<1x16xf32> to vector<16xf32>
        %mul3A_1484 = arith.mulf %get3A_1483, %get3A_1471 : vector<16xf32>
        %add3A_1485 = arith.addf %add3A_1467, %mul3A_1484 : vector<16xf32>
        %get3A_1486 = arith.index_cast %scan3A_1375 : i32 to index
        %get3A_1487 = arith.constant 96 : index
        %get3A_1488 = tpu.vector_load %arg8[%get3A_1486, %get3A_1487] {strides = array<i32>} : memref<50x128xf32, #tpu.memory_space<vmem>>, vector<1x16xf32>,
        %get3A_1489 = vector.shape_cast %get3A_1488 : vector<1x16xf32> to vector<16xf32>
        %get3A_1490 = arith.index_cast %scan3A_1375 : i32 to index
        %get3A_1491 = arith.constant 96 : index
        %get3A_1492 = tpu.vector_load %arg11[%get3A_1490, %get3A_1491] {strides = array<i32>} : memref<100x128xf32, #tpu.memory_space<vmem>>, vector<1x16xf32>,
        %get3A_1493 = vector.shape_cast %get3A_1492 : vector<1x16xf32> to vector<16xf32>
        %mul3A_1494 = arith.mulf %get3A_1493, %get3A_1489 : vector<16xf32>
        %add3A_1495 = arith.addf %add3A_1477, %mul3A_1494 : vector<16xf32>
        %add3A_1496 = arith.constant 50 : i32
        %add3A_1497 = arith.addi %add3A_1496, %scan3A_1375 : i32
        %get3A_1498 = arith.index_cast %add3A_1497 : i32 to index
        %get3A_1499 = arith.constant 96 : index
        %get3A_1500 = tpu.vector_load %arg11[%get3A_1498, %get3A_1499] {strides = array<i32>} : memref<100x128xf32, #tpu.memory_space<vmem>>, vector<1x16xf32>,
        %get3A_1501 = vector.shape_cast %get3A_1500 : vector<1x16xf32> to vector<16xf32>
        %mul3A_1502 = arith.mulf %get3A_1501, %get3A_1489 : vector<16xf32>
        %add3A_1503 = arith.addf %add3A_1485, %mul3A_1502 : vector<16xf32>
        %get3A_1504 = arith.index_cast %scan3A_1375 : i32 to index
        %get3A_1505 = arith.constant 112 : index
        %get3A_1506 = tpu.vector_load %arg8[%get3A_1504, %get3A_1505] {strides = array<i32>} : memref<50x128xf32, #tpu.memory_space<vmem>>, vector<1x16xf32>,
        %get3A_1507 = vector.shape_cast %get3A_1506 : vector<1x16xf32> to vector<16xf32>
        %get3A_1508 = arith.index_cast %scan3A_1375 : i32 to index
        %get3A_1509 = arith.constant 112 : index
        %get3A_1510 = tpu.vector_load %arg11[%get3A_1508, %get3A_1509] {strides = array<i32>} : memref<100x128xf32, #tpu.memory_space<vmem>>, vector<1x16xf32>,
        %get3A_1511 = vector.shape_cast %get3A_1510 : vector<1x16xf32> to vector<16xf32>
        %mul3A_1512 = arith.mulf %get3A_1511, %get3A_1507 : vector<16xf32>
        %add3A_1513 = arith.addf %add3A_1495, %mul3A_1512 : vector<16xf32>
        %add3A_1514 = arith.constant 50 : i32
        %add3A_1515 = arith.addi %add3A_1514, %scan3A_1375 : i32
        %get3A_1516 = arith.index_cast %add3A_1515 : i32 to index
        %get3A_1517 = arith.constant 112 : index
        %get3A_1518 = tpu.vector_load %arg11[%get3A_1516, %get3A_1517] {strides = array<i32>} : memref<100x128xf32, #tpu.memory_space<vmem>>, vector<1x16xf32>,
        %get3A_1519 = vector.shape_cast %get3A_1518 : vector<1x16xf32> to vector<16xf32>
        %mul3A_1520 = arith.mulf %get3A_1519, %get3A_1507 : vector<16xf32>
        %add3A_1521 = arith.addf %add3A_1503, %mul3A_1520 : vector<16xf32>
        scf.yield %add3A_1513, %add3A_1521 : vector<16xf32>, vector<16xf32>
      }
      %scan3A_55 = arith.constant 50 : i32
      %eq3A = arith.constant 0 : i32
      %eq3A_56 = vector.broadcast %eq3A : i32 to vector<16xi32>
      %eq3A_57 = arith.cmpi eq, %iota3A, %eq3A_56 : vector<16xi32>
      %add3A_58 = arith.constant 8 : i32
      %add3A_59 = vector.broadcast %add3A_58 : i32 to vector<16xi32>
      %add3A_60 = arith.addi %iota3A, %add3A_59 : vector<16xi32>
      %and3A = arith.constant 15 : i32
      %and3A_61 = vector.broadcast %and3A : i32 to vector<16xi32>
      %and3A_62 = arith.andi %add3A_60, %and3A_61 : vector<16xi32>
      %lt3A = arith.constant 0 : i32
      %lt3A_63 = vector.broadcast %lt3A : i32 to vector<16xi32>
      %lt3A_64 = arith.cmpi slt, %and3A_62, %lt3A_63 : vector<16xi32>
      %add3A_65 = arith.constant 16 : i32
      %add3A_66 = vector.broadcast %add3A_65 : i32 to vector<16xi32>
      %add3A_67 = arith.addi %and3A_62, %add3A_66 : vector<16xi32>
      %select_n3A = arith.select %lt3A_64, %add3A_67, %and3A_62 : vector<16xi1>, vector<16xi32>
      %broadcast_in_dim3A_68 = vector.shape_cast %select_n3A : vector<16xi32> to vector<16x1xi32>
      %gather3A = vector.shape_cast %broadcast_in_dim3A_68 : vector<16x1xi32> to vector<16xi32>
      %gather3A_69 = tpu.dynamic_gather %scan3A_54#0[%gather3A] in [0] : vector<16xf32>, vector<16xi32> -> vector<16xf32>
      %add3A_70 = arith.addf %scan3A_54#0, %gather3A_69 : vector<16xf32>
      %add3A_71 = arith.constant 4 : i32
      %add3A_72 = vector.broadcast %add3A_71 : i32 to vector<16xi32>
      %add3A_73 = arith.addi %iota3A, %add3A_72 : vector<16xi32>
      %and3A_74 = arith.constant 15 : i32
      %and3A_75 = vector.broadcast %and3A_74 : i32 to vector<16xi32>
      %and3A_76 = arith.andi %add3A_73, %and3A_75 : vector<16xi32>
      %lt3A_77 = arith.constant 0 : i32
      %lt3A_78 = vector.broadcast %lt3A_77 : i32 to vector<16xi32>
      %lt3A_79 = arith.cmpi slt, %and3A_76, %lt3A_78 : vector<16xi32>
      %add3A_80 = arith.constant 16 : i32
      %add3A_81 = vector.broadcast %add3A_80 : i32 to vector<16xi32>
      %add3A_82 = arith.addi %and3A_76, %add3A_81 : vector<16xi32>
      %select_n3A_83 = arith.select %lt3A_79, %add3A_82, %and3A_76 : vector<16xi1>, vector<16xi32>
      %broadcast_in_dim3A_84 = vector.shape_cast %select_n3A_83 : vector<16xi32> to vector<16x1xi32>
      %gather3A_85 = vector.shape_cast %broadcast_in_dim3A_84 : vector<16x1xi32> to vector<16xi32>
      %gather3A_86 = tpu.dynamic_gather %add3A_70[%gather3A_85] in [0] : vector<16xf32>, vector<16xi32> -> vector<16xf32>
      %add3A_87 = arith.addf %add3A_70, %gather3A_86 : vector<16xf32>
      %add3A_88 = arith.constant 2 : i32
      %add3A_89 = vector.broadcast %add3A_88 : i32 to vector<16xi32>
      %add3A_90 = arith.addi %iota3A, %add3A_89 : vector<16xi32>
      %and3A_91 = arith.constant 15 : i32
      %and3A_92 = vector.broadcast %and3A_91 : i32 to vector<16xi32>
      %and3A_93 = arith.andi %add3A_90, %and3A_92 : vector<16xi32>
      %lt3A_94 = arith.constant 0 : i32
      %lt3A_95 = vector.broadcast %lt3A_94 : i32 to vector<16xi32>
      %lt3A_96 = arith.cmpi slt, %and3A_93, %lt3A_95 : vector<16xi32>
      %add3A_97 = arith.constant 16 : i32
      %add3A_98 = vector.broadcast %add3A_97 : i32 to vector<16xi32>
      %add3A_99 = arith.addi %and3A_93, %add3A_98 : vector<16xi32>
      %select_n3A_100 = arith.select %lt3A_96, %add3A_99, %and3A_93 : vector<16xi1>, vector<16xi32>
      %broadcast_in_dim3A_101 = vector.shape_cast %select_n3A_100 : vector<16xi32> to vector<16x1xi32>
      %gather3A_102 = vector.shape_cast %broadcast_in_dim3A_101 : vector<16x1xi32> to vector<16xi32>
      %gather3A_103 = tpu.dynamic_gather %add3A_87[%gather3A_102] in [0] : vector<16xf32>, vector<16xi32> -> vector<16xf32>
      %add3A_104 = arith.addf %add3A_87, %gather3A_103 : vector<16xf32>
      %add3A_105 = arith.constant 1 : i32
      %add3A_106 = vector.broadcast %add3A_105 : i32 to vector<16xi32>
      %add3A_107 = arith.addi %iota3A, %add3A_106 : vector<16xi32>
      %and3A_108 = arith.constant 15 : i32
      %and3A_109 = vector.broadcast %and3A_108 : i32 to vector<16xi32>
      %and3A_110 = arith.andi %add3A_107, %and3A_109 : vector<16xi32>
      %lt3A_111 = arith.constant 0 : i32
      %lt3A_112 = vector.broadcast %lt3A_111 : i32 to vector<16xi32>
      %lt3A_113 = arith.cmpi slt, %and3A_110, %lt3A_112 : vector<16xi32>
      %add3A_114 = arith.constant 16 : i32
      %add3A_115 = vector.broadcast %add3A_114 : i32 to vector<16xi32>
      %add3A_116 = arith.addi %and3A_110, %add3A_115 : vector<16xi32>
      %select_n3A_117 = arith.select %lt3A_113, %add3A_116, %and3A_110 : vector<16xi1>, vector<16xi32>
      %broadcast_in_dim3A_118 = vector.shape_cast %select_n3A_117 : vector<16xi32> to vector<16x1xi32>
      %gather3A_119 = vector.shape_cast %broadcast_in_dim3A_118 : vector<16x1xi32> to vector<16xi32>
      %gather3A_120 = tpu.dynamic_gather %add3A_104[%gather3A_119] in [0] : vector<16xf32>, vector<16xi32> -> vector<16xf32>
      %add3A_121 = arith.addf %add3A_104, %gather3A_120 : vector<16xf32>
      %select_n3A_122 = arith.select %eq3A_57, %add3A_121, %broadcast_in_dim3A_30 : vector<16xi1>, vector<16xf32>
      %eq3A_123 = arith.constant 1 : i32
      %eq3A_124 = vector.broadcast %eq3A_123 : i32 to vector<16xi32>
      %eq3A_125 = arith.cmpi eq, %iota3A, %eq3A_124 : vector<16xi32>
      %add3A_126 = arith.constant 8 : i32
      %add3A_127 = vector.broadcast %add3A_126 : i32 to vector<16xi32>
      %add3A_128 = arith.addi %iota3A, %add3A_127 : vector<16xi32>
      %and3A_129 = arith.constant 15 : i32
      %and3A_130 = vector.broadcast %and3A_129 : i32 to vector<16xi32>
      %and3A_131 = arith.andi %add3A_128, %and3A_130 : vector<16xi32>
      %lt3A_132 = arith.constant 0 : i32
      %lt3A_133 = vector.broadcast %lt3A_132 : i32 to vector<16xi32>
      %lt3A_134 = arith.cmpi slt, %and3A_131, %lt3A_133 : vector<16xi32>
      %add3A_135 = arith.constant 16 : i32
      %add3A_136 = vector.broadcast %add3A_135 : i32 to vector<16xi32>
      %add3A_137 = arith.addi %and3A_131, %add3A_136 : vector<16xi32>
      %select_n3A_138 = arith.select %lt3A_134, %add3A_137, %and3A_131 : vector<16xi1>, vector<16xi32>
      %broadcast_in_dim3A_139 = vector.shape_cast %select_n3A_138 : vector<16xi32> to vector<16x1xi32>
      %gather3A_140 = vector.shape_cast %broadcast_in_dim3A_139 : vector<16x1xi32> to vector<16xi32>
      %gather3A_141 = tpu.dynamic_gather %scan3A_54#1[%gather3A_140] in [0] : vector<16xf32>, vector<16xi32> -> vector<16xf32>
      %add3A_142 = arith.addf %scan3A_54#1, %gather3A_141 : vector<16xf32>
      %add3A_143 = arith.constant 4 : i32
      %add3A_144 = vector.broadcast %add3A_143 : i32 to vector<16xi32>
      %add3A_145 = arith.addi %iota3A, %add3A_144 : vector<16xi32>
      %and3A_146 = arith.constant 15 : i32
      %and3A_147 = vector.broadcast %and3A_146 : i32 to vector<16xi32>
      %and3A_148 = arith.andi %add3A_145, %and3A_147 : vector<16xi32>
      %lt3A_149 = arith.constant 0 : i32
      %lt3A_150 = vector.broadcast %lt3A_149 : i32 to vector<16xi32>
      %lt3A_151 = arith.cmpi slt, %and3A_148, %lt3A_150 : vector<16xi32>
      %add3A_152 = arith.constant 16 : i32
      %add3A_153 = vector.broadcast %add3A_152 : i32 to vector<16xi32>
      %add3A_154 = arith.addi %and3A_148, %add3A_153 : vector<16xi32>
      %select_n3A_155 = arith.select %lt3A_151, %add3A_154, %and3A_148 : vector<16xi1>, vector<16xi32>
      %broadcast_in_dim3A_156 = vector.shape_cast %select_n3A_155 : vector<16xi32> to vector<16x1xi32>
      %gather3A_157 = vector.shape_cast %broadcast_in_dim3A_156 : vector<16x1xi32> to vector<16xi32>
      %gather3A_158 = tpu.dynamic_gather %add3A_142[%gather3A_157] in [0] : vector<16xf32>, vector<16xi32> -> vector<16xf32>
      %add3A_159 = arith.addf %add3A_142, %gather3A_158 : vector<16xf32>
      %add3A_160 = arith.constant 2 : i32
      %add3A_161 = vector.broadcast %add3A_160 : i32 to vector<16xi32>
      %add3A_162 = arith.addi %iota3A, %add3A_161 : vector<16xi32>
      %and3A_163 = arith.constant 15 : i32
      %and3A_164 = vector.broadcast %and3A_163 : i32 to vector<16xi32>
      %and3A_165 = arith.andi %add3A_162, %and3A_164 : vector<16xi32>
      %lt3A_166 = arith.constant 0 : i32
      %lt3A_167 = vector.broadcast %lt3A_166 : i32 to vector<16xi32>
      %lt3A_168 = arith.cmpi slt, %and3A_165, %lt3A_167 : vector<16xi32>
      %add3A_169 = arith.constant 16 : i32
      %add3A_170 = vector.broadcast %add3A_169 : i32 to vector<16xi32>
      %add3A_171 = arith.addi %and3A_165, %add3A_170 : vector<16xi32>
      %select_n3A_172 = arith.select %lt3A_168, %add3A_171, %and3A_165 : vector<16xi1>, vector<16xi32>
      %broadcast_in_dim3A_173 = vector.shape_cast %select_n3A_172 : vector<16xi32> to vector<16x1xi32>
      %gather3A_174 = vector.shape_cast %broadcast_in_dim3A_173 : vector<16x1xi32> to vector<16xi32>
      %gather3A_175 = tpu.dynamic_gather %add3A_159[%gather3A_174] in [0] : vector<16xf32>, vector<16xi32> -> vector<16xf32>
      %add3A_176 = arith.addf %add3A_159, %gather3A_175 : vector<16xf32>
      %add3A_177 = arith.constant 1 : i32
      %add3A_178 = vector.broadcast %add3A_177 : i32 to vector<16xi32>
      %add3A_179 = arith.addi %iota3A, %add3A_178 : vector<16xi32>
      %and3A_180 = arith.constant 15 : i32
      %and3A_181 = vector.broadcast %and3A_180 : i32 to vector<16xi32>
      %and3A_182 = arith.andi %add3A_179, %and3A_181 : vector<16xi32>
      %lt3A_183 = arith.constant 0 : i32
      %lt3A_184 = vector.broadcast %lt3A_183 : i32 to vector<16xi32>
      %lt3A_185 = arith.cmpi slt, %and3A_182, %lt3A_184 : vector<16xi32>
      %add3A_186 = arith.constant 16 : i32
      %add3A_187 = vector.broadcast %add3A_186 : i32 to vector<16xi32>
      %add3A_188 = arith.addi %and3A_182, %add3A_187 : vector<16xi32>
      %select_n3A_189 = arith.select %lt3A_185, %add3A_188, %and3A_182 : vector<16xi1>, vector<16xi32>
      %broadcast_in_dim3A_190 = vector.shape_cast %select_n3A_189 : vector<16xi32> to vector<16x1xi32>
      %gather3A_191 = vector.shape_cast %broadcast_in_dim3A_190 : vector<16x1xi32> to vector<16xi32>
      %gather3A_192 = tpu.dynamic_gather %add3A_176[%gather3A_191] in [0] : vector<16xf32>, vector<16xi32> -> vector<16xf32>
      %add3A_193 = arith.addf %add3A_176, %gather3A_192 : vector<16xf32>
      %select_n3A_194 = arith.select %eq3A_125, %add3A_193, %select_n3A_122 : vector<16xi1>, vector<16xf32>
      %add3A_195 = arith.constant 4 : i32
      %add3A_196 = arith.addi %add3A_44, %add3A_195 : i32
      %lt3A_197 = arith.constant 256 : i32
      %lt3A_198 = arith.cmpi slt, %add3A_196, %lt3A_197 : i32
      %convert_element_type3A = arith.extui %lt3A_198 : i1 to i32
      %cond3A = arith.constant 0 : i32
      %cond3A_199 = arith.cmpi ne, %convert_element_type3A, %cond3A : i32
      scf.if %cond3A_199 {
        %dma_start3A_1375 = arith.constant 0 : i32
        %dma_start3A_1376 = tpu.memref_slice %arg7[%add3A_196, %dma_start3A_1375] : memref<256x100xi32, #tpu.memory_space<vmem>> -> memref<1x100xi32, #tpu.memory_space<vmem>>
        %dma_start3A_1377 = tpu.memref_squeeze %dma_start3A_1376 : memref<1x100xi32, #tpu.memory_space<vmem>> -> memref<100xi32, #tpu.memory_space<vmem>>
        %dma_start3A_1378 = arith.constant 0 : i32
        %dma_start3A_1379 = arith.constant 0 : i32
        %dma_start3A_1380 = tpu.memref_slice %arg5[%dma_start3A_1378, %dma_start3A_1379] : memref<1000000x128xf32, #tpu.memory_space<hbm>> -> memref<1000000x128xf32, #tpu.memory_space<hbm>>
        tpu.enqueue_indirect_dma source(%dma_start3A_1380 : memref<1000000x128xf32, #tpu.memory_space<hbm>>) target(%arg11 : memref<100x128xf32, #tpu.memory_space<vmem>>) offsets(%dma_start3A_1377 : memref<100xi32, #tpu.memory_space<vmem>>) semaphore(%arg15 : memref<!tpu.dma_semaphore, #tpu.memory_space<semaphore_mem>>)
      } else {
      }
      %mul3A_200 = arith.constant 8 : i32
      %mul3A_201 = arith.muli %scan3A_40, %mul3A_200 : i32
      %add3A_202 = arith.constant 1 : i32
      %add3A_203 = arith.addi %mul3A_201, %add3A_202 : i32
      %dma_wait3A_204 = arith.constant 0 : i32
      %dma_wait3A_205 = tpu.memref_slice %arg7[%add3A_203, %dma_wait3A_204] : memref<256x100xi32, #tpu.memory_space<vmem>> -> memref<1x100xi32, #tpu.memory_space<vmem>>
      %dma_wait3A_206 = tpu.memref_squeeze %dma_wait3A_205 : memref<1x100xi32, #tpu.memory_space<vmem>> -> memref<100xi32, #tpu.memory_space<vmem>>
      %dma_wait3A_207 = arith.constant 0 : i32
      %dma_wait3A_208 = arith.constant 0 : i32
      %dma_wait3A_209 = tpu.memref_slice %arg5[%dma_wait3A_207, %dma_wait3A_208] : memref<1000000x128xf32, #tpu.memory_space<hbm>> -> memref<1000000x128xf32, #tpu.memory_space<hbm>>
      tpu.wait_indirect_dma semaphore(%arg16 : memref<!tpu.dma_semaphore, #tpu.memory_space<semaphore_mem>>) src(%dma_wait3A_209 : memref<1000000x128xf32, #tpu.memory_space<hbm>>) dst(%arg12 : memref<100x128xf32, #tpu.memory_space<vmem>>)
      %scan3A_210 = arith.constant 0 : i32
      %scan3A_211 = arith.constant 50 : i32
      %scan3A_212 = arith.addi %scan3A_210, %scan3A_211 : i32
      %scan3A_213 = arith.constant 1 : i32
      %scan3A_214:2 = scf.for %scan3A_1375 = %scan3A_210 to %scan3A_212 step %scan3A_213 iter_args(%scan3A_1376 = %broadcast_in_dim3A_30, %scan3A_1377 = %broadcast_in_dim3A_30) -> (vector<16xf32>, vector<16xf32>)  : i32 {
        %get3A_1378 = arith.index_cast %scan3A_1375 : i32 to index
        %get3A_1379 = arith.constant 0 : index
        %get3A_1380 = tpu.vector_load %arg8[%get3A_1378, %get3A_1379] {strides = array<i32>} : memref<50x128xf32, #tpu.memory_space<vmem>>, vector<1x16xf32>,
        %get3A_1381 = vector.shape_cast %get3A_1380 : vector<1x16xf32> to vector<16xf32>
        %get3A_1382 = arith.index_cast %scan3A_1375 : i32 to index
        %get3A_1383 = arith.constant 0 : index
        %get3A_1384 = tpu.vector_load %arg12[%get3A_1382, %get3A_1383] {strides = array<i32>} : memref<100x128xf32, #tpu.memory_space<vmem>>, vector<1x16xf32>,
        %get3A_1385 = vector.shape_cast %get3A_1384 : vector<1x16xf32> to vector<16xf32>
        %mul3A_1386 = arith.mulf %get3A_1385, %get3A_1381 : vector<16xf32>
        %add3A_1387 = arith.addf %scan3A_1376, %mul3A_1386 : vector<16xf32>
        %add3A_1388 = arith.constant 50 : i32
        %add3A_1389 = arith.addi %add3A_1388, %scan3A_1375 : i32
        %get3A_1390 = arith.index_cast %add3A_1389 : i32 to index
        %get3A_1391 = arith.constant 0 : index
        %get3A_1392 = tpu.vector_load %arg12[%get3A_1390, %get3A_1391] {strides = array<i32>} : memref<100x128xf32, #tpu.memory_space<vmem>>, vector<1x16xf32>,
        %get3A_1393 = vector.shape_cast %get3A_1392 : vector<1x16xf32> to vector<16xf32>
        %mul3A_1394 = arith.mulf %get3A_1393, %get3A_1381 : vector<16xf32>
        %add3A_1395 = arith.addf %scan3A_1377, %mul3A_1394 : vector<16xf32>
        %get3A_1396 = arith.index_cast %scan3A_1375 : i32 to index
        %get3A_1397 = arith.constant 16 : index
        %get3A_1398 = tpu.vector_load %arg8[%get3A_1396, %get3A_1397] {strides = array<i32>} : memref<50x128xf32, #tpu.memory_space<vmem>>, vector<1x16xf32>,
        %get3A_1399 = vector.shape_cast %get3A_1398 : vector<1x16xf32> to vector<16xf32>
        %get3A_1400 = arith.index_cast %scan3A_1375 : i32 to index
        %get3A_1401 = arith.constant 16 : index
        %get3A_1402 = tpu.vector_load %arg12[%get3A_1400, %get3A_1401] {strides = array<i32>} : memref<100x128xf32, #tpu.memory_space<vmem>>, vector<1x16xf32>,
        %get3A_1403 = vector.shape_cast %get3A_1402 : vector<1x16xf32> to vector<16xf32>
        %mul3A_1404 = arith.mulf %get3A_1403, %get3A_1399 : vector<16xf32>
        %add3A_1405 = arith.addf %add3A_1387, %mul3A_1404 : vector<16xf32>
        %add3A_1406 = arith.constant 50 : i32
        %add3A_1407 = arith.addi %add3A_1406, %scan3A_1375 : i32
        %get3A_1408 = arith.index_cast %add3A_1407 : i32 to index
        %get3A_1409 = arith.constant 16 : index
        %get3A_1410 = tpu.vector_load %arg12[%get3A_1408, %get3A_1409] {strides = array<i32>} : memref<100x128xf32, #tpu.memory_space<vmem>>, vector<1x16xf32>,
        %get3A_1411 = vector.shape_cast %get3A_1410 : vector<1x16xf32> to vector<16xf32>
        %mul3A_1412 = arith.mulf %get3A_1411, %get3A_1399 : vector<16xf32>
        %add3A_1413 = arith.addf %add3A_1395, %mul3A_1412 : vector<16xf32>
        %get3A_1414 = arith.index_cast %scan3A_1375 : i32 to index
        %get3A_1415 = arith.constant 32 : index
        %get3A_1416 = tpu.vector_load %arg8[%get3A_1414, %get3A_1415] {strides = array<i32>} : memref<50x128xf32, #tpu.memory_space<vmem>>, vector<1x16xf32>,
        %get3A_1417 = vector.shape_cast %get3A_1416 : vector<1x16xf32> to vector<16xf32>
        %get3A_1418 = arith.index_cast %scan3A_1375 : i32 to index
        %get3A_1419 = arith.constant 32 : index
        %get3A_1420 = tpu.vector_load %arg12[%get3A_1418, %get3A_1419] {strides = array<i32>} : memref<100x128xf32, #tpu.memory_space<vmem>>, vector<1x16xf32>,
        %get3A_1421 = vector.shape_cast %get3A_1420 : vector<1x16xf32> to vector<16xf32>
        %mul3A_1422 = arith.mulf %get3A_1421, %get3A_1417 : vector<16xf32>
        %add3A_1423 = arith.addf %add3A_1405, %mul3A_1422 : vector<16xf32>
        %add3A_1424 = arith.constant 50 : i32
        %add3A_1425 = arith.addi %add3A_1424, %scan3A_1375 : i32
        %get3A_1426 = arith.index_cast %add3A_1425 : i32 to index
        %get3A_1427 = arith.constant 32 : index
        %get3A_1428 = tpu.vector_load %arg12[%get3A_1426, %get3A_1427] {strides = array<i32>} : memref<100x128xf32, #tpu.memory_space<vmem>>, vector<1x16xf32>,
        %get3A_1429 = vector.shape_cast %get3A_1428 : vector<1x16xf32> to vector<16xf32>
        %mul3A_1430 = arith.mulf %get3A_1429, %get3A_1417 : vector<16xf32>
        %add3A_1431 = arith.addf %add3A_1413, %mul3A_1430 : vector<16xf32>
        %get3A_1432 = arith.index_cast %scan3A_1375 : i32 to index
        %get3A_1433 = arith.constant 48 : index
        %get3A_1434 = tpu.vector_load %arg8[%get3A_1432, %get3A_1433] {strides = array<i32>} : memref<50x128xf32, #tpu.memory_space<vmem>>, vector<1x16xf32>,
        %get3A_1435 = vector.shape_cast %get3A_1434 : vector<1x16xf32> to vector<16xf32>
        %get3A_1436 = arith.index_cast %scan3A_1375 : i32 to index
        %get3A_1437 = arith.constant 48 : index
        %get3A_1438 = tpu.vector_load %arg12[%get3A_1436, %get3A_1437] {strides = array<i32>} : memref<100x128xf32, #tpu.memory_space<vmem>>, vector<1x16xf32>,
        %get3A_1439 = vector.shape_cast %get3A_1438 : vector<1x16xf32> to vector<16xf32>
        %mul3A_1440 = arith.mulf %get3A_1439, %get3A_1435 : vector<16xf32>
        %add3A_1441 = arith.addf %add3A_1423, %mul3A_1440 : vector<16xf32>
        %add3A_1442 = arith.constant 50 : i32
        %add3A_1443 = arith.addi %add3A_1442, %scan3A_1375 : i32
        %get3A_1444 = arith.index_cast %add3A_1443 : i32 to index
        %get3A_1445 = arith.constant 48 : index
        %get3A_1446 = tpu.vector_load %arg12[%get3A_1444, %get3A_1445] {strides = array<i32>} : memref<100x128xf32, #tpu.memory_space<vmem>>, vector<1x16xf32>,
        %get3A_1447 = vector.shape_cast %get3A_1446 : vector<1x16xf32> to vector<16xf32>
        %mul3A_1448 = arith.mulf %get3A_1447, %get3A_1435 : vector<16xf32>
        %add3A_1449 = arith.addf %add3A_1431, %mul3A_1448 : vector<16xf32>
        %get3A_1450 = arith.index_cast %scan3A_1375 : i32 to index
        %get3A_1451 = arith.constant 64 : index
        %get3A_1452 = tpu.vector_load %arg8[%get3A_1450, %get3A_1451] {strides = array<i32>} : memref<50x128xf32, #tpu.memory_space<vmem>>, vector<1x16xf32>,
        %get3A_1453 = vector.shape_cast %get3A_1452 : vector<1x16xf32> to vector<16xf32>
        %get3A_1454 = arith.index_cast %scan3A_1375 : i32 to index
        %get3A_1455 = arith.constant 64 : index
        %get3A_1456 = tpu.vector_load %arg12[%get3A_1454, %get3A_1455] {strides = array<i32>} : memref<100x128xf32, #tpu.memory_space<vmem>>, vector<1x16xf32>,
        %get3A_1457 = vector.shape_cast %get3A_1456 : vector<1x16xf32> to vector<16xf32>
        %mul3A_1458 = arith.mulf %get3A_1457, %get3A_1453 : vector<16xf32>
        %add3A_1459 = arith.addf %add3A_1441, %mul3A_1458 : vector<16xf32>
        %add3A_1460 = arith.constant 50 : i32
        %add3A_1461 = arith.addi %add3A_1460, %scan3A_1375 : i32
        %get3A_1462 = arith.index_cast %add3A_1461 : i32 to index
        %get3A_1463 = arith.constant 64 : index
        %get3A_1464 = tpu.vector_load %arg12[%get3A_1462, %get3A_1463] {strides = array<i32>} : memref<100x128xf32, #tpu.memory_space<vmem>>, vector<1x16xf32>,
        %get3A_1465 = vector.shape_cast %get3A_1464 : vector<1x16xf32> to vector<16xf32>
        %mul3A_1466 = arith.mulf %get3A_1465, %get3A_1453 : vector<16xf32>
        %add3A_1467 = arith.addf %add3A_1449, %mul3A_1466 : vector<16xf32>
        %get3A_1468 = arith.index_cast %scan3A_1375 : i32 to index
        %get3A_1469 = arith.constant 80 : index
        %get3A_1470 = tpu.vector_load %arg8[%get3A_1468, %get3A_1469] {strides = array<i32>} : memref<50x128xf32, #tpu.memory_space<vmem>>, vector<1x16xf32>,
        %get3A_1471 = vector.shape_cast %get3A_1470 : vector<1x16xf32> to vector<16xf32>
        %get3A_1472 = arith.index_cast %scan3A_1375 : i32 to index
        %get3A_1473 = arith.constant 80 : index
        %get3A_1474 = tpu.vector_load %arg12[%get3A_1472, %get3A_1473] {strides = array<i32>} : memref<100x128xf32, #tpu.memory_space<vmem>>, vector<1x16xf32>,
        %get3A_1475 = vector.shape_cast %get3A_1474 : vector<1x16xf32> to vector<16xf32>
        %mul3A_1476 = arith.mulf %get3A_1475, %get3A_1471 : vector<16xf32>
        %add3A_1477 = arith.addf %add3A_1459, %mul3A_1476 : vector<16xf32>
        %add3A_1478 = arith.constant 50 : i32
        %add3A_1479 = arith.addi %add3A_1478, %scan3A_1375 : i32
        %get3A_1480 = arith.index_cast %add3A_1479 : i32 to index
        %get3A_1481 = arith.constant 80 : index
        %get3A_1482 = tpu.vector_load %arg12[%get3A_1480, %get3A_1481] {strides = array<i32>} : memref<100x128xf32, #tpu.memory_space<vmem>>, vector<1x16xf32>,
        %get3A_1483 = vector.shape_cast %get3A_1482 : vector<1x16xf32> to vector<16xf32>
        %mul3A_1484 = arith.mulf %get3A_1483, %get3A_1471 : vector<16xf32>
        %add3A_1485 = arith.addf %add3A_1467, %mul3A_1484 : vector<16xf32>
        %get3A_1486 = arith.index_cast %scan3A_1375 : i32 to index
        %get3A_1487 = arith.constant 96 : index
        %get3A_1488 = tpu.vector_load %arg8[%get3A_1486, %get3A_1487] {strides = array<i32>} : memref<50x128xf32, #tpu.memory_space<vmem>>, vector<1x16xf32>,
        %get3A_1489 = vector.shape_cast %get3A_1488 : vector<1x16xf32> to vector<16xf32>
        %get3A_1490 = arith.index_cast %scan3A_1375 : i32 to index
        %get3A_1491 = arith.constant 96 : index
        %get3A_1492 = tpu.vector_load %arg12[%get3A_1490, %get3A_1491] {strides = array<i32>} : memref<100x128xf32, #tpu.memory_space<vmem>>, vector<1x16xf32>,
        %get3A_1493 = vector.shape_cast %get3A_1492 : vector<1x16xf32> to vector<16xf32>
        %mul3A_1494 = arith.mulf %get3A_1493, %get3A_1489 : vector<16xf32>
        %add3A_1495 = arith.addf %add3A_1477, %mul3A_1494 : vector<16xf32>
        %add3A_1496 = arith.constant 50 : i32
        %add3A_1497 = arith.addi %add3A_1496, %scan3A_1375 : i32
        %get3A_1498 = arith.index_cast %add3A_1497 : i32 to index
        %get3A_1499 = arith.constant 96 : index
        %get3A_1500 = tpu.vector_load %arg12[%get3A_1498, %get3A_1499] {strides = array<i32>} : memref<100x128xf32, #tpu.memory_space<vmem>>, vector<1x16xf32>,
        %get3A_1501 = vector.shape_cast %get3A_1500 : vector<1x16xf32> to vector<16xf32>
        %mul3A_1502 = arith.mulf %get3A_1501, %get3A_1489 : vector<16xf32>
        %add3A_1503 = arith.addf %add3A_1485, %mul3A_1502 : vector<16xf32>
        %get3A_1504 = arith.index_cast %scan3A_1375 : i32 to index
        %get3A_1505 = arith.constant 112 : index
        %get3A_1506 = tpu.vector_load %arg8[%get3A_1504, %get3A_1505] {strides = array<i32>} : memref<50x128xf32, #tpu.memory_space<vmem>>, vector<1x16xf32>,
        %get3A_1507 = vector.shape_cast %get3A_1506 : vector<1x16xf32> to vector<16xf32>
        %get3A_1508 = arith.index_cast %scan3A_1375 : i32 to index
        %get3A_1509 = arith.constant 112 : index
        %get3A_1510 = tpu.vector_load %arg12[%get3A_1508, %get3A_1509] {strides = array<i32>} : memref<100x128xf32, #tpu.memory_space<vmem>>, vector<1x16xf32>,
        %get3A_1511 = vector.shape_cast %get3A_1510 : vector<1x16xf32> to vector<16xf32>
        %mul3A_1512 = arith.mulf %get3A_1511, %get3A_1507 : vector<16xf32>
        %add3A_1513 = arith.addf %add3A_1495, %mul3A_1512 : vector<16xf32>
        %add3A_1514 = arith.constant 50 : i32
        %add3A_1515 = arith.addi %add3A_1514, %scan3A_1375 : i32
        %get3A_1516 = arith.index_cast %add3A_1515 : i32 to index
        %get3A_1517 = arith.constant 112 : index
        %get3A_1518 = tpu.vector_load %arg12[%get3A_1516, %get3A_1517] {strides = array<i32>} : memref<100x128xf32, #tpu.memory_space<vmem>>, vector<1x16xf32>,
        %get3A_1519 = vector.shape_cast %get3A_1518 : vector<1x16xf32> to vector<16xf32>
        %mul3A_1520 = arith.mulf %get3A_1519, %get3A_1507 : vector<16xf32>
        %add3A_1521 = arith.addf %add3A_1503, %mul3A_1520 : vector<16xf32>
        scf.yield %add3A_1513, %add3A_1521 : vector<16xf32>, vector<16xf32>
      }
      %scan3A_215 = arith.constant 50 : i32
      %eq3A_216 = arith.constant 2 : i32
      %eq3A_217 = vector.broadcast %eq3A_216 : i32 to vector<16xi32>
      %eq3A_218 = arith.cmpi eq, %iota3A, %eq3A_217 : vector<16xi32>
      %add3A_219 = arith.constant 8 : i32
      %add3A_220 = vector.broadcast %add3A_219 : i32 to vector<16xi32>
      %add3A_221 = arith.addi %iota3A, %add3A_220 : vector<16xi32>
      %and3A_222 = arith.constant 15 : i32
      %and3A_223 = vector.broadcast %and3A_222 : i32 to vector<16xi32>
      %and3A_224 = arith.andi %add3A_221, %and3A_223 : vector<16xi32>
      %lt3A_225 = arith.constant 0 : i32
      %lt3A_226 = vector.broadcast %lt3A_225 : i32 to vector<16xi32>
      %lt3A_227 = arith.cmpi slt, %and3A_224, %lt3A_226 : vector<16xi32>
      %add3A_228 = arith.constant 16 : i32
      %add3A_229 = vector.broadcast %add3A_228 : i32 to vector<16xi32>
      %add3A_230 = arith.addi %and3A_224, %add3A_229 : vector<16xi32>
      %select_n3A_231 = arith.select %lt3A_227, %add3A_230, %and3A_224 : vector<16xi1>, vector<16xi32>
      %broadcast_in_dim3A_232 = vector.shape_cast %select_n3A_231 : vector<16xi32> to vector<16x1xi32>
      %gather3A_233 = vector.shape_cast %broadcast_in_dim3A_232 : vector<16x1xi32> to vector<16xi32>
      %gather3A_234 = tpu.dynamic_gather %scan3A_214#0[%gather3A_233] in [0] : vector<16xf32>, vector<16xi32> -> vector<16xf32>
      %add3A_235 = arith.addf %scan3A_214#0, %gather3A_234 : vector<16xf32>
      %add3A_236 = arith.constant 4 : i32
      %add3A_237 = vector.broadcast %add3A_236 : i32 to vector<16xi32>
      %add3A_238 = arith.addi %iota3A, %add3A_237 : vector<16xi32>
      %and3A_239 = arith.constant 15 : i32
      %and3A_240 = vector.broadcast %and3A_239 : i32 to vector<16xi32>
      %and3A_241 = arith.andi %add3A_238, %and3A_240 : vector<16xi32>
      %lt3A_242 = arith.constant 0 : i32
      %lt3A_243 = vector.broadcast %lt3A_242 : i32 to vector<16xi32>
      %lt3A_244 = arith.cmpi slt, %and3A_241, %lt3A_243 : vector<16xi32>
      %add3A_245 = arith.constant 16 : i32
      %add3A_246 = vector.broadcast %add3A_245 : i32 to vector<16xi32>
      %add3A_247 = arith.addi %and3A_241, %add3A_246 : vector<16xi32>
      %select_n3A_248 = arith.select %lt3A_244, %add3A_247, %and3A_241 : vector<16xi1>, vector<16xi32>
      %broadcast_in_dim3A_249 = vector.shape_cast %select_n3A_248 : vector<16xi32> to vector<16x1xi32>
      %gather3A_250 = vector.shape_cast %broadcast_in_dim3A_249 : vector<16x1xi32> to vector<16xi32>
      %gather3A_251 = tpu.dynamic_gather %add3A_235[%gather3A_250] in [0] : vector<16xf32>, vector<16xi32> -> vector<16xf32>
      %add3A_252 = arith.addf %add3A_235, %gather3A_251 : vector<16xf32>
      %add3A_253 = arith.constant 2 : i32
      %add3A_254 = vector.broadcast %add3A_253 : i32 to vector<16xi32>
      %add3A_255 = arith.addi %iota3A, %add3A_254 : vector<16xi32>
      %and3A_256 = arith.constant 15 : i32
      %and3A_257 = vector.broadcast %and3A_256 : i32 to vector<16xi32>
      %and3A_258 = arith.andi %add3A_255, %and3A_257 : vector<16xi32>
      %lt3A_259 = arith.constant 0 : i32
      %lt3A_260 = vector.broadcast %lt3A_259 : i32 to vector<16xi32>
      %lt3A_261 = arith.cmpi slt, %and3A_258, %lt3A_260 : vector<16xi32>
      %add3A_262 = arith.constant 16 : i32
      %add3A_263 = vector.broadcast %add3A_262 : i32 to vector<16xi32>
      %add3A_264 = arith.addi %and3A_258, %add3A_263 : vector<16xi32>
      %select_n3A_265 = arith.select %lt3A_261, %add3A_264, %and3A_258 : vector<16xi1>, vector<16xi32>
      %broadcast_in_dim3A_266 = vector.shape_cast %select_n3A_265 : vector<16xi32> to vector<16x1xi32>
      %gather3A_267 = vector.shape_cast %broadcast_in_dim3A_266 : vector<16x1xi32> to vector<16xi32>
      %gather3A_268 = tpu.dynamic_gather %add3A_252[%gather3A_267] in [0] : vector<16xf32>, vector<16xi32> -> vector<16xf32>
      %add3A_269 = arith.addf %add3A_252, %gather3A_268 : vector<16xf32>
      %add3A_270 = arith.constant 1 : i32
      %add3A_271 = vector.broadcast %add3A_270 : i32 to vector<16xi32>
      %add3A_272 = arith.addi %iota3A, %add3A_271 : vector<16xi32>
      %and3A_273 = arith.constant 15 : i32
      %and3A_274 = vector.broadcast %and3A_273 : i32 to vector<16xi32>
      %and3A_275 = arith.andi %add3A_272, %and3A_274 : vector<16xi32>
      %lt3A_276 = arith.constant 0 : i32
      %lt3A_277 = vector.broadcast %lt3A_276 : i32 to vector<16xi32>
      %lt3A_278 = arith.cmpi slt, %and3A_275, %lt3A_277 : vector<16xi32>
      %add3A_279 = arith.constant 16 : i32
      %add3A_280 = vector.broadcast %add3A_279 : i32 to vector<16xi32>
      %add3A_281 = arith.addi %and3A_275, %add3A_280 : vector<16xi32>
      %select_n3A_282 = arith.select %lt3A_278, %add3A_281, %and3A_275 : vector<16xi1>, vector<16xi32>
      %broadcast_in_dim3A_283 = vector.shape_cast %select_n3A_282 : vector<16xi32> to vector<16x1xi32>
      %gather3A_284 = vector.shape_cast %broadcast_in_dim3A_283 : vector<16x1xi32> to vector<16xi32>
      %gather3A_285 = tpu.dynamic_gather %add3A_269[%gather3A_284] in [0] : vector<16xf32>, vector<16xi32> -> vector<16xf32>
      %add3A_286 = arith.addf %add3A_269, %gather3A_285 : vector<16xf32>
      %select_n3A_287 = arith.select %eq3A_218, %add3A_286, %select_n3A_194 : vector<16xi1>, vector<16xf32>
      %eq3A_288 = arith.constant 3 : i32
      %eq3A_289 = vector.broadcast %eq3A_288 : i32 to vector<16xi32>
      %eq3A_290 = arith.cmpi eq, %iota3A, %eq3A_289 : vector<16xi32>
      %add3A_291 = arith.constant 8 : i32
      %add3A_292 = vector.broadcast %add3A_291 : i32 to vector<16xi32>
      %add3A_293 = arith.addi %iota3A, %add3A_292 : vector<16xi32>
      %and3A_294 = arith.constant 15 : i32
      %and3A_295 = vector.broadcast %and3A_294 : i32 to vector<16xi32>
      %and3A_296 = arith.andi %add3A_293, %and3A_295 : vector<16xi32>
      %lt3A_297 = arith.constant 0 : i32
      %lt3A_298 = vector.broadcast %lt3A_297 : i32 to vector<16xi32>
      %lt3A_299 = arith.cmpi slt, %and3A_296, %lt3A_298 : vector<16xi32>
      %add3A_300 = arith.constant 16 : i32
      %add3A_301 = vector.broadcast %add3A_300 : i32 to vector<16xi32>
      %add3A_302 = arith.addi %and3A_296, %add3A_301 : vector<16xi32>
      %select_n3A_303 = arith.select %lt3A_299, %add3A_302, %and3A_296 : vector<16xi1>, vector<16xi32>
      %broadcast_in_dim3A_304 = vector.shape_cast %select_n3A_303 : vector<16xi32> to vector<16x1xi32>
      %gather3A_305 = vector.shape_cast %broadcast_in_dim3A_304 : vector<16x1xi32> to vector<16xi32>
      %gather3A_306 = tpu.dynamic_gather %scan3A_214#1[%gather3A_305] in [0] : vector<16xf32>, vector<16xi32> -> vector<16xf32>
      %add3A_307 = arith.addf %scan3A_214#1, %gather3A_306 : vector<16xf32>
      %add3A_308 = arith.constant 4 : i32
      %add3A_309 = vector.broadcast %add3A_308 : i32 to vector<16xi32>
      %add3A_310 = arith.addi %iota3A, %add3A_309 : vector<16xi32>
      %and3A_311 = arith.constant 15 : i32
      %and3A_312 = vector.broadcast %and3A_311 : i32 to vector<16xi32>
      %and3A_313 = arith.andi %add3A_310, %and3A_312 : vector<16xi32>
      %lt3A_314 = arith.constant 0 : i32
      %lt3A_315 = vector.broadcast %lt3A_314 : i32 to vector<16xi32>
      %lt3A_316 = arith.cmpi slt, %and3A_313, %lt3A_315 : vector<16xi32>
      %add3A_317 = arith.constant 16 : i32
      %add3A_318 = vector.broadcast %add3A_317 : i32 to vector<16xi32>
      %add3A_319 = arith.addi %and3A_313, %add3A_318 : vector<16xi32>
      %select_n3A_320 = arith.select %lt3A_316, %add3A_319, %and3A_313 : vector<16xi1>, vector<16xi32>
      %broadcast_in_dim3A_321 = vector.shape_cast %select_n3A_320 : vector<16xi32> to vector<16x1xi32>
      %gather3A_322 = vector.shape_cast %broadcast_in_dim3A_321 : vector<16x1xi32> to vector<16xi32>
      %gather3A_323 = tpu.dynamic_gather %add3A_307[%gather3A_322] in [0] : vector<16xf32>, vector<16xi32> -> vector<16xf32>
      %add3A_324 = arith.addf %add3A_307, %gather3A_323 : vector<16xf32>
      %add3A_325 = arith.constant 2 : i32
      %add3A_326 = vector.broadcast %add3A_325 : i32 to vector<16xi32>
      %add3A_327 = arith.addi %iota3A, %add3A_326 : vector<16xi32>
      %and3A_328 = arith.constant 15 : i32
      %and3A_329 = vector.broadcast %and3A_328 : i32 to vector<16xi32>
      %and3A_330 = arith.andi %add3A_327, %and3A_329 : vector<16xi32>
      %lt3A_331 = arith.constant 0 : i32
      %lt3A_332 = vector.broadcast %lt3A_331 : i32 to vector<16xi32>
      %lt3A_333 = arith.cmpi slt, %and3A_330, %lt3A_332 : vector<16xi32>
      %add3A_334 = arith.constant 16 : i32
      %add3A_335 = vector.broadcast %add3A_334 : i32 to vector<16xi32>
      %add3A_336 = arith.addi %and3A_330, %add3A_335 : vector<16xi32>
      %select_n3A_337 = arith.select %lt3A_333, %add3A_336, %and3A_330 : vector<16xi1>, vector<16xi32>
      %broadcast_in_dim3A_338 = vector.shape_cast %select_n3A_337 : vector<16xi32> to vector<16x1xi32>
      %gather3A_339 = vector.shape_cast %broadcast_in_dim3A_338 : vector<16x1xi32> to vector<16xi32>
      %gather3A_340 = tpu.dynamic_gather %add3A_324[%gather3A_339] in [0] : vector<16xf32>, vector<16xi32> -> vector<16xf32>
      %add3A_341 = arith.addf %add3A_324, %gather3A_340 : vector<16xf32>
      %add3A_342 = arith.constant 1 : i32
      %add3A_343 = vector.broadcast %add3A_342 : i32 to vector<16xi32>
      %add3A_344 = arith.addi %iota3A, %add3A_343 : vector<16xi32>
      %and3A_345 = arith.constant 15 : i32
      %and3A_346 = vector.broadcast %and3A_345 : i32 to vector<16xi32>
      %and3A_347 = arith.andi %add3A_344, %and3A_346 : vector<16xi32>
      %lt3A_348 = arith.constant 0 : i32
      %lt3A_349 = vector.broadcast %lt3A_348 : i32 to vector<16xi32>
      %lt3A_350 = arith.cmpi slt, %and3A_347, %lt3A_349 : vector<16xi32>
      %add3A_351 = arith.constant 16 : i32
      %add3A_352 = vector.broadcast %add3A_351 : i32 to vector<16xi32>
      %add3A_353 = arith.addi %and3A_347, %add3A_352 : vector<16xi32>
      %select_n3A_354 = arith.select %lt3A_350, %add3A_353, %and3A_347 : vector<16xi1>, vector<16xi32>
      %broadcast_in_dim3A_355 = vector.shape_cast %select_n3A_354 : vector<16xi32> to vector<16x1xi32>
      %gather3A_356 = vector.shape_cast %broadcast_in_dim3A_355 : vector<16x1xi32> to vector<16xi32>
      %gather3A_357 = tpu.dynamic_gather %add3A_341[%gather3A_356] in [0] : vector<16xf32>, vector<16xi32> -> vector<16xf32>
      %add3A_358 = arith.addf %add3A_341, %gather3A_357 : vector<16xf32>
      %select_n3A_359 = arith.select %eq3A_290, %add3A_358, %select_n3A_287 : vector<16xi1>, vector<16xf32>
      %add3A_360 = arith.constant 4 : i32
      %add3A_361 = arith.addi %add3A_203, %add3A_360 : i32
      %lt3A_362 = arith.constant 256 : i32
      %lt3A_363 = arith.cmpi slt, %add3A_361, %lt3A_362 : i32
      %convert_element_type3A_364 = arith.extui %lt3A_363 : i1 to i32
      %cond3A_365 = arith.constant 0 : i32
      %cond3A_366 = arith.cmpi ne, %convert_element_type3A_364, %cond3A_365 : i32
      scf.if %cond3A_366 {
        %dma_start3A_1375 = arith.constant 0 : i32
        %dma_start3A_1376 = tpu.memref_slice %arg7[%add3A_361, %dma_start3A_1375] : memref<256x100xi32, #tpu.memory_space<vmem>> -> memref<1x100xi32, #tpu.memory_space<vmem>>
        %dma_start3A_1377 = tpu.memref_squeeze %dma_start3A_1376 : memref<1x100xi32, #tpu.memory_space<vmem>> -> memref<100xi32, #tpu.memory_space<vmem>>
        %dma_start3A_1378 = arith.constant 0 : i32
        %dma_start3A_1379 = arith.constant 0 : i32
        %dma_start3A_1380 = tpu.memref_slice %arg5[%dma_start3A_1378, %dma_start3A_1379] : memref<1000000x128xf32, #tpu.memory_space<hbm>> -> memref<1000000x128xf32, #tpu.memory_space<hbm>>
        tpu.enqueue_indirect_dma source(%dma_start3A_1380 : memref<1000000x128xf32, #tpu.memory_space<hbm>>) target(%arg12 : memref<100x128xf32, #tpu.memory_space<vmem>>) offsets(%dma_start3A_1377 : memref<100xi32, #tpu.memory_space<vmem>>) semaphore(%arg16 : memref<!tpu.dma_semaphore, #tpu.memory_space<semaphore_mem>>)
      } else {
      }
      %mul3A_367 = arith.constant 8 : i32
      %mul3A_368 = arith.muli %scan3A_40, %mul3A_367 : i32
      %add3A_369 = arith.constant 2 : i32
      %add3A_370 = arith.addi %mul3A_368, %add3A_369 : i32
      %dma_wait3A_371 = arith.constant 0 : i32
      %dma_wait3A_372 = tpu.memref_slice %arg7[%add3A_370, %dma_wait3A_371] : memref<256x100xi32, #tpu.memory_space<vmem>> -> memref<1x100xi32, #tpu.memory_space<vmem>>
      %dma_wait3A_373 = tpu.memref_squeeze %dma_wait3A_372 : memref<1x100xi32, #tpu.memory_space<vmem>> -> memref<100xi32, #tpu.memory_space<vmem>>
      %dma_wait3A_374 = arith.constant 0 : i32
      %dma_wait3A_375 = arith.constant 0 : i32
      %dma_wait3A_376 = tpu.memref_slice %arg5[%dma_wait3A_374, %dma_wait3A_375] : memref<1000000x128xf32, #tpu.memory_space<hbm>> -> memref<1000000x128xf32, #tpu.memory_space<hbm>>
      tpu.wait_indirect_dma semaphore(%arg17 : memref<!tpu.dma_semaphore, #tpu.memory_space<semaphore_mem>>) src(%dma_wait3A_376 : memref<1000000x128xf32, #tpu.memory_space<hbm>>) dst(%arg13 : memref<100x128xf32, #tpu.memory_space<vmem>>)
      %scan3A_377 = arith.constant 0 : i32
      %scan3A_378 = arith.constant 50 : i32
      %scan3A_379 = arith.addi %scan3A_377, %scan3A_378 : i32
      %scan3A_380 = arith.constant 1 : i32
      %scan3A_381:2 = scf.for %scan3A_1375 = %scan3A_377 to %scan3A_379 step %scan3A_380 iter_args(%scan3A_1376 = %broadcast_in_dim3A_30, %scan3A_1377 = %broadcast_in_dim3A_30) -> (vector<16xf32>, vector<16xf32>)  : i32 {
        %get3A_1378 = arith.index_cast %scan3A_1375 : i32 to index
        %get3A_1379 = arith.constant 0 : index
        %get3A_1380 = tpu.vector_load %arg8[%get3A_1378, %get3A_1379] {strides = array<i32>} : memref<50x128xf32, #tpu.memory_space<vmem>>, vector<1x16xf32>,
        %get3A_1381 = vector.shape_cast %get3A_1380 : vector<1x16xf32> to vector<16xf32>
        %get3A_1382 = arith.index_cast %scan3A_1375 : i32 to index
        %get3A_1383 = arith.constant 0 : index
        %get3A_1384 = tpu.vector_load %arg13[%get3A_1382, %get3A_1383] {strides = array<i32>} : memref<100x128xf32, #tpu.memory_space<vmem>>, vector<1x16xf32>,
        %get3A_1385 = vector.shape_cast %get3A_1384 : vector<1x16xf32> to vector<16xf32>
        %mul3A_1386 = arith.mulf %get3A_1385, %get3A_1381 : vector<16xf32>
        %add3A_1387 = arith.addf %scan3A_1376, %mul3A_1386 : vector<16xf32>
        %add3A_1388 = arith.constant 50 : i32
        %add3A_1389 = arith.addi %add3A_1388, %scan3A_1375 : i32
        %get3A_1390 = arith.index_cast %add3A_1389 : i32 to index
        %get3A_1391 = arith.constant 0 : index
        %get3A_1392 = tpu.vector_load %arg13[%get3A_1390, %get3A_1391] {strides = array<i32>} : memref<100x128xf32, #tpu.memory_space<vmem>>, vector<1x16xf32>,
        %get3A_1393 = vector.shape_cast %get3A_1392 : vector<1x16xf32> to vector<16xf32>
        %mul3A_1394 = arith.mulf %get3A_1393, %get3A_1381 : vector<16xf32>
        %add3A_1395 = arith.addf %scan3A_1377, %mul3A_1394 : vector<16xf32>
        %get3A_1396 = arith.index_cast %scan3A_1375 : i32 to index
        %get3A_1397 = arith.constant 16 : index
        %get3A_1398 = tpu.vector_load %arg8[%get3A_1396, %get3A_1397] {strides = array<i32>} : memref<50x128xf32, #tpu.memory_space<vmem>>, vector<1x16xf32>,
        %get3A_1399 = vector.shape_cast %get3A_1398 : vector<1x16xf32> to vector<16xf32>
        %get3A_1400 = arith.index_cast %scan3A_1375 : i32 to index
        %get3A_1401 = arith.constant 16 : index
        %get3A_1402 = tpu.vector_load %arg13[%get3A_1400, %get3A_1401] {strides = array<i32>} : memref<100x128xf32, #tpu.memory_space<vmem>>, vector<1x16xf32>,
        %get3A_1403 = vector.shape_cast %get3A_1402 : vector<1x16xf32> to vector<16xf32>
        %mul3A_1404 = arith.mulf %get3A_1403, %get3A_1399 : vector<16xf32>
        %add3A_1405 = arith.addf %add3A_1387, %mul3A_1404 : vector<16xf32>
        %add3A_1406 = arith.constant 50 : i32
        %add3A_1407 = arith.addi %add3A_1406, %scan3A_1375 : i32
        %get3A_1408 = arith.index_cast %add3A_1407 : i32 to index
        %get3A_1409 = arith.constant 16 : index
        %get3A_1410 = tpu.vector_load %arg13[%get3A_1408, %get3A_1409] {strides = array<i32>} : memref<100x128xf32, #tpu.memory_space<vmem>>, vector<1x16xf32>,
        %get3A_1411 = vector.shape_cast %get3A_1410 : vector<1x16xf32> to vector<16xf32>
        %mul3A_1412 = arith.mulf %get3A_1411, %get3A_1399 : vector<16xf32>
        %add3A_1413 = arith.addf %add3A_1395, %mul3A_1412 : vector<16xf32>
        %get3A_1414 = arith.index_cast %scan3A_1375 : i32 to index
        %get3A_1415 = arith.constant 32 : index
        %get3A_1416 = tpu.vector_load %arg8[%get3A_1414, %get3A_1415] {strides = array<i32>} : memref<50x128xf32, #tpu.memory_space<vmem>>, vector<1x16xf32>,
        %get3A_1417 = vector.shape_cast %get3A_1416 : vector<1x16xf32> to vector<16xf32>
        %get3A_1418 = arith.index_cast %scan3A_1375 : i32 to index
        %get3A_1419 = arith.constant 32 : index
        %get3A_1420 = tpu.vector_load %arg13[%get3A_1418, %get3A_1419] {strides = array<i32>} : memref<100x128xf32, #tpu.memory_space<vmem>>, vector<1x16xf32>,
        %get3A_1421 = vector.shape_cast %get3A_1420 : vector<1x16xf32> to vector<16xf32>
        %mul3A_1422 = arith.mulf %get3A_1421, %get3A_1417 : vector<16xf32>
        %add3A_1423 = arith.addf %add3A_1405, %mul3A_1422 : vector<16xf32>
        %add3A_1424 = arith.constant 50 : i32
        %add3A_1425 = arith.addi %add3A_1424, %scan3A_1375 : i32
        %get3A_1426 = arith.index_cast %add3A_1425 : i32 to index
        %get3A_1427 = arith.constant 32 : index
        %get3A_1428 = tpu.vector_load %arg13[%get3A_1426, %get3A_1427] {strides = array<i32>} : memref<100x128xf32, #tpu.memory_space<vmem>>, vector<1x16xf32>,
        %get3A_1429 = vector.shape_cast %get3A_1428 : vector<1x16xf32> to vector<16xf32>
        %mul3A_1430 = arith.mulf %get3A_1429, %get3A_1417 : vector<16xf32>
        %add3A_1431 = arith.addf %add3A_1413, %mul3A_1430 : vector<16xf32>
        %get3A_1432 = arith.index_cast %scan3A_1375 : i32 to index
        %get3A_1433 = arith.constant 48 : index
        %get3A_1434 = tpu.vector_load %arg8[%get3A_1432, %get3A_1433] {strides = array<i32>} : memref<50x128xf32, #tpu.memory_space<vmem>>, vector<1x16xf32>,
        %get3A_1435 = vector.shape_cast %get3A_1434 : vector<1x16xf32> to vector<16xf32>
        %get3A_1436 = arith.index_cast %scan3A_1375 : i32 to index
        %get3A_1437 = arith.constant 48 : index
        %get3A_1438 = tpu.vector_load %arg13[%get3A_1436, %get3A_1437] {strides = array<i32>} : memref<100x128xf32, #tpu.memory_space<vmem>>, vector<1x16xf32>,
        %get3A_1439 = vector.shape_cast %get3A_1438 : vector<1x16xf32> to vector<16xf32>
        %mul3A_1440 = arith.mulf %get3A_1439, %get3A_1435 : vector<16xf32>
        %add3A_1441 = arith.addf %add3A_1423, %mul3A_1440 : vector<16xf32>
        %add3A_1442 = arith.constant 50 : i32
        %add3A_1443 = arith.addi %add3A_1442, %scan3A_1375 : i32
        %get3A_1444 = arith.index_cast %add3A_1443 : i32 to index
        %get3A_1445 = arith.constant 48 : index
        %get3A_1446 = tpu.vector_load %arg13[%get3A_1444, %get3A_1445] {strides = array<i32>} : memref<100x128xf32, #tpu.memory_space<vmem>>, vector<1x16xf32>,
        %get3A_1447 = vector.shape_cast %get3A_1446 : vector<1x16xf32> to vector<16xf32>
        %mul3A_1448 = arith.mulf %get3A_1447, %get3A_1435 : vector<16xf32>
        %add3A_1449 = arith.addf %add3A_1431, %mul3A_1448 : vector<16xf32>
        %get3A_1450 = arith.index_cast %scan3A_1375 : i32 to index
        %get3A_1451 = arith.constant 64 : index
        %get3A_1452 = tpu.vector_load %arg8[%get3A_1450, %get3A_1451] {strides = array<i32>} : memref<50x128xf32, #tpu.memory_space<vmem>>, vector<1x16xf32>,
        %get3A_1453 = vector.shape_cast %get3A_1452 : vector<1x16xf32> to vector<16xf32>
        %get3A_1454 = arith.index_cast %scan3A_1375 : i32 to index
        %get3A_1455 = arith.constant 64 : index
        %get3A_1456 = tpu.vector_load %arg13[%get3A_1454, %get3A_1455] {strides = array<i32>} : memref<100x128xf32, #tpu.memory_space<vmem>>, vector<1x16xf32>,
        %get3A_1457 = vector.shape_cast %get3A_1456 : vector<1x16xf32> to vector<16xf32>
        %mul3A_1458 = arith.mulf %get3A_1457, %get3A_1453 : vector<16xf32>
        %add3A_1459 = arith.addf %add3A_1441, %mul3A_1458 : vector<16xf32>
        %add3A_1460 = arith.constant 50 : i32
        %add3A_1461 = arith.addi %add3A_1460, %scan3A_1375 : i32
        %get3A_1462 = arith.index_cast %add3A_1461 : i32 to index
        %get3A_1463 = arith.constant 64 : index
        %get3A_1464 = tpu.vector_load %arg13[%get3A_1462, %get3A_1463] {strides = array<i32>} : memref<100x128xf32, #tpu.memory_space<vmem>>, vector<1x16xf32>,
        %get3A_1465 = vector.shape_cast %get3A_1464 : vector<1x16xf32> to vector<16xf32>
        %mul3A_1466 = arith.mulf %get3A_1465, %get3A_1453 : vector<16xf32>
        %add3A_1467 = arith.addf %add3A_1449, %mul3A_1466 : vector<16xf32>
        %get3A_1468 = arith.index_cast %scan3A_1375 : i32 to index
        %get3A_1469 = arith.constant 80 : index
        %get3A_1470 = tpu.vector_load %arg8[%get3A_1468, %get3A_1469] {strides = array<i32>} : memref<50x128xf32, #tpu.memory_space<vmem>>, vector<1x16xf32>,
        %get3A_1471 = vector.shape_cast %get3A_1470 : vector<1x16xf32> to vector<16xf32>
        %get3A_1472 = arith.index_cast %scan3A_1375 : i32 to index
        %get3A_1473 = arith.constant 80 : index
        %get3A_1474 = tpu.vector_load %arg13[%get3A_1472, %get3A_1473] {strides = array<i32>} : memref<100x128xf32, #tpu.memory_space<vmem>>, vector<1x16xf32>,
        %get3A_1475 = vector.shape_cast %get3A_1474 : vector<1x16xf32> to vector<16xf32>
        %mul3A_1476 = arith.mulf %get3A_1475, %get3A_1471 : vector<16xf32>
        %add3A_1477 = arith.addf %add3A_1459, %mul3A_1476 : vector<16xf32>
        %add3A_1478 = arith.constant 50 : i32
        %add3A_1479 = arith.addi %add3A_1478, %scan3A_1375 : i32
        %get3A_1480 = arith.index_cast %add3A_1479 : i32 to index
        %get3A_1481 = arith.constant 80 : index
        %get3A_1482 = tpu.vector_load %arg13[%get3A_1480, %get3A_1481] {strides = array<i32>} : memref<100x128xf32, #tpu.memory_space<vmem>>, vector<1x16xf32>,
        %get3A_1483 = vector.shape_cast %get3A_1482 : vector<1x16xf32> to vector<16xf32>
        %mul3A_1484 = arith.mulf %get3A_1483, %get3A_1471 : vector<16xf32>
        %add3A_1485 = arith.addf %add3A_1467, %mul3A_1484 : vector<16xf32>
        %get3A_1486 = arith.index_cast %scan3A_1375 : i32 to index
        %get3A_1487 = arith.constant 96 : index
        %get3A_1488 = tpu.vector_load %arg8[%get3A_1486, %get3A_1487] {strides = array<i32>} : memref<50x128xf32, #tpu.memory_space<vmem>>, vector<1x16xf32>,
        %get3A_1489 = vector.shape_cast %get3A_1488 : vector<1x16xf32> to vector<16xf32>
        %get3A_1490 = arith.index_cast %scan3A_1375 : i32 to index
        %get3A_1491 = arith.constant 96 : index
        %get3A_1492 = tpu.vector_load %arg13[%get3A_1490, %get3A_1491] {strides = array<i32>} : memref<100x128xf32, #tpu.memory_space<vmem>>, vector<1x16xf32>,
        %get3A_1493 = vector.shape_cast %get3A_1492 : vector<1x16xf32> to vector<16xf32>
        %mul3A_1494 = arith.mulf %get3A_1493, %get3A_1489 : vector<16xf32>
        %add3A_1495 = arith.addf %add3A_1477, %mul3A_1494 : vector<16xf32>
        %add3A_1496 = arith.constant 50 : i32
        %add3A_1497 = arith.addi %add3A_1496, %scan3A_1375 : i32
        %get3A_1498 = arith.index_cast %add3A_1497 : i32 to index
        %get3A_1499 = arith.constant 96 : index
        %get3A_1500 = tpu.vector_load %arg13[%get3A_1498, %get3A_1499] {strides = array<i32>} : memref<100x128xf32, #tpu.memory_space<vmem>>, vector<1x16xf32>,
        %get3A_1501 = vector.shape_cast %get3A_1500 : vector<1x16xf32> to vector<16xf32>
        %mul3A_1502 = arith.mulf %get3A_1501, %get3A_1489 : vector<16xf32>
        %add3A_1503 = arith.addf %add3A_1485, %mul3A_1502 : vector<16xf32>
        %get3A_1504 = arith.index_cast %scan3A_1375 : i32 to index
        %get3A_1505 = arith.constant 112 : index
        %get3A_1506 = tpu.vector_load %arg8[%get3A_1504, %get3A_1505] {strides = array<i32>} : memref<50x128xf32, #tpu.memory_space<vmem>>, vector<1x16xf32>,
        %get3A_1507 = vector.shape_cast %get3A_1506 : vector<1x16xf32> to vector<16xf32>
        %get3A_1508 = arith.index_cast %scan3A_1375 : i32 to index
        %get3A_1509 = arith.constant 112 : index
        %get3A_1510 = tpu.vector_load %arg13[%get3A_1508, %get3A_1509] {strides = array<i32>} : memref<100x128xf32, #tpu.memory_space<vmem>>, vector<1x16xf32>,
        %get3A_1511 = vector.shape_cast %get3A_1510 : vector<1x16xf32> to vector<16xf32>
        %mul3A_1512 = arith.mulf %get3A_1511, %get3A_1507 : vector<16xf32>
        %add3A_1513 = arith.addf %add3A_1495, %mul3A_1512 : vector<16xf32>
        %add3A_1514 = arith.constant 50 : i32
        %add3A_1515 = arith.addi %add3A_1514, %scan3A_1375 : i32
        %get3A_1516 = arith.index_cast %add3A_1515 : i32 to index
        %get3A_1517 = arith.constant 112 : index
        %get3A_1518 = tpu.vector_load %arg13[%get3A_1516, %get3A_1517] {strides = array<i32>} : memref<100x128xf32, #tpu.memory_space<vmem>>, vector<1x16xf32>,
        %get3A_1519 = vector.shape_cast %get3A_1518 : vector<1x16xf32> to vector<16xf32>
        %mul3A_1520 = arith.mulf %get3A_1519, %get3A_1507 : vector<16xf32>
        %add3A_1521 = arith.addf %add3A_1503, %mul3A_1520 : vector<16xf32>
        scf.yield %add3A_1513, %add3A_1521 : vector<16xf32>, vector<16xf32>
      }
      %scan3A_382 = arith.constant 50 : i32
      %eq3A_383 = arith.constant 4 : i32
      %eq3A_384 = vector.broadcast %eq3A_383 : i32 to vector<16xi32>
      %eq3A_385 = arith.cmpi eq, %iota3A, %eq3A_384 : vector<16xi32>
      %add3A_386 = arith.constant 8 : i32
      %add3A_387 = vector.broadcast %add3A_386 : i32 to vector<16xi32>
      %add3A_388 = arith.addi %iota3A, %add3A_387 : vector<16xi32>
      %and3A_389 = arith.constant 15 : i32
      %and3A_390 = vector.broadcast %and3A_389 : i32 to vector<16xi32>
      %and3A_391 = arith.andi %add3A_388, %and3A_390 : vector<16xi32>
      %lt3A_392 = arith.constant 0 : i32
      %lt3A_393 = vector.broadcast %lt3A_392 : i32 to vector<16xi32>
      %lt3A_394 = arith.cmpi slt, %and3A_391, %lt3A_393 : vector<16xi32>
      %add3A_395 = arith.constant 16 : i32
      %add3A_396 = vector.broadcast %add3A_395 : i32 to vector<16xi32>
      %add3A_397 = arith.addi %and3A_391, %add3A_396 : vector<16xi32>
      %select_n3A_398 = arith.select %lt3A_394, %add3A_397, %and3A_391 : vector<16xi1>, vector<16xi32>
      %broadcast_in_dim3A_399 = vector.shape_cast %select_n3A_398 : vector<16xi32> to vector<16x1xi32>
      %gather3A_400 = vector.shape_cast %broadcast_in_dim3A_399 : vector<16x1xi32> to vector<16xi32>
      %gather3A_401 = tpu.dynamic_gather %scan3A_381#0[%gather3A_400] in [0] : vector<16xf32>, vector<16xi32> -> vector<16xf32>
      %add3A_402 = arith.addf %scan3A_381#0, %gather3A_401 : vector<16xf32>
      %add3A_403 = arith.constant 4 : i32
      %add3A_404 = vector.broadcast %add3A_403 : i32 to vector<16xi32>
      %add3A_405 = arith.addi %iota3A, %add3A_404 : vector<16xi32>
      %and3A_406 = arith.constant 15 : i32
      %and3A_407 = vector.broadcast %and3A_406 : i32 to vector<16xi32>
      %and3A_408 = arith.andi %add3A_405, %and3A_407 : vector<16xi32>
      %lt3A_409 = arith.constant 0 : i32
      %lt3A_410 = vector.broadcast %lt3A_409 : i32 to vector<16xi32>
      %lt3A_411 = arith.cmpi slt, %and3A_408, %lt3A_410 : vector<16xi32>
      %add3A_412 = arith.constant 16 : i32
      %add3A_413 = vector.broadcast %add3A_412 : i32 to vector<16xi32>
      %add3A_414 = arith.addi %and3A_408, %add3A_413 : vector<16xi32>
      %select_n3A_415 = arith.select %lt3A_411, %add3A_414, %and3A_408 : vector<16xi1>, vector<16xi32>
      %broadcast_in_dim3A_416 = vector.shape_cast %select_n3A_415 : vector<16xi32> to vector<16x1xi32>
      %gather3A_417 = vector.shape_cast %broadcast_in_dim3A_416 : vector<16x1xi32> to vector<16xi32>
      %gather3A_418 = tpu.dynamic_gather %add3A_402[%gather3A_417] in [0] : vector<16xf32>, vector<16xi32> -> vector<16xf32>
      %add3A_419 = arith.addf %add3A_402, %gather3A_418 : vector<16xf32>
      %add3A_420 = arith.constant 2 : i32
      %add3A_421 = vector.broadcast %add3A_420 : i32 to vector<16xi32>
      %add3A_422 = arith.addi %iota3A, %add3A_421 : vector<16xi32>
      %and3A_423 = arith.constant 15 : i32
      %and3A_424 = vector.broadcast %and3A_423 : i32 to vector<16xi32>
      %and3A_425 = arith.andi %add3A_422, %and3A_424 : vector<16xi32>
      %lt3A_426 = arith.constant 0 : i32
      %lt3A_427 = vector.broadcast %lt3A_426 : i32 to vector<16xi32>
      %lt3A_428 = arith.cmpi slt, %and3A_425, %lt3A_427 : vector<16xi32>
      %add3A_429 = arith.constant 16 : i32
      %add3A_430 = vector.broadcast %add3A_429 : i32 to vector<16xi32>
      %add3A_431 = arith.addi %and3A_425, %add3A_430 : vector<16xi32>
      %select_n3A_432 = arith.select %lt3A_428, %add3A_431, %and3A_425 : vector<16xi1>, vector<16xi32>
      %broadcast_in_dim3A_433 = vector.shape_cast %select_n3A_432 : vector<16xi32> to vector<16x1xi32>
      %gather3A_434 = vector.shape_cast %broadcast_in_dim3A_433 : vector<16x1xi32> to vector<16xi32>
      %gather3A_435 = tpu.dynamic_gather %add3A_419[%gather3A_434] in [0] : vector<16xf32>, vector<16xi32> -> vector<16xf32>
      %add3A_436 = arith.addf %add3A_419, %gather3A_435 : vector<16xf32>
      %add3A_437 = arith.constant 1 : i32
      %add3A_438 = vector.broadcast %add3A_437 : i32 to vector<16xi32>
      %add3A_439 = arith.addi %iota3A, %add3A_438 : vector<16xi32>
      %and3A_440 = arith.constant 15 : i32
      %and3A_441 = vector.broadcast %and3A_440 : i32 to vector<16xi32>
      %and3A_442 = arith.andi %add3A_439, %and3A_441 : vector<16xi32>
      %lt3A_443 = arith.constant 0 : i32
      %lt3A_444 = vector.broadcast %lt3A_443 : i32 to vector<16xi32>
      %lt3A_445 = arith.cmpi slt, %and3A_442, %lt3A_444 : vector<16xi32>
      %add3A_446 = arith.constant 16 : i32
      %add3A_447 = vector.broadcast %add3A_446 : i32 to vector<16xi32>
      %add3A_448 = arith.addi %and3A_442, %add3A_447 : vector<16xi32>
      %select_n3A_449 = arith.select %lt3A_445, %add3A_448, %and3A_442 : vector<16xi1>, vector<16xi32>
      %broadcast_in_dim3A_450 = vector.shape_cast %select_n3A_449 : vector<16xi32> to vector<16x1xi32>
      %gather3A_451 = vector.shape_cast %broadcast_in_dim3A_450 : vector<16x1xi32> to vector<16xi32>
      %gather3A_452 = tpu.dynamic_gather %add3A_436[%gather3A_451] in [0] : vector<16xf32>, vector<16xi32> -> vector<16xf32>
      %add3A_453 = arith.addf %add3A_436, %gather3A_452 : vector<16xf32>
      %select_n3A_454 = arith.select %eq3A_385, %add3A_453, %select_n3A_359 : vector<16xi1>, vector<16xf32>
      %eq3A_455 = arith.constant 5 : i32
      %eq3A_456 = vector.broadcast %eq3A_455 : i32 to vector<16xi32>
      %eq3A_457 = arith.cmpi eq, %iota3A, %eq3A_456 : vector<16xi32>
      %add3A_458 = arith.constant 8 : i32
      %add3A_459 = vector.broadcast %add3A_458 : i32 to vector<16xi32>
      %add3A_460 = arith.addi %iota3A, %add3A_459 : vector<16xi32>
      %and3A_461 = arith.constant 15 : i32
      %and3A_462 = vector.broadcast %and3A_461 : i32 to vector<16xi32>
      %and3A_463 = arith.andi %add3A_460, %and3A_462 : vector<16xi32>
      %lt3A_464 = arith.constant 0 : i32
      %lt3A_465 = vector.broadcast %lt3A_464 : i32 to vector<16xi32>
      %lt3A_466 = arith.cmpi slt, %and3A_463, %lt3A_465 : vector<16xi32>
      %add3A_467 = arith.constant 16 : i32
      %add3A_468 = vector.broadcast %add3A_467 : i32 to vector<16xi32>
      %add3A_469 = arith.addi %and3A_463, %add3A_468 : vector<16xi32>
      %select_n3A_470 = arith.select %lt3A_466, %add3A_469, %and3A_463 : vector<16xi1>, vector<16xi32>
      %broadcast_in_dim3A_471 = vector.shape_cast %select_n3A_470 : vector<16xi32> to vector<16x1xi32>
      %gather3A_472 = vector.shape_cast %broadcast_in_dim3A_471 : vector<16x1xi32> to vector<16xi32>
      %gather3A_473 = tpu.dynamic_gather %scan3A_381#1[%gather3A_472] in [0] : vector<16xf32>, vector<16xi32> -> vector<16xf32>
      %add3A_474 = arith.addf %scan3A_381#1, %gather3A_473 : vector<16xf32>
      %add3A_475 = arith.constant 4 : i32
      %add3A_476 = vector.broadcast %add3A_475 : i32 to vector<16xi32>
      %add3A_477 = arith.addi %iota3A, %add3A_476 : vector<16xi32>
      %and3A_478 = arith.constant 15 : i32
      %and3A_479 = vector.broadcast %and3A_478 : i32 to vector<16xi32>
      %and3A_480 = arith.andi %add3A_477, %and3A_479 : vector<16xi32>
      %lt3A_481 = arith.constant 0 : i32
      %lt3A_482 = vector.broadcast %lt3A_481 : i32 to vector<16xi32>
      %lt3A_483 = arith.cmpi slt, %and3A_480, %lt3A_482 : vector<16xi32>
      %add3A_484 = arith.constant 16 : i32
      %add3A_485 = vector.broadcast %add3A_484 : i32 to vector<16xi32>
      %add3A_486 = arith.addi %and3A_480, %add3A_485 : vector<16xi32>
      %select_n3A_487 = arith.select %lt3A_483, %add3A_486, %and3A_480 : vector<16xi1>, vector<16xi32>
      %broadcast_in_dim3A_488 = vector.shape_cast %select_n3A_487 : vector<16xi32> to vector<16x1xi32>
      %gather3A_489 = vector.shape_cast %broadcast_in_dim3A_488 : vector<16x1xi32> to vector<16xi32>
      %gather3A_490 = tpu.dynamic_gather %add3A_474[%gather3A_489] in [0] : vector<16xf32>, vector<16xi32> -> vector<16xf32>
      %add3A_491 = arith.addf %add3A_474, %gather3A_490 : vector<16xf32>
      %add3A_492 = arith.constant 2 : i32
      %add3A_493 = vector.broadcast %add3A_492 : i32 to vector<16xi32>
      %add3A_494 = arith.addi %iota3A, %add3A_493 : vector<16xi32>
      %and3A_495 = arith.constant 15 : i32
      %and3A_496 = vector.broadcast %and3A_495 : i32 to vector<16xi32>
      %and3A_497 = arith.andi %add3A_494, %and3A_496 : vector<16xi32>
      %lt3A_498 = arith.constant 0 : i32
      %lt3A_499 = vector.broadcast %lt3A_498 : i32 to vector<16xi32>
      %lt3A_500 = arith.cmpi slt, %and3A_497, %lt3A_499 : vector<16xi32>
      %add3A_501 = arith.constant 16 : i32
      %add3A_502 = vector.broadcast %add3A_501 : i32 to vector<16xi32>
      %add3A_503 = arith.addi %and3A_497, %add3A_502 : vector<16xi32>
      %select_n3A_504 = arith.select %lt3A_500, %add3A_503, %and3A_497 : vector<16xi1>, vector<16xi32>
      %broadcast_in_dim3A_505 = vector.shape_cast %select_n3A_504 : vector<16xi32> to vector<16x1xi32>
      %gather3A_506 = vector.shape_cast %broadcast_in_dim3A_505 : vector<16x1xi32> to vector<16xi32>
      %gather3A_507 = tpu.dynamic_gather %add3A_491[%gather3A_506] in [0] : vector<16xf32>, vector<16xi32> -> vector<16xf32>
      %add3A_508 = arith.addf %add3A_491, %gather3A_507 : vector<16xf32>
      %add3A_509 = arith.constant 1 : i32
      %add3A_510 = vector.broadcast %add3A_509 : i32 to vector<16xi32>
      %add3A_511 = arith.addi %iota3A, %add3A_510 : vector<16xi32>
      %and3A_512 = arith.constant 15 : i32
      %and3A_513 = vector.broadcast %and3A_512 : i32 to vector<16xi32>
      %and3A_514 = arith.andi %add3A_511, %and3A_513 : vector<16xi32>
      %lt3A_515 = arith.constant 0 : i32
      %lt3A_516 = vector.broadcast %lt3A_515 : i32 to vector<16xi32>
      %lt3A_517 = arith.cmpi slt, %and3A_514, %lt3A_516 : vector<16xi32>
      %add3A_518 = arith.constant 16 : i32
      %add3A_519 = vector.broadcast %add3A_518 : i32 to vector<16xi32>
      %add3A_520 = arith.addi %and3A_514, %add3A_519 : vector<16xi32>
      %select_n3A_521 = arith.select %lt3A_517, %add3A_520, %and3A_514 : vector<16xi1>, vector<16xi32>
      %broadcast_in_dim3A_522 = vector.shape_cast %select_n3A_521 : vector<16xi32> to vector<16x1xi32>
      %gather3A_523 = vector.shape_cast %broadcast_in_dim3A_522 : vector<16x1xi32> to vector<16xi32>
      %gather3A_524 = tpu.dynamic_gather %add3A_508[%gather3A_523] in [0] : vector<16xf32>, vector<16xi32> -> vector<16xf32>
      %add3A_525 = arith.addf %add3A_508, %gather3A_524 : vector<16xf32>
      %select_n3A_526 = arith.select %eq3A_457, %add3A_525, %select_n3A_454 : vector<16xi1>, vector<16xf32>
      %add3A_527 = arith.constant 4 : i32
      %add3A_528 = arith.addi %add3A_370, %add3A_527 : i32
      %lt3A_529 = arith.constant 256 : i32
      %lt3A_530 = arith.cmpi slt, %add3A_528, %lt3A_529 : i32
      %convert_element_type3A_531 = arith.extui %lt3A_530 : i1 to i32
      %cond3A_532 = arith.constant 0 : i32
      %cond3A_533 = arith.cmpi ne, %convert_element_type3A_531, %cond3A_532 : i32
      scf.if %cond3A_533 {
        %dma_start3A_1375 = arith.constant 0 : i32
        %dma_start3A_1376 = tpu.memref_slice %arg7[%add3A_528, %dma_start3A_1375] : memref<256x100xi32, #tpu.memory_space<vmem>> -> memref<1x100xi32, #tpu.memory_space<vmem>>
        %dma_start3A_1377 = tpu.memref_squeeze %dma_start3A_1376 : memref<1x100xi32, #tpu.memory_space<vmem>> -> memref<100xi32, #tpu.memory_space<vmem>>
        %dma_start3A_1378 = arith.constant 0 : i32
        %dma_start3A_1379 = arith.constant 0 : i32
        %dma_start3A_1380 = tpu.memref_slice %arg5[%dma_start3A_1378, %dma_start3A_1379] : memref<1000000x128xf32, #tpu.memory_space<hbm>> -> memref<1000000x128xf32, #tpu.memory_space<hbm>>
        tpu.enqueue_indirect_dma source(%dma_start3A_1380 : memref<1000000x128xf32, #tpu.memory_space<hbm>>) target(%arg13 : memref<100x128xf32, #tpu.memory_space<vmem>>) offsets(%dma_start3A_1377 : memref<100xi32, #tpu.memory_space<vmem>>) semaphore(%arg17 : memref<!tpu.dma_semaphore, #tpu.memory_space<semaphore_mem>>)
      } else {
      }
      %mul3A_534 = arith.constant 8 : i32
      %mul3A_535 = arith.muli %scan3A_40, %mul3A_534 : i32
      %add3A_536 = arith.constant 3 : i32
      %add3A_537 = arith.addi %mul3A_535, %add3A_536 : i32
      %dma_wait3A_538 = arith.constant 0 : i32
      %dma_wait3A_539 = tpu.memref_slice %arg7[%add3A_537, %dma_wait3A_538] : memref<256x100xi32, #tpu.memory_space<vmem>> -> memref<1x100xi32, #tpu.memory_space<vmem>>
      %dma_wait3A_540 = tpu.memref_squeeze %dma_wait3A_539 : memref<1x100xi32, #tpu.memory_space<vmem>> -> memref<100xi32, #tpu.memory_space<vmem>>
      %dma_wait3A_541 = arith.constant 0 : i32
      %dma_wait3A_542 = arith.constant 0 : i32
      %dma_wait3A_543 = tpu.memref_slice %arg5[%dma_wait3A_541, %dma_wait3A_542] : memref<1000000x128xf32, #tpu.memory_space<hbm>> -> memref<1000000x128xf32, #tpu.memory_space<hbm>>
      tpu.wait_indirect_dma semaphore(%arg18 : memref<!tpu.dma_semaphore, #tpu.memory_space<semaphore_mem>>) src(%dma_wait3A_543 : memref<1000000x128xf32, #tpu.memory_space<hbm>>) dst(%arg14 : memref<100x128xf32, #tpu.memory_space<vmem>>)
      %scan3A_544 = arith.constant 0 : i32
      %scan3A_545 = arith.constant 50 : i32
      %scan3A_546 = arith.addi %scan3A_544, %scan3A_545 : i32
      %scan3A_547 = arith.constant 1 : i32
      %scan3A_548:2 = scf.for %scan3A_1375 = %scan3A_544 to %scan3A_546 step %scan3A_547 iter_args(%scan3A_1376 = %broadcast_in_dim3A_30, %scan3A_1377 = %broadcast_in_dim3A_30) -> (vector<16xf32>, vector<16xf32>)  : i32 {
        %get3A_1378 = arith.index_cast %scan3A_1375 : i32 to index
        %get3A_1379 = arith.constant 0 : index
        %get3A_1380 = tpu.vector_load %arg8[%get3A_1378, %get3A_1379] {strides = array<i32>} : memref<50x128xf32, #tpu.memory_space<vmem>>, vector<1x16xf32>,
        %get3A_1381 = vector.shape_cast %get3A_1380 : vector<1x16xf32> to vector<16xf32>
        %get3A_1382 = arith.index_cast %scan3A_1375 : i32 to index
        %get3A_1383 = arith.constant 0 : index
        %get3A_1384 = tpu.vector_load %arg14[%get3A_1382, %get3A_1383] {strides = array<i32>} : memref<100x128xf32, #tpu.memory_space<vmem>>, vector<1x16xf32>,
        %get3A_1385 = vector.shape_cast %get3A_1384 : vector<1x16xf32> to vector<16xf32>
        %mul3A_1386 = arith.mulf %get3A_1385, %get3A_1381 : vector<16xf32>
        %add3A_1387 = arith.addf %scan3A_1376, %mul3A_1386 : vector<16xf32>
        %add3A_1388 = arith.constant 50 : i32
        %add3A_1389 = arith.addi %add3A_1388, %scan3A_1375 : i32
        %get3A_1390 = arith.index_cast %add3A_1389 : i32 to index
        %get3A_1391 = arith.constant 0 : index
        %get3A_1392 = tpu.vector_load %arg14[%get3A_1390, %get3A_1391] {strides = array<i32>} : memref<100x128xf32, #tpu.memory_space<vmem>>, vector<1x16xf32>,
        %get3A_1393 = vector.shape_cast %get3A_1392 : vector<1x16xf32> to vector<16xf32>
        %mul3A_1394 = arith.mulf %get3A_1393, %get3A_1381 : vector<16xf32>
        %add3A_1395 = arith.addf %scan3A_1377, %mul3A_1394 : vector<16xf32>
        %get3A_1396 = arith.index_cast %scan3A_1375 : i32 to index
        %get3A_1397 = arith.constant 16 : index
        %get3A_1398 = tpu.vector_load %arg8[%get3A_1396, %get3A_1397] {strides = array<i32>} : memref<50x128xf32, #tpu.memory_space<vmem>>, vector<1x16xf32>,
        %get3A_1399 = vector.shape_cast %get3A_1398 : vector<1x16xf32> to vector<16xf32>
        %get3A_1400 = arith.index_cast %scan3A_1375 : i32 to index
        %get3A_1401 = arith.constant 16 : index
        %get3A_1402 = tpu.vector_load %arg14[%get3A_1400, %get3A_1401] {strides = array<i32>} : memref<100x128xf32, #tpu.memory_space<vmem>>, vector<1x16xf32>,
        %get3A_1403 = vector.shape_cast %get3A_1402 : vector<1x16xf32> to vector<16xf32>
        %mul3A_1404 = arith.mulf %get3A_1403, %get3A_1399 : vector<16xf32>
        %add3A_1405 = arith.addf %add3A_1387, %mul3A_1404 : vector<16xf32>
        %add3A_1406 = arith.constant 50 : i32
        %add3A_1407 = arith.addi %add3A_1406, %scan3A_1375 : i32
        %get3A_1408 = arith.index_cast %add3A_1407 : i32 to index
        %get3A_1409 = arith.constant 16 : index
        %get3A_1410 = tpu.vector_load %arg14[%get3A_1408, %get3A_1409] {strides = array<i32>} : memref<100x128xf32, #tpu.memory_space<vmem>>, vector<1x16xf32>,
        %get3A_1411 = vector.shape_cast %get3A_1410 : vector<1x16xf32> to vector<16xf32>
        %mul3A_1412 = arith.mulf %get3A_1411, %get3A_1399 : vector<16xf32>
        %add3A_1413 = arith.addf %add3A_1395, %mul3A_1412 : vector<16xf32>
        %get3A_1414 = arith.index_cast %scan3A_1375 : i32 to index
        %get3A_1415 = arith.constant 32 : index
        %get3A_1416 = tpu.vector_load %arg8[%get3A_1414, %get3A_1415] {strides = array<i32>} : memref<50x128xf32, #tpu.memory_space<vmem>>, vector<1x16xf32>,
        %get3A_1417 = vector.shape_cast %get3A_1416 : vector<1x16xf32> to vector<16xf32>
        %get3A_1418 = arith.index_cast %scan3A_1375 : i32 to index
        %get3A_1419 = arith.constant 32 : index
        %get3A_1420 = tpu.vector_load %arg14[%get3A_1418, %get3A_1419] {strides = array<i32>} : memref<100x128xf32, #tpu.memory_space<vmem>>, vector<1x16xf32>,
        %get3A_1421 = vector.shape_cast %get3A_1420 : vector<1x16xf32> to vector<16xf32>
        %mul3A_1422 = arith.mulf %get3A_1421, %get3A_1417 : vector<16xf32>
        %add3A_1423 = arith.addf %add3A_1405, %mul3A_1422 : vector<16xf32>
        %add3A_1424 = arith.constant 50 : i32
        %add3A_1425 = arith.addi %add3A_1424, %scan3A_1375 : i32
        %get3A_1426 = arith.index_cast %add3A_1425 : i32 to index
        %get3A_1427 = arith.constant 32 : index
        %get3A_1428 = tpu.vector_load %arg14[%get3A_1426, %get3A_1427] {strides = array<i32>} : memref<100x128xf32, #tpu.memory_space<vmem>>, vector<1x16xf32>,
        %get3A_1429 = vector.shape_cast %get3A_1428 : vector<1x16xf32> to vector<16xf32>
        %mul3A_1430 = arith.mulf %get3A_1429, %get3A_1417 : vector<16xf32>
        %add3A_1431 = arith.addf %add3A_1413, %mul3A_1430 : vector<16xf32>
        %get3A_1432 = arith.index_cast %scan3A_1375 : i32 to index
        %get3A_1433 = arith.constant 48 : index
        %get3A_1434 = tpu.vector_load %arg8[%get3A_1432, %get3A_1433] {strides = array<i32>} : memref<50x128xf32, #tpu.memory_space<vmem>>, vector<1x16xf32>,
        %get3A_1435 = vector.shape_cast %get3A_1434 : vector<1x16xf32> to vector<16xf32>
        %get3A_1436 = arith.index_cast %scan3A_1375 : i32 to index
        %get3A_1437 = arith.constant 48 : index
        %get3A_1438 = tpu.vector_load %arg14[%get3A_1436, %get3A_1437] {strides = array<i32>} : memref<100x128xf32, #tpu.memory_space<vmem>>, vector<1x16xf32>,
        %get3A_1439 = vector.shape_cast %get3A_1438 : vector<1x16xf32> to vector<16xf32>
        %mul3A_1440 = arith.mulf %get3A_1439, %get3A_1435 : vector<16xf32>
        %add3A_1441 = arith.addf %add3A_1423, %mul3A_1440 : vector<16xf32>
        %add3A_1442 = arith.constant 50 : i32
        %add3A_1443 = arith.addi %add3A_1442, %scan3A_1375 : i32
        %get3A_1444 = arith.index_cast %add3A_1443 : i32 to index
        %get3A_1445 = arith.constant 48 : index
        %get3A_1446 = tpu.vector_load %arg14[%get3A_1444, %get3A_1445] {strides = array<i32>} : memref<100x128xf32, #tpu.memory_space<vmem>>, vector<1x16xf32>,
        %get3A_1447 = vector.shape_cast %get3A_1446 : vector<1x16xf32> to vector<16xf32>
        %mul3A_1448 = arith.mulf %get3A_1447, %get3A_1435 : vector<16xf32>
        %add3A_1449 = arith.addf %add3A_1431, %mul3A_1448 : vector<16xf32>
        %get3A_1450 = arith.index_cast %scan3A_1375 : i32 to index
        %get3A_1451 = arith.constant 64 : index
        %get3A_1452 = tpu.vector_load %arg8[%get3A_1450, %get3A_1451] {strides = array<i32>} : memref<50x128xf32, #tpu.memory_space<vmem>>, vector<1x16xf32>,
        %get3A_1453 = vector.shape_cast %get3A_1452 : vector<1x16xf32> to vector<16xf32>
        %get3A_1454 = arith.index_cast %scan3A_1375 : i32 to index
        %get3A_1455 = arith.constant 64 : index
        %get3A_1456 = tpu.vector_load %arg14[%get3A_1454, %get3A_1455] {strides = array<i32>} : memref<100x128xf32, #tpu.memory_space<vmem>>, vector<1x16xf32>,
        %get3A_1457 = vector.shape_cast %get3A_1456 : vector<1x16xf32> to vector<16xf32>
        %mul3A_1458 = arith.mulf %get3A_1457, %get3A_1453 : vector<16xf32>
        %add3A_1459 = arith.addf %add3A_1441, %mul3A_1458 : vector<16xf32>
        %add3A_1460 = arith.constant 50 : i32
        %add3A_1461 = arith.addi %add3A_1460, %scan3A_1375 : i32
        %get3A_1462 = arith.index_cast %add3A_1461 : i32 to index
        %get3A_1463 = arith.constant 64 : index
        %get3A_1464 = tpu.vector_load %arg14[%get3A_1462, %get3A_1463] {strides = array<i32>} : memref<100x128xf32, #tpu.memory_space<vmem>>, vector<1x16xf32>,
        %get3A_1465 = vector.shape_cast %get3A_1464 : vector<1x16xf32> to vector<16xf32>
        %mul3A_1466 = arith.mulf %get3A_1465, %get3A_1453 : vector<16xf32>
        %add3A_1467 = arith.addf %add3A_1449, %mul3A_1466 : vector<16xf32>
        %get3A_1468 = arith.index_cast %scan3A_1375 : i32 to index
        %get3A_1469 = arith.constant 80 : index
        %get3A_1470 = tpu.vector_load %arg8[%get3A_1468, %get3A_1469] {strides = array<i32>} : memref<50x128xf32, #tpu.memory_space<vmem>>, vector<1x16xf32>,
        %get3A_1471 = vector.shape_cast %get3A_1470 : vector<1x16xf32> to vector<16xf32>
        %get3A_1472 = arith.index_cast %scan3A_1375 : i32 to index
        %get3A_1473 = arith.constant 80 : index
        %get3A_1474 = tpu.vector_load %arg14[%get3A_1472, %get3A_1473] {strides = array<i32>} : memref<100x128xf32, #tpu.memory_space<vmem>>, vector<1x16xf32>,
        %get3A_1475 = vector.shape_cast %get3A_1474 : vector<1x16xf32> to vector<16xf32>
        %mul3A_1476 = arith.mulf %get3A_1475, %get3A_1471 : vector<16xf32>
        %add3A_1477 = arith.addf %add3A_1459, %mul3A_1476 : vector<16xf32>
        %add3A_1478 = arith.constant 50 : i32
        %add3A_1479 = arith.addi %add3A_1478, %scan3A_1375 : i32
        %get3A_1480 = arith.index_cast %add3A_1479 : i32 to index
        %get3A_1481 = arith.constant 80 : index
        %get3A_1482 = tpu.vector_load %arg14[%get3A_1480, %get3A_1481] {strides = array<i32>} : memref<100x128xf32, #tpu.memory_space<vmem>>, vector<1x16xf32>,
        %get3A_1483 = vector.shape_cast %get3A_1482 : vector<1x16xf32> to vector<16xf32>
        %mul3A_1484 = arith.mulf %get3A_1483, %get3A_1471 : vector<16xf32>
        %add3A_1485 = arith.addf %add3A_1467, %mul3A_1484 : vector<16xf32>
        %get3A_1486 = arith.index_cast %scan3A_1375 : i32 to index
        %get3A_1487 = arith.constant 96 : index
        %get3A_1488 = tpu.vector_load %arg8[%get3A_1486, %get3A_1487] {strides = array<i32>} : memref<50x128xf32, #tpu.memory_space<vmem>>, vector<1x16xf32>,
        %get3A_1489 = vector.shape_cast %get3A_1488 : vector<1x16xf32> to vector<16xf32>
        %get3A_1490 = arith.index_cast %scan3A_1375 : i32 to index
        %get3A_1491 = arith.constant 96 : index
        %get3A_1492 = tpu.vector_load %arg14[%get3A_1490, %get3A_1491] {strides = array<i32>} : memref<100x128xf32, #tpu.memory_space<vmem>>, vector<1x16xf32>,
        %get3A_1493 = vector.shape_cast %get3A_1492 : vector<1x16xf32> to vector<16xf32>
        %mul3A_1494 = arith.mulf %get3A_1493, %get3A_1489 : vector<16xf32>
        %add3A_1495 = arith.addf %add3A_1477, %mul3A_1494 : vector<16xf32>
        %add3A_1496 = arith.constant 50 : i32
        %add3A_1497 = arith.addi %add3A_1496, %scan3A_1375 : i32
        %get3A_1498 = arith.index_cast %add3A_1497 : i32 to index
        %get3A_1499 = arith.constant 96 : index
        %get3A_1500 = tpu.vector_load %arg14[%get3A_1498, %get3A_1499] {strides = array<i32>} : memref<100x128xf32, #tpu.memory_space<vmem>>, vector<1x16xf32>,
        %get3A_1501 = vector.shape_cast %get3A_1500 : vector<1x16xf32> to vector<16xf32>
        %mul3A_1502 = arith.mulf %get3A_1501, %get3A_1489 : vector<16xf32>
        %add3A_1503 = arith.addf %add3A_1485, %mul3A_1502 : vector<16xf32>
        %get3A_1504 = arith.index_cast %scan3A_1375 : i32 to index
        %get3A_1505 = arith.constant 112 : index
        %get3A_1506 = tpu.vector_load %arg8[%get3A_1504, %get3A_1505] {strides = array<i32>} : memref<50x128xf32, #tpu.memory_space<vmem>>, vector<1x16xf32>,
        %get3A_1507 = vector.shape_cast %get3A_1506 : vector<1x16xf32> to vector<16xf32>
        %get3A_1508 = arith.index_cast %scan3A_1375 : i32 to index
        %get3A_1509 = arith.constant 112 : index
        %get3A_1510 = tpu.vector_load %arg14[%get3A_1508, %get3A_1509] {strides = array<i32>} : memref<100x128xf32, #tpu.memory_space<vmem>>, vector<1x16xf32>,
        %get3A_1511 = vector.shape_cast %get3A_1510 : vector<1x16xf32> to vector<16xf32>
        %mul3A_1512 = arith.mulf %get3A_1511, %get3A_1507 : vector<16xf32>
        %add3A_1513 = arith.addf %add3A_1495, %mul3A_1512 : vector<16xf32>
        %add3A_1514 = arith.constant 50 : i32
        %add3A_1515 = arith.addi %add3A_1514, %scan3A_1375 : i32
        %get3A_1516 = arith.index_cast %add3A_1515 : i32 to index
        %get3A_1517 = arith.constant 112 : index
        %get3A_1518 = tpu.vector_load %arg14[%get3A_1516, %get3A_1517] {strides = array<i32>} : memref<100x128xf32, #tpu.memory_space<vmem>>, vector<1x16xf32>,
        %get3A_1519 = vector.shape_cast %get3A_1518 : vector<1x16xf32> to vector<16xf32>
        %mul3A_1520 = arith.mulf %get3A_1519, %get3A_1507 : vector<16xf32>
        %add3A_1521 = arith.addf %add3A_1503, %mul3A_1520 : vector<16xf32>
        scf.yield %add3A_1513, %add3A_1521 : vector<16xf32>, vector<16xf32>
      }
      %scan3A_549 = arith.constant 50 : i32
      %eq3A_550 = arith.constant 6 : i32
      %eq3A_551 = vector.broadcast %eq3A_550 : i32 to vector<16xi32>
      %eq3A_552 = arith.cmpi eq, %iota3A, %eq3A_551 : vector<16xi32>
      %add3A_553 = arith.constant 8 : i32
      %add3A_554 = vector.broadcast %add3A_553 : i32 to vector<16xi32>
      %add3A_555 = arith.addi %iota3A, %add3A_554 : vector<16xi32>
      %and3A_556 = arith.constant 15 : i32
      %and3A_557 = vector.broadcast %and3A_556 : i32 to vector<16xi32>
      %and3A_558 = arith.andi %add3A_555, %and3A_557 : vector<16xi32>
      %lt3A_559 = arith.constant 0 : i32
      %lt3A_560 = vector.broadcast %lt3A_559 : i32 to vector<16xi32>
      %lt3A_561 = arith.cmpi slt, %and3A_558, %lt3A_560 : vector<16xi32>
      %add3A_562 = arith.constant 16 : i32
      %add3A_563 = vector.broadcast %add3A_562 : i32 to vector<16xi32>
      %add3A_564 = arith.addi %and3A_558, %add3A_563 : vector<16xi32>
      %select_n3A_565 = arith.select %lt3A_561, %add3A_564, %and3A_558 : vector<16xi1>, vector<16xi32>
      %broadcast_in_dim3A_566 = vector.shape_cast %select_n3A_565 : vector<16xi32> to vector<16x1xi32>
      %gather3A_567 = vector.shape_cast %broadcast_in_dim3A_566 : vector<16x1xi32> to vector<16xi32>
      %gather3A_568 = tpu.dynamic_gather %scan3A_548#0[%gather3A_567] in [0] : vector<16xf32>, vector<16xi32> -> vector<16xf32>
      %add3A_569 = arith.addf %scan3A_548#0, %gather3A_568 : vector<16xf32>
      %add3A_570 = arith.constant 4 : i32
      %add3A_571 = vector.broadcast %add3A_570 : i32 to vector<16xi32>
      %add3A_572 = arith.addi %iota3A, %add3A_571 : vector<16xi32>
      %and3A_573 = arith.constant 15 : i32
      %and3A_574 = vector.broadcast %and3A_573 : i32 to vector<16xi32>
      %and3A_575 = arith.andi %add3A_572, %and3A_574 : vector<16xi32>
      %lt3A_576 = arith.constant 0 : i32
      %lt3A_577 = vector.broadcast %lt3A_576 : i32 to vector<16xi32>
      %lt3A_578 = arith.cmpi slt, %and3A_575, %lt3A_577 : vector<16xi32>
      %add3A_579 = arith.constant 16 : i32
      %add3A_580 = vector.broadcast %add3A_579 : i32 to vector<16xi32>
      %add3A_581 = arith.addi %and3A_575, %add3A_580 : vector<16xi32>
      %select_n3A_582 = arith.select %lt3A_578, %add3A_581, %and3A_575 : vector<16xi1>, vector<16xi32>
      %broadcast_in_dim3A_583 = vector.shape_cast %select_n3A_582 : vector<16xi32> to vector<16x1xi32>
      %gather3A_584 = vector.shape_cast %broadcast_in_dim3A_583 : vector<16x1xi32> to vector<16xi32>
      %gather3A_585 = tpu.dynamic_gather %add3A_569[%gather3A_584] in [0] : vector<16xf32>, vector<16xi32> -> vector<16xf32>
      %add3A_586 = arith.addf %add3A_569, %gather3A_585 : vector<16xf32>
      %add3A_587 = arith.constant 2 : i32
      %add3A_588 = vector.broadcast %add3A_587 : i32 to vector<16xi32>
      %add3A_589 = arith.addi %iota3A, %add3A_588 : vector<16xi32>
      %and3A_590 = arith.constant 15 : i32
      %and3A_591 = vector.broadcast %and3A_590 : i32 to vector<16xi32>
      %and3A_592 = arith.andi %add3A_589, %and3A_591 : vector<16xi32>
      %lt3A_593 = arith.constant 0 : i32
      %lt3A_594 = vector.broadcast %lt3A_593 : i32 to vector<16xi32>
      %lt3A_595 = arith.cmpi slt, %and3A_592, %lt3A_594 : vector<16xi32>
      %add3A_596 = arith.constant 16 : i32
      %add3A_597 = vector.broadcast %add3A_596 : i32 to vector<16xi32>
      %add3A_598 = arith.addi %and3A_592, %add3A_597 : vector<16xi32>
      %select_n3A_599 = arith.select %lt3A_595, %add3A_598, %and3A_592 : vector<16xi1>, vector<16xi32>
      %broadcast_in_dim3A_600 = vector.shape_cast %select_n3A_599 : vector<16xi32> to vector<16x1xi32>
      %gather3A_601 = vector.shape_cast %broadcast_in_dim3A_600 : vector<16x1xi32> to vector<16xi32>
      %gather3A_602 = tpu.dynamic_gather %add3A_586[%gather3A_601] in [0] : vector<16xf32>, vector<16xi32> -> vector<16xf32>
      %add3A_603 = arith.addf %add3A_586, %gather3A_602 : vector<16xf32>
      %add3A_604 = arith.constant 1 : i32
      %add3A_605 = vector.broadcast %add3A_604 : i32 to vector<16xi32>
      %add3A_606 = arith.addi %iota3A, %add3A_605 : vector<16xi32>
      %and3A_607 = arith.constant 15 : i32
      %and3A_608 = vector.broadcast %and3A_607 : i32 to vector<16xi32>
      %and3A_609 = arith.andi %add3A_606, %and3A_608 : vector<16xi32>
      %lt3A_610 = arith.constant 0 : i32
      %lt3A_611 = vector.broadcast %lt3A_610 : i32 to vector<16xi32>
      %lt3A_612 = arith.cmpi slt, %and3A_609, %lt3A_611 : vector<16xi32>
      %add3A_613 = arith.constant 16 : i32
      %add3A_614 = vector.broadcast %add3A_613 : i32 to vector<16xi32>
      %add3A_615 = arith.addi %and3A_609, %add3A_614 : vector<16xi32>
      %select_n3A_616 = arith.select %lt3A_612, %add3A_615, %and3A_609 : vector<16xi1>, vector<16xi32>
      %broadcast_in_dim3A_617 = vector.shape_cast %select_n3A_616 : vector<16xi32> to vector<16x1xi32>
      %gather3A_618 = vector.shape_cast %broadcast_in_dim3A_617 : vector<16x1xi32> to vector<16xi32>
      %gather3A_619 = tpu.dynamic_gather %add3A_603[%gather3A_618] in [0] : vector<16xf32>, vector<16xi32> -> vector<16xf32>
      %add3A_620 = arith.addf %add3A_603, %gather3A_619 : vector<16xf32>
      %select_n3A_621 = arith.select %eq3A_552, %add3A_620, %select_n3A_526 : vector<16xi1>, vector<16xf32>
      %eq3A_622 = arith.constant 7 : i32
      %eq3A_623 = vector.broadcast %eq3A_622 : i32 to vector<16xi32>
      %eq3A_624 = arith.cmpi eq, %iota3A, %eq3A_623 : vector<16xi32>
      %add3A_625 = arith.constant 8 : i32
      %add3A_626 = vector.broadcast %add3A_625 : i32 to vector<16xi32>
      %add3A_627 = arith.addi %iota3A, %add3A_626 : vector<16xi32>
      %and3A_628 = arith.constant 15 : i32
      %and3A_629 = vector.broadcast %and3A_628 : i32 to vector<16xi32>
      %and3A_630 = arith.andi %add3A_627, %and3A_629 : vector<16xi32>
      %lt3A_631 = arith.constant 0 : i32
      %lt3A_632 = vector.broadcast %lt3A_631 : i32 to vector<16xi32>
      %lt3A_633 = arith.cmpi slt, %and3A_630, %lt3A_632 : vector<16xi32>
      %add3A_634 = arith.constant 16 : i32
      %add3A_635 = vector.broadcast %add3A_634 : i32 to vector<16xi32>
      %add3A_636 = arith.addi %and3A_630, %add3A_635 : vector<16xi32>
      %select_n3A_637 = arith.select %lt3A_633, %add3A_636, %and3A_630 : vector<16xi1>, vector<16xi32>
      %broadcast_in_dim3A_638 = vector.shape_cast %select_n3A_637 : vector<16xi32> to vector<16x1xi32>
      %gather3A_639 = vector.shape_cast %broadcast_in_dim3A_638 : vector<16x1xi32> to vector<16xi32>
      %gather3A_640 = tpu.dynamic_gather %scan3A_548#1[%gather3A_639] in [0] : vector<16xf32>, vector<16xi32> -> vector<16xf32>
      %add3A_641 = arith.addf %scan3A_548#1, %gather3A_640 : vector<16xf32>
      %add3A_642 = arith.constant 4 : i32
      %add3A_643 = vector.broadcast %add3A_642 : i32 to vector<16xi32>
      %add3A_644 = arith.addi %iota3A, %add3A_643 : vector<16xi32>
      %and3A_645 = arith.constant 15 : i32
      %and3A_646 = vector.broadcast %and3A_645 : i32 to vector<16xi32>
      %and3A_647 = arith.andi %add3A_644, %and3A_646 : vector<16xi32>
      %lt3A_648 = arith.constant 0 : i32
      %lt3A_649 = vector.broadcast %lt3A_648 : i32 to vector<16xi32>
      %lt3A_650 = arith.cmpi slt, %and3A_647, %lt3A_649 : vector<16xi32>
      %add3A_651 = arith.constant 16 : i32
      %add3A_652 = vector.broadcast %add3A_651 : i32 to vector<16xi32>
      %add3A_653 = arith.addi %and3A_647, %add3A_652 : vector<16xi32>
      %select_n3A_654 = arith.select %lt3A_650, %add3A_653, %and3A_647 : vector<16xi1>, vector<16xi32>
      %broadcast_in_dim3A_655 = vector.shape_cast %select_n3A_654 : vector<16xi32> to vector<16x1xi32>
      %gather3A_656 = vector.shape_cast %broadcast_in_dim3A_655 : vector<16x1xi32> to vector<16xi32>
      %gather3A_657 = tpu.dynamic_gather %add3A_641[%gather3A_656] in [0] : vector<16xf32>, vector<16xi32> -> vector<16xf32>
      %add3A_658 = arith.addf %add3A_641, %gather3A_657 : vector<16xf32>
      %add3A_659 = arith.constant 2 : i32
      %add3A_660 = vector.broadcast %add3A_659 : i32 to vector<16xi32>
      %add3A_661 = arith.addi %iota3A, %add3A_660 : vector<16xi32>
      %and3A_662 = arith.constant 15 : i32
      %and3A_663 = vector.broadcast %and3A_662 : i32 to vector<16xi32>
      %and3A_664 = arith.andi %add3A_661, %and3A_663 : vector<16xi32>
      %lt3A_665 = arith.constant 0 : i32
      %lt3A_666 = vector.broadcast %lt3A_665 : i32 to vector<16xi32>
      %lt3A_667 = arith.cmpi slt, %and3A_664, %lt3A_666 : vector<16xi32>
      %add3A_668 = arith.constant 16 : i32
      %add3A_669 = vector.broadcast %add3A_668 : i32 to vector<16xi32>
      %add3A_670 = arith.addi %and3A_664, %add3A_669 : vector<16xi32>
      %select_n3A_671 = arith.select %lt3A_667, %add3A_670, %and3A_664 : vector<16xi1>, vector<16xi32>
      %broadcast_in_dim3A_672 = vector.shape_cast %select_n3A_671 : vector<16xi32> to vector<16x1xi32>
      %gather3A_673 = vector.shape_cast %broadcast_in_dim3A_672 : vector<16x1xi32> to vector<16xi32>
      %gather3A_674 = tpu.dynamic_gather %add3A_658[%gather3A_673] in [0] : vector<16xf32>, vector<16xi32> -> vector<16xf32>
      %add3A_675 = arith.addf %add3A_658, %gather3A_674 : vector<16xf32>
      %add3A_676 = arith.constant 1 : i32
      %add3A_677 = vector.broadcast %add3A_676 : i32 to vector<16xi32>
      %add3A_678 = arith.addi %iota3A, %add3A_677 : vector<16xi32>
      %and3A_679 = arith.constant 15 : i32
      %and3A_680 = vector.broadcast %and3A_679 : i32 to vector<16xi32>
      %and3A_681 = arith.andi %add3A_678, %and3A_680 : vector<16xi32>
      %lt3A_682 = arith.constant 0 : i32
      %lt3A_683 = vector.broadcast %lt3A_682 : i32 to vector<16xi32>
      %lt3A_684 = arith.cmpi slt, %and3A_681, %lt3A_683 : vector<16xi32>
      %add3A_685 = arith.constant 16 : i32
      %add3A_686 = vector.broadcast %add3A_685 : i32 to vector<16xi32>
      %add3A_687 = arith.addi %and3A_681, %add3A_686 : vector<16xi32>
      %select_n3A_688 = arith.select %lt3A_684, %add3A_687, %and3A_681 : vector<16xi1>, vector<16xi32>
      %broadcast_in_dim3A_689 = vector.shape_cast %select_n3A_688 : vector<16xi32> to vector<16x1xi32>
      %gather3A_690 = vector.shape_cast %broadcast_in_dim3A_689 : vector<16x1xi32> to vector<16xi32>
      %gather3A_691 = tpu.dynamic_gather %add3A_675[%gather3A_690] in [0] : vector<16xf32>, vector<16xi32> -> vector<16xf32>
      %add3A_692 = arith.addf %add3A_675, %gather3A_691 : vector<16xf32>
      %select_n3A_693 = arith.select %eq3A_624, %add3A_692, %select_n3A_621 : vector<16xi1>, vector<16xf32>
      %add3A_694 = arith.constant 4 : i32
      %add3A_695 = arith.addi %add3A_537, %add3A_694 : i32
      %lt3A_696 = arith.constant 256 : i32
      %lt3A_697 = arith.cmpi slt, %add3A_695, %lt3A_696 : i32
      %convert_element_type3A_698 = arith.extui %lt3A_697 : i1 to i32
      %cond3A_699 = arith.constant 0 : i32
      %cond3A_700 = arith.cmpi ne, %convert_element_type3A_698, %cond3A_699 : i32
      scf.if %cond3A_700 {
        %dma_start3A_1375 = arith.constant 0 : i32
        %dma_start3A_1376 = tpu.memref_slice %arg7[%add3A_695, %dma_start3A_1375] : memref<256x100xi32, #tpu.memory_space<vmem>> -> memref<1x100xi32, #tpu.memory_space<vmem>>
        %dma_start3A_1377 = tpu.memref_squeeze %dma_start3A_1376 : memref<1x100xi32, #tpu.memory_space<vmem>> -> memref<100xi32, #tpu.memory_space<vmem>>
        %dma_start3A_1378 = arith.constant 0 : i32
        %dma_start3A_1379 = arith.constant 0 : i32
        %dma_start3A_1380 = tpu.memref_slice %arg5[%dma_start3A_1378, %dma_start3A_1379] : memref<1000000x128xf32, #tpu.memory_space<hbm>> -> memref<1000000x128xf32, #tpu.memory_space<hbm>>
        tpu.enqueue_indirect_dma source(%dma_start3A_1380 : memref<1000000x128xf32, #tpu.memory_space<hbm>>) target(%arg14 : memref<100x128xf32, #tpu.memory_space<vmem>>) offsets(%dma_start3A_1377 : memref<100xi32, #tpu.memory_space<vmem>>) semaphore(%arg18 : memref<!tpu.dma_semaphore, #tpu.memory_space<semaphore_mem>>)
      } else {
      }
      %mul3A_701 = arith.constant 8 : i32
      %mul3A_702 = arith.muli %scan3A_40, %mul3A_701 : i32
      %add3A_703 = arith.constant 4 : i32
      %add3A_704 = arith.addi %mul3A_702, %add3A_703 : i32
      %dma_wait3A_705 = arith.constant 0 : i32
      %dma_wait3A_706 = tpu.memref_slice %arg7[%add3A_704, %dma_wait3A_705] : memref<256x100xi32, #tpu.memory_space<vmem>> -> memref<1x100xi32, #tpu.memory_space<vmem>>
      %dma_wait3A_707 = tpu.memref_squeeze %dma_wait3A_706 : memref<1x100xi32, #tpu.memory_space<vmem>> -> memref<100xi32, #tpu.memory_space<vmem>>
      %dma_wait3A_708 = arith.constant 0 : i32
      %dma_wait3A_709 = arith.constant 0 : i32
      %dma_wait3A_710 = tpu.memref_slice %arg5[%dma_wait3A_708, %dma_wait3A_709] : memref<1000000x128xf32, #tpu.memory_space<hbm>> -> memref<1000000x128xf32, #tpu.memory_space<hbm>>
      tpu.wait_indirect_dma semaphore(%arg15 : memref<!tpu.dma_semaphore, #tpu.memory_space<semaphore_mem>>) src(%dma_wait3A_710 : memref<1000000x128xf32, #tpu.memory_space<hbm>>) dst(%arg11 : memref<100x128xf32, #tpu.memory_space<vmem>>)
      %scan3A_711 = arith.constant 0 : i32
      %scan3A_712 = arith.constant 50 : i32
      %scan3A_713 = arith.addi %scan3A_711, %scan3A_712 : i32
      %scan3A_714 = arith.constant 1 : i32
      %scan3A_715:2 = scf.for %scan3A_1375 = %scan3A_711 to %scan3A_713 step %scan3A_714 iter_args(%scan3A_1376 = %broadcast_in_dim3A_30, %scan3A_1377 = %broadcast_in_dim3A_30) -> (vector<16xf32>, vector<16xf32>)  : i32 {
        %get3A_1378 = arith.index_cast %scan3A_1375 : i32 to index
        %get3A_1379 = arith.constant 0 : index
        %get3A_1380 = tpu.vector_load %arg8[%get3A_1378, %get3A_1379] {strides = array<i32>} : memref<50x128xf32, #tpu.memory_space<vmem>>, vector<1x16xf32>,
        %get3A_1381 = vector.shape_cast %get3A_1380 : vector<1x16xf32> to vector<16xf32>
        %get3A_1382 = arith.index_cast %scan3A_1375 : i32 to index
        %get3A_1383 = arith.constant 0 : index
        %get3A_1384 = tpu.vector_load %arg11[%get3A_1382, %get3A_1383] {strides = array<i32>} : memref<100x128xf32, #tpu.memory_space<vmem>>, vector<1x16xf32>,
        %get3A_1385 = vector.shape_cast %get3A_1384 : vector<1x16xf32> to vector<16xf32>
        %mul3A_1386 = arith.mulf %get3A_1385, %get3A_1381 : vector<16xf32>
        %add3A_1387 = arith.addf %scan3A_1376, %mul3A_1386 : vector<16xf32>
        %add3A_1388 = arith.constant 50 : i32
        %add3A_1389 = arith.addi %add3A_1388, %scan3A_1375 : i32
        %get3A_1390 = arith.index_cast %add3A_1389 : i32 to index
        %get3A_1391 = arith.constant 0 : index
        %get3A_1392 = tpu.vector_load %arg11[%get3A_1390, %get3A_1391] {strides = array<i32>} : memref<100x128xf32, #tpu.memory_space<vmem>>, vector<1x16xf32>,
        %get3A_1393 = vector.shape_cast %get3A_1392 : vector<1x16xf32> to vector<16xf32>
        %mul3A_1394 = arith.mulf %get3A_1393, %get3A_1381 : vector<16xf32>
        %add3A_1395 = arith.addf %scan3A_1377, %mul3A_1394 : vector<16xf32>
        %get3A_1396 = arith.index_cast %scan3A_1375 : i32 to index
        %get3A_1397 = arith.constant 16 : index
        %get3A_1398 = tpu.vector_load %arg8[%get3A_1396, %get3A_1397] {strides = array<i32>} : memref<50x128xf32, #tpu.memory_space<vmem>>, vector<1x16xf32>,
        %get3A_1399 = vector.shape_cast %get3A_1398 : vector<1x16xf32> to vector<16xf32>
        %get3A_1400 = arith.index_cast %scan3A_1375 : i32 to index
        %get3A_1401 = arith.constant 16 : index
        %get3A_1402 = tpu.vector_load %arg11[%get3A_1400, %get3A_1401] {strides = array<i32>} : memref<100x128xf32, #tpu.memory_space<vmem>>, vector<1x16xf32>,
        %get3A_1403 = vector.shape_cast %get3A_1402 : vector<1x16xf32> to vector<16xf32>
        %mul3A_1404 = arith.mulf %get3A_1403, %get3A_1399 : vector<16xf32>
        %add3A_1405 = arith.addf %add3A_1387, %mul3A_1404 : vector<16xf32>
        %add3A_1406 = arith.constant 50 : i32
        %add3A_1407 = arith.addi %add3A_1406, %scan3A_1375 : i32
        %get3A_1408 = arith.index_cast %add3A_1407 : i32 to index
        %get3A_1409 = arith.constant 16 : index
        %get3A_1410 = tpu.vector_load %arg11[%get3A_1408, %get3A_1409] {strides = array<i32>} : memref<100x128xf32, #tpu.memory_space<vmem>>, vector<1x16xf32>,
        %get3A_1411 = vector.shape_cast %get3A_1410 : vector<1x16xf32> to vector<16xf32>
        %mul3A_1412 = arith.mulf %get3A_1411, %get3A_1399 : vector<16xf32>
        %add3A_1413 = arith.addf %add3A_1395, %mul3A_1412 : vector<16xf32>
        %get3A_1414 = arith.index_cast %scan3A_1375 : i32 to index
        %get3A_1415 = arith.constant 32 : index
        %get3A_1416 = tpu.vector_load %arg8[%get3A_1414, %get3A_1415] {strides = array<i32>} : memref<50x128xf32, #tpu.memory_space<vmem>>, vector<1x16xf32>,
        %get3A_1417 = vector.shape_cast %get3A_1416 : vector<1x16xf32> to vector<16xf32>
        %get3A_1418 = arith.index_cast %scan3A_1375 : i32 to index
        %get3A_1419 = arith.constant 32 : index
        %get3A_1420 = tpu.vector_load %arg11[%get3A_1418, %get3A_1419] {strides = array<i32>} : memref<100x128xf32, #tpu.memory_space<vmem>>, vector<1x16xf32>,
        %get3A_1421 = vector.shape_cast %get3A_1420 : vector<1x16xf32> to vector<16xf32>
        %mul3A_1422 = arith.mulf %get3A_1421, %get3A_1417 : vector<16xf32>
        %add3A_1423 = arith.addf %add3A_1405, %mul3A_1422 : vector<16xf32>
        %add3A_1424 = arith.constant 50 : i32
        %add3A_1425 = arith.addi %add3A_1424, %scan3A_1375 : i32
        %get3A_1426 = arith.index_cast %add3A_1425 : i32 to index
        %get3A_1427 = arith.constant 32 : index
        %get3A_1428 = tpu.vector_load %arg11[%get3A_1426, %get3A_1427] {strides = array<i32>} : memref<100x128xf32, #tpu.memory_space<vmem>>, vector<1x16xf32>,
        %get3A_1429 = vector.shape_cast %get3A_1428 : vector<1x16xf32> to vector<16xf32>
        %mul3A_1430 = arith.mulf %get3A_1429, %get3A_1417 : vector<16xf32>
        %add3A_1431 = arith.addf %add3A_1413, %mul3A_1430 : vector<16xf32>
        %get3A_1432 = arith.index_cast %scan3A_1375 : i32 to index
        %get3A_1433 = arith.constant 48 : index
        %get3A_1434 = tpu.vector_load %arg8[%get3A_1432, %get3A_1433] {strides = array<i32>} : memref<50x128xf32, #tpu.memory_space<vmem>>, vector<1x16xf32>,
        %get3A_1435 = vector.shape_cast %get3A_1434 : vector<1x16xf32> to vector<16xf32>
        %get3A_1436 = arith.index_cast %scan3A_1375 : i32 to index
        %get3A_1437 = arith.constant 48 : index
        %get3A_1438 = tpu.vector_load %arg11[%get3A_1436, %get3A_1437] {strides = array<i32>} : memref<100x128xf32, #tpu.memory_space<vmem>>, vector<1x16xf32>,
        %get3A_1439 = vector.shape_cast %get3A_1438 : vector<1x16xf32> to vector<16xf32>
        %mul3A_1440 = arith.mulf %get3A_1439, %get3A_1435 : vector<16xf32>
        %add3A_1441 = arith.addf %add3A_1423, %mul3A_1440 : vector<16xf32>
        %add3A_1442 = arith.constant 50 : i32
        %add3A_1443 = arith.addi %add3A_1442, %scan3A_1375 : i32
        %get3A_1444 = arith.index_cast %add3A_1443 : i32 to index
        %get3A_1445 = arith.constant 48 : index
        %get3A_1446 = tpu.vector_load %arg11[%get3A_1444, %get3A_1445] {strides = array<i32>} : memref<100x128xf32, #tpu.memory_space<vmem>>, vector<1x16xf32>,
        %get3A_1447 = vector.shape_cast %get3A_1446 : vector<1x16xf32> to vector<16xf32>
        %mul3A_1448 = arith.mulf %get3A_1447, %get3A_1435 : vector<16xf32>
        %add3A_1449 = arith.addf %add3A_1431, %mul3A_1448 : vector<16xf32>
        %get3A_1450 = arith.index_cast %scan3A_1375 : i32 to index
        %get3A_1451 = arith.constant 64 : index
        %get3A_1452 = tpu.vector_load %arg8[%get3A_1450, %get3A_1451] {strides = array<i32>} : memref<50x128xf32, #tpu.memory_space<vmem>>, vector<1x16xf32>,
        %get3A_1453 = vector.shape_cast %get3A_1452 : vector<1x16xf32> to vector<16xf32>
        %get3A_1454 = arith.index_cast %scan3A_1375 : i32 to index
        %get3A_1455 = arith.constant 64 : index
        %get3A_1456 = tpu.vector_load %arg11[%get3A_1454, %get3A_1455] {strides = array<i32>} : memref<100x128xf32, #tpu.memory_space<vmem>>, vector<1x16xf32>,
        %get3A_1457 = vector.shape_cast %get3A_1456 : vector<1x16xf32> to vector<16xf32>
        %mul3A_1458 = arith.mulf %get3A_1457, %get3A_1453 : vector<16xf32>
        %add3A_1459 = arith.addf %add3A_1441, %mul3A_1458 : vector<16xf32>
        %add3A_1460 = arith.constant 50 : i32
        %add3A_1461 = arith.addi %add3A_1460, %scan3A_1375 : i32
        %get3A_1462 = arith.index_cast %add3A_1461 : i32 to index
        %get3A_1463 = arith.constant 64 : index
        %get3A_1464 = tpu.vector_load %arg11[%get3A_1462, %get3A_1463] {strides = array<i32>} : memref<100x128xf32, #tpu.memory_space<vmem>>, vector<1x16xf32>,
        %get3A_1465 = vector.shape_cast %get3A_1464 : vector<1x16xf32> to vector<16xf32>
        %mul3A_1466 = arith.mulf %get3A_1465, %get3A_1453 : vector<16xf32>
        %add3A_1467 = arith.addf %add3A_1449, %mul3A_1466 : vector<16xf32>
        %get3A_1468 = arith.index_cast %scan3A_1375 : i32 to index
        %get3A_1469 = arith.constant 80 : index
        %get3A_1470 = tpu.vector_load %arg8[%get3A_1468, %get3A_1469] {strides = array<i32>} : memref<50x128xf32, #tpu.memory_space<vmem>>, vector<1x16xf32>,
        %get3A_1471 = vector.shape_cast %get3A_1470 : vector<1x16xf32> to vector<16xf32>
        %get3A_1472 = arith.index_cast %scan3A_1375 : i32 to index
        %get3A_1473 = arith.constant 80 : index
        %get3A_1474 = tpu.vector_load %arg11[%get3A_1472, %get3A_1473] {strides = array<i32>} : memref<100x128xf32, #tpu.memory_space<vmem>>, vector<1x16xf32>,
        %get3A_1475 = vector.shape_cast %get3A_1474 : vector<1x16xf32> to vector<16xf32>
        %mul3A_1476 = arith.mulf %get3A_1475, %get3A_1471 : vector<16xf32>
        %add3A_1477 = arith.addf %add3A_1459, %mul3A_1476 : vector<16xf32>
        %add3A_1478 = arith.constant 50 : i32
        %add3A_1479 = arith.addi %add3A_1478, %scan3A_1375 : i32
        %get3A_1480 = arith.index_cast %add3A_1479 : i32 to index
        %get3A_1481 = arith.constant 80 : index
        %get3A_1482 = tpu.vector_load %arg11[%get3A_1480, %get3A_1481] {strides = array<i32>} : memref<100x128xf32, #tpu.memory_space<vmem>>, vector<1x16xf32>,
        %get3A_1483 = vector.shape_cast %get3A_1482 : vector<1x16xf32> to vector<16xf32>
        %mul3A_1484 = arith.mulf %get3A_1483, %get3A_1471 : vector<16xf32>
        %add3A_1485 = arith.addf %add3A_1467, %mul3A_1484 : vector<16xf32>
        %get3A_1486 = arith.index_cast %scan3A_1375 : i32 to index
        %get3A_1487 = arith.constant 96 : index
        %get3A_1488 = tpu.vector_load %arg8[%get3A_1486, %get3A_1487] {strides = array<i32>} : memref<50x128xf32, #tpu.memory_space<vmem>>, vector<1x16xf32>,
        %get3A_1489 = vector.shape_cast %get3A_1488 : vector<1x16xf32> to vector<16xf32>
        %get3A_1490 = arith.index_cast %scan3A_1375 : i32 to index
        %get3A_1491 = arith.constant 96 : index
        %get3A_1492 = tpu.vector_load %arg11[%get3A_1490, %get3A_1491] {strides = array<i32>} : memref<100x128xf32, #tpu.memory_space<vmem>>, vector<1x16xf32>,
        %get3A_1493 = vector.shape_cast %get3A_1492 : vector<1x16xf32> to vector<16xf32>
        %mul3A_1494 = arith.mulf %get3A_1493, %get3A_1489 : vector<16xf32>
        %add3A_1495 = arith.addf %add3A_1477, %mul3A_1494 : vector<16xf32>
        %add3A_1496 = arith.constant 50 : i32
        %add3A_1497 = arith.addi %add3A_1496, %scan3A_1375 : i32
        %get3A_1498 = arith.index_cast %add3A_1497 : i32 to index
        %get3A_1499 = arith.constant 96 : index
        %get3A_1500 = tpu.vector_load %arg11[%get3A_1498, %get3A_1499] {strides = array<i32>} : memref<100x128xf32, #tpu.memory_space<vmem>>, vector<1x16xf32>,
        %get3A_1501 = vector.shape_cast %get3A_1500 : vector<1x16xf32> to vector<16xf32>
        %mul3A_1502 = arith.mulf %get3A_1501, %get3A_1489 : vector<16xf32>
        %add3A_1503 = arith.addf %add3A_1485, %mul3A_1502 : vector<16xf32>
        %get3A_1504 = arith.index_cast %scan3A_1375 : i32 to index
        %get3A_1505 = arith.constant 112 : index
        %get3A_1506 = tpu.vector_load %arg8[%get3A_1504, %get3A_1505] {strides = array<i32>} : memref<50x128xf32, #tpu.memory_space<vmem>>, vector<1x16xf32>,
        %get3A_1507 = vector.shape_cast %get3A_1506 : vector<1x16xf32> to vector<16xf32>
        %get3A_1508 = arith.index_cast %scan3A_1375 : i32 to index
        %get3A_1509 = arith.constant 112 : index
        %get3A_1510 = tpu.vector_load %arg11[%get3A_1508, %get3A_1509] {strides = array<i32>} : memref<100x128xf32, #tpu.memory_space<vmem>>, vector<1x16xf32>,
        %get3A_1511 = vector.shape_cast %get3A_1510 : vector<1x16xf32> to vector<16xf32>
        %mul3A_1512 = arith.mulf %get3A_1511, %get3A_1507 : vector<16xf32>
        %add3A_1513 = arith.addf %add3A_1495, %mul3A_1512 : vector<16xf32>
        %add3A_1514 = arith.constant 50 : i32
        %add3A_1515 = arith.addi %add3A_1514, %scan3A_1375 : i32
        %get3A_1516 = arith.index_cast %add3A_1515 : i32 to index
        %get3A_1517 = arith.constant 112 : index
        %get3A_1518 = tpu.vector_load %arg11[%get3A_1516, %get3A_1517] {strides = array<i32>} : memref<100x128xf32, #tpu.memory_space<vmem>>, vector<1x16xf32>,
        %get3A_1519 = vector.shape_cast %get3A_1518 : vector<1x16xf32> to vector<16xf32>
        %mul3A_1520 = arith.mulf %get3A_1519, %get3A_1507 : vector<16xf32>
        %add3A_1521 = arith.addf %add3A_1503, %mul3A_1520 : vector<16xf32>
        scf.yield %add3A_1513, %add3A_1521 : vector<16xf32>, vector<16xf32>
      }
      %scan3A_716 = arith.constant 50 : i32
      %eq3A_717 = arith.constant 8 : i32
      %eq3A_718 = vector.broadcast %eq3A_717 : i32 to vector<16xi32>
      %eq3A_719 = arith.cmpi eq, %iota3A, %eq3A_718 : vector<16xi32>
      %add3A_720 = arith.constant 8 : i32
      %add3A_721 = vector.broadcast %add3A_720 : i32 to vector<16xi32>
      %add3A_722 = arith.addi %iota3A, %add3A_721 : vector<16xi32>
      %and3A_723 = arith.constant 15 : i32
      %and3A_724 = vector.broadcast %and3A_723 : i32 to vector<16xi32>
      %and3A_725 = arith.andi %add3A_722, %and3A_724 : vector<16xi32>
      %lt3A_726 = arith.constant 0 : i32
      %lt3A_727 = vector.broadcast %lt3A_726 : i32 to vector<16xi32>
      %lt3A_728 = arith.cmpi slt, %and3A_725, %lt3A_727 : vector<16xi32>
      %add3A_729 = arith.constant 16 : i32
      %add3A_730 = vector.broadcast %add3A_729 : i32 to vector<16xi32>
      %add3A_731 = arith.addi %and3A_725, %add3A_730 : vector<16xi32>
      %select_n3A_732 = arith.select %lt3A_728, %add3A_731, %and3A_725 : vector<16xi1>, vector<16xi32>
      %broadcast_in_dim3A_733 = vector.shape_cast %select_n3A_732 : vector<16xi32> to vector<16x1xi32>
      %gather3A_734 = vector.shape_cast %broadcast_in_dim3A_733 : vector<16x1xi32> to vector<16xi32>
      %gather3A_735 = tpu.dynamic_gather %scan3A_715#0[%gather3A_734] in [0] : vector<16xf32>, vector<16xi32> -> vector<16xf32>
      %add3A_736 = arith.addf %scan3A_715#0, %gather3A_735 : vector<16xf32>
      %add3A_737 = arith.constant 4 : i32
      %add3A_738 = vector.broadcast %add3A_737 : i32 to vector<16xi32>
      %add3A_739 = arith.addi %iota3A, %add3A_738 : vector<16xi32>
      %and3A_740 = arith.constant 15 : i32
      %and3A_741 = vector.broadcast %and3A_740 : i32 to vector<16xi32>
      %and3A_742 = arith.andi %add3A_739, %and3A_741 : vector<16xi32>
      %lt3A_743 = arith.constant 0 : i32
      %lt3A_744 = vector.broadcast %lt3A_743 : i32 to vector<16xi32>
      %lt3A_745 = arith.cmpi slt, %and3A_742, %lt3A_744 : vector<16xi32>
      %add3A_746 = arith.constant 16 : i32
      %add3A_747 = vector.broadcast %add3A_746 : i32 to vector<16xi32>
      %add3A_748 = arith.addi %and3A_742, %add3A_747 : vector<16xi32>
      %select_n3A_749 = arith.select %lt3A_745, %add3A_748, %and3A_742 : vector<16xi1>, vector<16xi32>
      %broadcast_in_dim3A_750 = vector.shape_cast %select_n3A_749 : vector<16xi32> to vector<16x1xi32>
      %gather3A_751 = vector.shape_cast %broadcast_in_dim3A_750 : vector<16x1xi32> to vector<16xi32>
      %gather3A_752 = tpu.dynamic_gather %add3A_736[%gather3A_751] in [0] : vector<16xf32>, vector<16xi32> -> vector<16xf32>
      %add3A_753 = arith.addf %add3A_736, %gather3A_752 : vector<16xf32>
      %add3A_754 = arith.constant 2 : i32
      %add3A_755 = vector.broadcast %add3A_754 : i32 to vector<16xi32>
      %add3A_756 = arith.addi %iota3A, %add3A_755 : vector<16xi32>
      %and3A_757 = arith.constant 15 : i32
      %and3A_758 = vector.broadcast %and3A_757 : i32 to vector<16xi32>
      %and3A_759 = arith.andi %add3A_756, %and3A_758 : vector<16xi32>
      %lt3A_760 = arith.constant 0 : i32
      %lt3A_761 = vector.broadcast %lt3A_760 : i32 to vector<16xi32>
      %lt3A_762 = arith.cmpi slt, %and3A_759, %lt3A_761 : vector<16xi32>
      %add3A_763 = arith.constant 16 : i32
      %add3A_764 = vector.broadcast %add3A_763 : i32 to vector<16xi32>
      %add3A_765 = arith.addi %and3A_759, %add3A_764 : vector<16xi32>
      %select_n3A_766 = arith.select %lt3A_762, %add3A_765, %and3A_759 : vector<16xi1>, vector<16xi32>
      %broadcast_in_dim3A_767 = vector.shape_cast %select_n3A_766 : vector<16xi32> to vector<16x1xi32>
      %gather3A_768 = vector.shape_cast %broadcast_in_dim3A_767 : vector<16x1xi32> to vector<16xi32>
      %gather3A_769 = tpu.dynamic_gather %add3A_753[%gather3A_768] in [0] : vector<16xf32>, vector<16xi32> -> vector<16xf32>
      %add3A_770 = arith.addf %add3A_753, %gather3A_769 : vector<16xf32>
      %add3A_771 = arith.constant 1 : i32
      %add3A_772 = vector.broadcast %add3A_771 : i32 to vector<16xi32>
      %add3A_773 = arith.addi %iota3A, %add3A_772 : vector<16xi32>
      %and3A_774 = arith.constant 15 : i32
      %and3A_775 = vector.broadcast %and3A_774 : i32 to vector<16xi32>
      %and3A_776 = arith.andi %add3A_773, %and3A_775 : vector<16xi32>
      %lt3A_777 = arith.constant 0 : i32
      %lt3A_778 = vector.broadcast %lt3A_777 : i32 to vector<16xi32>
      %lt3A_779 = arith.cmpi slt, %and3A_776, %lt3A_778 : vector<16xi32>
      %add3A_780 = arith.constant 16 : i32
      %add3A_781 = vector.broadcast %add3A_780 : i32 to vector<16xi32>
      %add3A_782 = arith.addi %and3A_776, %add3A_781 : vector<16xi32>
      %select_n3A_783 = arith.select %lt3A_779, %add3A_782, %and3A_776 : vector<16xi1>, vector<16xi32>
      %broadcast_in_dim3A_784 = vector.shape_cast %select_n3A_783 : vector<16xi32> to vector<16x1xi32>
      %gather3A_785 = vector.shape_cast %broadcast_in_dim3A_784 : vector<16x1xi32> to vector<16xi32>
      %gather3A_786 = tpu.dynamic_gather %add3A_770[%gather3A_785] in [0] : vector<16xf32>, vector<16xi32> -> vector<16xf32>
      %add3A_787 = arith.addf %add3A_770, %gather3A_786 : vector<16xf32>
      %select_n3A_788 = arith.select %eq3A_719, %add3A_787, %select_n3A_693 : vector<16xi1>, vector<16xf32>
      %eq3A_789 = arith.constant 9 : i32
      %eq3A_790 = vector.broadcast %eq3A_789 : i32 to vector<16xi32>
      %eq3A_791 = arith.cmpi eq, %iota3A, %eq3A_790 : vector<16xi32>
      %add3A_792 = arith.constant 8 : i32
      %add3A_793 = vector.broadcast %add3A_792 : i32 to vector<16xi32>
      %add3A_794 = arith.addi %iota3A, %add3A_793 : vector<16xi32>
      %and3A_795 = arith.constant 15 : i32
      %and3A_796 = vector.broadcast %and3A_795 : i32 to vector<16xi32>
      %and3A_797 = arith.andi %add3A_794, %and3A_796 : vector<16xi32>
      %lt3A_798 = arith.constant 0 : i32
      %lt3A_799 = vector.broadcast %lt3A_798 : i32 to vector<16xi32>
      %lt3A_800 = arith.cmpi slt, %and3A_797, %lt3A_799 : vector<16xi32>
      %add3A_801 = arith.constant 16 : i32
      %add3A_802 = vector.broadcast %add3A_801 : i32 to vector<16xi32>
      %add3A_803 = arith.addi %and3A_797, %add3A_802 : vector<16xi32>
      %select_n3A_804 = arith.select %lt3A_800, %add3A_803, %and3A_797 : vector<16xi1>, vector<16xi32>
      %broadcast_in_dim3A_805 = vector.shape_cast %select_n3A_804 : vector<16xi32> to vector<16x1xi32>
      %gather3A_806 = vector.shape_cast %broadcast_in_dim3A_805 : vector<16x1xi32> to vector<16xi32>
      %gather3A_807 = tpu.dynamic_gather %scan3A_715#1[%gather3A_806] in [0] : vector<16xf32>, vector<16xi32> -> vector<16xf32>
      %add3A_808 = arith.addf %scan3A_715#1, %gather3A_807 : vector<16xf32>
      %add3A_809 = arith.constant 4 : i32
      %add3A_810 = vector.broadcast %add3A_809 : i32 to vector<16xi32>
      %add3A_811 = arith.addi %iota3A, %add3A_810 : vector<16xi32>
      %and3A_812 = arith.constant 15 : i32
      %and3A_813 = vector.broadcast %and3A_812 : i32 to vector<16xi32>
      %and3A_814 = arith.andi %add3A_811, %and3A_813 : vector<16xi32>
      %lt3A_815 = arith.constant 0 : i32
      %lt3A_816 = vector.broadcast %lt3A_815 : i32 to vector<16xi32>
      %lt3A_817 = arith.cmpi slt, %and3A_814, %lt3A_816 : vector<16xi32>
      %add3A_818 = arith.constant 16 : i32
      %add3A_819 = vector.broadcast %add3A_818 : i32 to vector<16xi32>
      %add3A_820 = arith.addi %and3A_814, %add3A_819 : vector<16xi32>
      %select_n3A_821 = arith.select %lt3A_817, %add3A_820, %and3A_814 : vector<16xi1>, vector<16xi32>
      %broadcast_in_dim3A_822 = vector.shape_cast %select_n3A_821 : vector<16xi32> to vector<16x1xi32>
      %gather3A_823 = vector.shape_cast %broadcast_in_dim3A_822 : vector<16x1xi32> to vector<16xi32>
      %gather3A_824 = tpu.dynamic_gather %add3A_808[%gather3A_823] in [0] : vector<16xf32>, vector<16xi32> -> vector<16xf32>
      %add3A_825 = arith.addf %add3A_808, %gather3A_824 : vector<16xf32>
      %add3A_826 = arith.constant 2 : i32
      %add3A_827 = vector.broadcast %add3A_826 : i32 to vector<16xi32>
      %add3A_828 = arith.addi %iota3A, %add3A_827 : vector<16xi32>
      %and3A_829 = arith.constant 15 : i32
      %and3A_830 = vector.broadcast %and3A_829 : i32 to vector<16xi32>
      %and3A_831 = arith.andi %add3A_828, %and3A_830 : vector<16xi32>
      %lt3A_832 = arith.constant 0 : i32
      %lt3A_833 = vector.broadcast %lt3A_832 : i32 to vector<16xi32>
      %lt3A_834 = arith.cmpi slt, %and3A_831, %lt3A_833 : vector<16xi32>
      %add3A_835 = arith.constant 16 : i32
      %add3A_836 = vector.broadcast %add3A_835 : i32 to vector<16xi32>
      %add3A_837 = arith.addi %and3A_831, %add3A_836 : vector<16xi32>
      %select_n3A_838 = arith.select %lt3A_834, %add3A_837, %and3A_831 : vector<16xi1>, vector<16xi32>
      %broadcast_in_dim3A_839 = vector.shape_cast %select_n3A_838 : vector<16xi32> to vector<16x1xi32>
      %gather3A_840 = vector.shape_cast %broadcast_in_dim3A_839 : vector<16x1xi32> to vector<16xi32>
      %gather3A_841 = tpu.dynamic_gather %add3A_825[%gather3A_840] in [0] : vector<16xf32>, vector<16xi32> -> vector<16xf32>
      %add3A_842 = arith.addf %add3A_825, %gather3A_841 : vector<16xf32>
      %add3A_843 = arith.constant 1 : i32
      %add3A_844 = vector.broadcast %add3A_843 : i32 to vector<16xi32>
      %add3A_845 = arith.addi %iota3A, %add3A_844 : vector<16xi32>
      %and3A_846 = arith.constant 15 : i32
      %and3A_847 = vector.broadcast %and3A_846 : i32 to vector<16xi32>
      %and3A_848 = arith.andi %add3A_845, %and3A_847 : vector<16xi32>
      %lt3A_849 = arith.constant 0 : i32
      %lt3A_850 = vector.broadcast %lt3A_849 : i32 to vector<16xi32>
      %lt3A_851 = arith.cmpi slt, %and3A_848, %lt3A_850 : vector<16xi32>
      %add3A_852 = arith.constant 16 : i32
      %add3A_853 = vector.broadcast %add3A_852 : i32 to vector<16xi32>
      %add3A_854 = arith.addi %and3A_848, %add3A_853 : vector<16xi32>
      %select_n3A_855 = arith.select %lt3A_851, %add3A_854, %and3A_848 : vector<16xi1>, vector<16xi32>
      %broadcast_in_dim3A_856 = vector.shape_cast %select_n3A_855 : vector<16xi32> to vector<16x1xi32>
      %gather3A_857 = vector.shape_cast %broadcast_in_dim3A_856 : vector<16x1xi32> to vector<16xi32>
      %gather3A_858 = tpu.dynamic_gather %add3A_842[%gather3A_857] in [0] : vector<16xf32>, vector<16xi32> -> vector<16xf32>
      %add3A_859 = arith.addf %add3A_842, %gather3A_858 : vector<16xf32>
      %select_n3A_860 = arith.select %eq3A_791, %add3A_859, %select_n3A_788 : vector<16xi1>, vector<16xf32>
      %add3A_861 = arith.constant 4 : i32
      %add3A_862 = arith.addi %add3A_704, %add3A_861 : i32
      %lt3A_863 = arith.constant 256 : i32
      %lt3A_864 = arith.cmpi slt, %add3A_862, %lt3A_863 : i32
      %convert_element_type3A_865 = arith.extui %lt3A_864 : i1 to i32
      %cond3A_866 = arith.constant 0 : i32
      %cond3A_867 = arith.cmpi ne, %convert_element_type3A_865, %cond3A_866 : i32
      scf.if %cond3A_867 {
        %dma_start3A_1375 = arith.constant 0 : i32
        %dma_start3A_1376 = tpu.memref_slice %arg7[%add3A_862, %dma_start3A_1375] : memref<256x100xi32, #tpu.memory_space<vmem>> -> memref<1x100xi32, #tpu.memory_space<vmem>>
        %dma_start3A_1377 = tpu.memref_squeeze %dma_start3A_1376 : memref<1x100xi32, #tpu.memory_space<vmem>> -> memref<100xi32, #tpu.memory_space<vmem>>
        %dma_start3A_1378 = arith.constant 0 : i32
        %dma_start3A_1379 = arith.constant 0 : i32
        %dma_start3A_1380 = tpu.memref_slice %arg5[%dma_start3A_1378, %dma_start3A_1379] : memref<1000000x128xf32, #tpu.memory_space<hbm>> -> memref<1000000x128xf32, #tpu.memory_space<hbm>>
        tpu.enqueue_indirect_dma source(%dma_start3A_1380 : memref<1000000x128xf32, #tpu.memory_space<hbm>>) target(%arg11 : memref<100x128xf32, #tpu.memory_space<vmem>>) offsets(%dma_start3A_1377 : memref<100xi32, #tpu.memory_space<vmem>>) semaphore(%arg15 : memref<!tpu.dma_semaphore, #tpu.memory_space<semaphore_mem>>)
      } else {
      }
      %mul3A_868 = arith.constant 8 : i32
      %mul3A_869 = arith.muli %scan3A_40, %mul3A_868 : i32
      %add3A_870 = arith.constant 5 : i32
      %add3A_871 = arith.addi %mul3A_869, %add3A_870 : i32
      %dma_wait3A_872 = arith.constant 0 : i32
      %dma_wait3A_873 = tpu.memref_slice %arg7[%add3A_871, %dma_wait3A_872] : memref<256x100xi32, #tpu.memory_space<vmem>> -> memref<1x100xi32, #tpu.memory_space<vmem>>
      %dma_wait3A_874 = tpu.memref_squeeze %dma_wait3A_873 : memref<1x100xi32, #tpu.memory_space<vmem>> -> memref<100xi32, #tpu.memory_space<vmem>>
      %dma_wait3A_875 = arith.constant 0 : i32
      %dma_wait3A_876 = arith.constant 0 : i32
      %dma_wait3A_877 = tpu.memref_slice %arg5[%dma_wait3A_875, %dma_wait3A_876] : memref<1000000x128xf32, #tpu.memory_space<hbm>> -> memref<1000000x128xf32, #tpu.memory_space<hbm>>
      tpu.wait_indirect_dma semaphore(%arg16 : memref<!tpu.dma_semaphore, #tpu.memory_space<semaphore_mem>>) src(%dma_wait3A_877 : memref<1000000x128xf32, #tpu.memory_space<hbm>>) dst(%arg12 : memref<100x128xf32, #tpu.memory_space<vmem>>)
      %scan3A_878 = arith.constant 0 : i32
      %scan3A_879 = arith.constant 50 : i32
      %scan3A_880 = arith.addi %scan3A_878, %scan3A_879 : i32
      %scan3A_881 = arith.constant 1 : i32
      %scan3A_882:2 = scf.for %scan3A_1375 = %scan3A_878 to %scan3A_880 step %scan3A_881 iter_args(%scan3A_1376 = %broadcast_in_dim3A_30, %scan3A_1377 = %broadcast_in_dim3A_30) -> (vector<16xf32>, vector<16xf32>)  : i32 {
        %get3A_1378 = arith.index_cast %scan3A_1375 : i32 to index
        %get3A_1379 = arith.constant 0 : index
        %get3A_1380 = tpu.vector_load %arg8[%get3A_1378, %get3A_1379] {strides = array<i32>} : memref<50x128xf32, #tpu.memory_space<vmem>>, vector<1x16xf32>,
        %get3A_1381 = vector.shape_cast %get3A_1380 : vector<1x16xf32> to vector<16xf32>
        %get3A_1382 = arith.index_cast %scan3A_1375 : i32 to index
        %get3A_1383 = arith.constant 0 : index
        %get3A_1384 = tpu.vector_load %arg12[%get3A_1382, %get3A_1383] {strides = array<i32>} : memref<100x128xf32, #tpu.memory_space<vmem>>, vector<1x16xf32>,
        %get3A_1385 = vector.shape_cast %get3A_1384 : vector<1x16xf32> to vector<16xf32>
        %mul3A_1386 = arith.mulf %get3A_1385, %get3A_1381 : vector<16xf32>
        %add3A_1387 = arith.addf %scan3A_1376, %mul3A_1386 : vector<16xf32>
        %add3A_1388 = arith.constant 50 : i32
        %add3A_1389 = arith.addi %add3A_1388, %scan3A_1375 : i32
        %get3A_1390 = arith.index_cast %add3A_1389 : i32 to index
        %get3A_1391 = arith.constant 0 : index
        %get3A_1392 = tpu.vector_load %arg12[%get3A_1390, %get3A_1391] {strides = array<i32>} : memref<100x128xf32, #tpu.memory_space<vmem>>, vector<1x16xf32>,
        %get3A_1393 = vector.shape_cast %get3A_1392 : vector<1x16xf32> to vector<16xf32>
        %mul3A_1394 = arith.mulf %get3A_1393, %get3A_1381 : vector<16xf32>
        %add3A_1395 = arith.addf %scan3A_1377, %mul3A_1394 : vector<16xf32>
        %get3A_1396 = arith.index_cast %scan3A_1375 : i32 to index
        %get3A_1397 = arith.constant 16 : index
        %get3A_1398 = tpu.vector_load %arg8[%get3A_1396, %get3A_1397] {strides = array<i32>} : memref<50x128xf32, #tpu.memory_space<vmem>>, vector<1x16xf32>,
        %get3A_1399 = vector.shape_cast %get3A_1398 : vector<1x16xf32> to vector<16xf32>
        %get3A_1400 = arith.index_cast %scan3A_1375 : i32 to index
        %get3A_1401 = arith.constant 16 : index
        %get3A_1402 = tpu.vector_load %arg12[%get3A_1400, %get3A_1401] {strides = array<i32>} : memref<100x128xf32, #tpu.memory_space<vmem>>, vector<1x16xf32>,
        %get3A_1403 = vector.shape_cast %get3A_1402 : vector<1x16xf32> to vector<16xf32>
        %mul3A_1404 = arith.mulf %get3A_1403, %get3A_1399 : vector<16xf32>
        %add3A_1405 = arith.addf %add3A_1387, %mul3A_1404 : vector<16xf32>
        %add3A_1406 = arith.constant 50 : i32
        %add3A_1407 = arith.addi %add3A_1406, %scan3A_1375 : i32
        %get3A_1408 = arith.index_cast %add3A_1407 : i32 to index
        %get3A_1409 = arith.constant 16 : index
        %get3A_1410 = tpu.vector_load %arg12[%get3A_1408, %get3A_1409] {strides = array<i32>} : memref<100x128xf32, #tpu.memory_space<vmem>>, vector<1x16xf32>,
        %get3A_1411 = vector.shape_cast %get3A_1410 : vector<1x16xf32> to vector<16xf32>
        %mul3A_1412 = arith.mulf %get3A_1411, %get3A_1399 : vector<16xf32>
        %add3A_1413 = arith.addf %add3A_1395, %mul3A_1412 : vector<16xf32>
        %get3A_1414 = arith.index_cast %scan3A_1375 : i32 to index
        %get3A_1415 = arith.constant 32 : index
        %get3A_1416 = tpu.vector_load %arg8[%get3A_1414, %get3A_1415] {strides = array<i32>} : memref<50x128xf32, #tpu.memory_space<vmem>>, vector<1x16xf32>,
        %get3A_1417 = vector.shape_cast %get3A_1416 : vector<1x16xf32> to vector<16xf32>
        %get3A_1418 = arith.index_cast %scan3A_1375 : i32 to index
        %get3A_1419 = arith.constant 32 : index
        %get3A_1420 = tpu.vector_load %arg12[%get3A_1418, %get3A_1419] {strides = array<i32>} : memref<100x128xf32, #tpu.memory_space<vmem>>, vector<1x16xf32>,
        %get3A_1421 = vector.shape_cast %get3A_1420 : vector<1x16xf32> to vector<16xf32>
        %mul3A_1422 = arith.mulf %get3A_1421, %get3A_1417 : vector<16xf32>
        %add3A_1423 = arith.addf %add3A_1405, %mul3A_1422 : vector<16xf32>
        %add3A_1424 = arith.constant 50 : i32
        %add3A_1425 = arith.addi %add3A_1424, %scan3A_1375 : i32
        %get3A_1426 = arith.index_cast %add3A_1425 : i32 to index
        %get3A_1427 = arith.constant 32 : index
        %get3A_1428 = tpu.vector_load %arg12[%get3A_1426, %get3A_1427] {strides = array<i32>} : memref<100x128xf32, #tpu.memory_space<vmem>>, vector<1x16xf32>,
        %get3A_1429 = vector.shape_cast %get3A_1428 : vector<1x16xf32> to vector<16xf32>
        %mul3A_1430 = arith.mulf %get3A_1429, %get3A_1417 : vector<16xf32>
        %add3A_1431 = arith.addf %add3A_1413, %mul3A_1430 : vector<16xf32>
        %get3A_1432 = arith.index_cast %scan3A_1375 : i32 to index
        %get3A_1433 = arith.constant 48 : index
        %get3A_1434 = tpu.vector_load %arg8[%get3A_1432, %get3A_1433] {strides = array<i32>} : memref<50x128xf32, #tpu.memory_space<vmem>>, vector<1x16xf32>,
        %get3A_1435 = vector.shape_cast %get3A_1434 : vector<1x16xf32> to vector<16xf32>
        %get3A_1436 = arith.index_cast %scan3A_1375 : i32 to index
        %get3A_1437 = arith.constant 48 : index
        %get3A_1438 = tpu.vector_load %arg12[%get3A_1436, %get3A_1437] {strides = array<i32>} : memref<100x128xf32, #tpu.memory_space<vmem>>, vector<1x16xf32>,
        %get3A_1439 = vector.shape_cast %get3A_1438 : vector<1x16xf32> to vector<16xf32>
        %mul3A_1440 = arith.mulf %get3A_1439, %get3A_1435 : vector<16xf32>
        %add3A_1441 = arith.addf %add3A_1423, %mul3A_1440 : vector<16xf32>
        %add3A_1442 = arith.constant 50 : i32
        %add3A_1443 = arith.addi %add3A_1442, %scan3A_1375 : i32
        %get3A_1444 = arith.index_cast %add3A_1443 : i32 to index
        %get3A_1445 = arith.constant 48 : index
        %get3A_1446 = tpu.vector_load %arg12[%get3A_1444, %get3A_1445] {strides = array<i32>} : memref<100x128xf32, #tpu.memory_space<vmem>>, vector<1x16xf32>,
        %get3A_1447 = vector.shape_cast %get3A_1446 : vector<1x16xf32> to vector<16xf32>
        %mul3A_1448 = arith.mulf %get3A_1447, %get3A_1435 : vector<16xf32>
        %add3A_1449 = arith.addf %add3A_1431, %mul3A_1448 : vector<16xf32>
        %get3A_1450 = arith.index_cast %scan3A_1375 : i32 to index
        %get3A_1451 = arith.constant 64 : index
        %get3A_1452 = tpu.vector_load %arg8[%get3A_1450, %get3A_1451] {strides = array<i32>} : memref<50x128xf32, #tpu.memory_space<vmem>>, vector<1x16xf32>,
        %get3A_1453 = vector.shape_cast %get3A_1452 : vector<1x16xf32> to vector<16xf32>
        %get3A_1454 = arith.index_cast %scan3A_1375 : i32 to index
        %get3A_1455 = arith.constant 64 : index
        %get3A_1456 = tpu.vector_load %arg12[%get3A_1454, %get3A_1455] {strides = array<i32>} : memref<100x128xf32, #tpu.memory_space<vmem>>, vector<1x16xf32>,
        %get3A_1457 = vector.shape_cast %get3A_1456 : vector<1x16xf32> to vector<16xf32>
        %mul3A_1458 = arith.mulf %get3A_1457, %get3A_1453 : vector<16xf32>
        %add3A_1459 = arith.addf %add3A_1441, %mul3A_1458 : vector<16xf32>
        %add3A_1460 = arith.constant 50 : i32
        %add3A_1461 = arith.addi %add3A_1460, %scan3A_1375 : i32
        %get3A_1462 = arith.index_cast %add3A_1461 : i32 to index
        %get3A_1463 = arith.constant 64 : index
        %get3A_1464 = tpu.vector_load %arg12[%get3A_1462, %get3A_1463] {strides = array<i32>} : memref<100x128xf32, #tpu.memory_space<vmem>>, vector<1x16xf32>,
        %get3A_1465 = vector.shape_cast %get3A_1464 : vector<1x16xf32> to vector<16xf32>
        %mul3A_1466 = arith.mulf %get3A_1465, %get3A_1453 : vector<16xf32>
        %add3A_1467 = arith.addf %add3A_1449, %mul3A_1466 : vector<16xf32>
        %get3A_1468 = arith.index_cast %scan3A_1375 : i32 to index
        %get3A_1469 = arith.constant 80 : index
        %get3A_1470 = tpu.vector_load %arg8[%get3A_1468, %get3A_1469] {strides = array<i32>} : memref<50x128xf32, #tpu.memory_space<vmem>>, vector<1x16xf32>,
        %get3A_1471 = vector.shape_cast %get3A_1470 : vector<1x16xf32> to vector<16xf32>
        %get3A_1472 = arith.index_cast %scan3A_1375 : i32 to index
        %get3A_1473 = arith.constant 80 : index
        %get3A_1474 = tpu.vector_load %arg12[%get3A_1472, %get3A_1473] {strides = array<i32>} : memref<100x128xf32, #tpu.memory_space<vmem>>, vector<1x16xf32>,
        %get3A_1475 = vector.shape_cast %get3A_1474 : vector<1x16xf32> to vector<16xf32>
        %mul3A_1476 = arith.mulf %get3A_1475, %get3A_1471 : vector<16xf32>
        %add3A_1477 = arith.addf %add3A_1459, %mul3A_1476 : vector<16xf32>
        %add3A_1478 = arith.constant 50 : i32
        %add3A_1479 = arith.addi %add3A_1478, %scan3A_1375 : i32
        %get3A_1480 = arith.index_cast %add3A_1479 : i32 to index
        %get3A_1481 = arith.constant 80 : index
        %get3A_1482 = tpu.vector_load %arg12[%get3A_1480, %get3A_1481] {strides = array<i32>} : memref<100x128xf32, #tpu.memory_space<vmem>>, vector<1x16xf32>,
        %get3A_1483 = vector.shape_cast %get3A_1482 : vector<1x16xf32> to vector<16xf32>
        %mul3A_1484 = arith.mulf %get3A_1483, %get3A_1471 : vector<16xf32>
        %add3A_1485 = arith.addf %add3A_1467, %mul3A_1484 : vector<16xf32>
        %get3A_1486 = arith.index_cast %scan3A_1375 : i32 to index
        %get3A_1487 = arith.constant 96 : index
        %get3A_1488 = tpu.vector_load %arg8[%get3A_1486, %get3A_1487] {strides = array<i32>} : memref<50x128xf32, #tpu.memory_space<vmem>>, vector<1x16xf32>,
        %get3A_1489 = vector.shape_cast %get3A_1488 : vector<1x16xf32> to vector<16xf32>
        %get3A_1490 = arith.index_cast %scan3A_1375 : i32 to index
        %get3A_1491 = arith.constant 96 : index
        %get3A_1492 = tpu.vector_load %arg12[%get3A_1490, %get3A_1491] {strides = array<i32>} : memref<100x128xf32, #tpu.memory_space<vmem>>, vector<1x16xf32>,
        %get3A_1493 = vector.shape_cast %get3A_1492 : vector<1x16xf32> to vector<16xf32>
        %mul3A_1494 = arith.mulf %get3A_1493, %get3A_1489 : vector<16xf32>
        %add3A_1495 = arith.addf %add3A_1477, %mul3A_1494 : vector<16xf32>
        %add3A_1496 = arith.constant 50 : i32
        %add3A_1497 = arith.addi %add3A_1496, %scan3A_1375 : i32
        %get3A_1498 = arith.index_cast %add3A_1497 : i32 to index
        %get3A_1499 = arith.constant 96 : index
        %get3A_1500 = tpu.vector_load %arg12[%get3A_1498, %get3A_1499] {strides = array<i32>} : memref<100x128xf32, #tpu.memory_space<vmem>>, vector<1x16xf32>,
        %get3A_1501 = vector.shape_cast %get3A_1500 : vector<1x16xf32> to vector<16xf32>
        %mul3A_1502 = arith.mulf %get3A_1501, %get3A_1489 : vector<16xf32>
        %add3A_1503 = arith.addf %add3A_1485, %mul3A_1502 : vector<16xf32>
        %get3A_1504 = arith.index_cast %scan3A_1375 : i32 to index
        %get3A_1505 = arith.constant 112 : index
        %get3A_1506 = tpu.vector_load %arg8[%get3A_1504, %get3A_1505] {strides = array<i32>} : memref<50x128xf32, #tpu.memory_space<vmem>>, vector<1x16xf32>,
        %get3A_1507 = vector.shape_cast %get3A_1506 : vector<1x16xf32> to vector<16xf32>
        %get3A_1508 = arith.index_cast %scan3A_1375 : i32 to index
        %get3A_1509 = arith.constant 112 : index
        %get3A_1510 = tpu.vector_load %arg12[%get3A_1508, %get3A_1509] {strides = array<i32>} : memref<100x128xf32, #tpu.memory_space<vmem>>, vector<1x16xf32>,
        %get3A_1511 = vector.shape_cast %get3A_1510 : vector<1x16xf32> to vector<16xf32>
        %mul3A_1512 = arith.mulf %get3A_1511, %get3A_1507 : vector<16xf32>
        %add3A_1513 = arith.addf %add3A_1495, %mul3A_1512 : vector<16xf32>
        %add3A_1514 = arith.constant 50 : i32
        %add3A_1515 = arith.addi %add3A_1514, %scan3A_1375 : i32
        %get3A_1516 = arith.index_cast %add3A_1515 : i32 to index
        %get3A_1517 = arith.constant 112 : index
        %get3A_1518 = tpu.vector_load %arg12[%get3A_1516, %get3A_1517] {strides = array<i32>} : memref<100x128xf32, #tpu.memory_space<vmem>>, vector<1x16xf32>,
        %get3A_1519 = vector.shape_cast %get3A_1518 : vector<1x16xf32> to vector<16xf32>
        %mul3A_1520 = arith.mulf %get3A_1519, %get3A_1507 : vector<16xf32>
        %add3A_1521 = arith.addf %add3A_1503, %mul3A_1520 : vector<16xf32>
        scf.yield %add3A_1513, %add3A_1521 : vector<16xf32>, vector<16xf32>
      }
      %scan3A_883 = arith.constant 50 : i32
      %eq3A_884 = arith.constant 10 : i32
      %eq3A_885 = vector.broadcast %eq3A_884 : i32 to vector<16xi32>
      %eq3A_886 = arith.cmpi eq, %iota3A, %eq3A_885 : vector<16xi32>
      %add3A_887 = arith.constant 8 : i32
      %add3A_888 = vector.broadcast %add3A_887 : i32 to vector<16xi32>
      %add3A_889 = arith.addi %iota3A, %add3A_888 : vector<16xi32>
      %and3A_890 = arith.constant 15 : i32
      %and3A_891 = vector.broadcast %and3A_890 : i32 to vector<16xi32>
      %and3A_892 = arith.andi %add3A_889, %and3A_891 : vector<16xi32>
      %lt3A_893 = arith.constant 0 : i32
      %lt3A_894 = vector.broadcast %lt3A_893 : i32 to vector<16xi32>
      %lt3A_895 = arith.cmpi slt, %and3A_892, %lt3A_894 : vector<16xi32>
      %add3A_896 = arith.constant 16 : i32
      %add3A_897 = vector.broadcast %add3A_896 : i32 to vector<16xi32>
      %add3A_898 = arith.addi %and3A_892, %add3A_897 : vector<16xi32>
      %select_n3A_899 = arith.select %lt3A_895, %add3A_898, %and3A_892 : vector<16xi1>, vector<16xi32>
      %broadcast_in_dim3A_900 = vector.shape_cast %select_n3A_899 : vector<16xi32> to vector<16x1xi32>
      %gather3A_901 = vector.shape_cast %broadcast_in_dim3A_900 : vector<16x1xi32> to vector<16xi32>
      %gather3A_902 = tpu.dynamic_gather %scan3A_882#0[%gather3A_901] in [0] : vector<16xf32>, vector<16xi32> -> vector<16xf32>
      %add3A_903 = arith.addf %scan3A_882#0, %gather3A_902 : vector<16xf32>
      %add3A_904 = arith.constant 4 : i32
      %add3A_905 = vector.broadcast %add3A_904 : i32 to vector<16xi32>
      %add3A_906 = arith.addi %iota3A, %add3A_905 : vector<16xi32>
      %and3A_907 = arith.constant 15 : i32
      %and3A_908 = vector.broadcast %and3A_907 : i32 to vector<16xi32>
      %and3A_909 = arith.andi %add3A_906, %and3A_908 : vector<16xi32>
      %lt3A_910 = arith.constant 0 : i32
      %lt3A_911 = vector.broadcast %lt3A_910 : i32 to vector<16xi32>
      %lt3A_912 = arith.cmpi slt, %and3A_909, %lt3A_911 : vector<16xi32>
      %add3A_913 = arith.constant 16 : i32
      %add3A_914 = vector.broadcast %add3A_913 : i32 to vector<16xi32>
      %add3A_915 = arith.addi %and3A_909, %add3A_914 : vector<16xi32>
      %select_n3A_916 = arith.select %lt3A_912, %add3A_915, %and3A_909 : vector<16xi1>, vector<16xi32>
      %broadcast_in_dim3A_917 = vector.shape_cast %select_n3A_916 : vector<16xi32> to vector<16x1xi32>
      %gather3A_918 = vector.shape_cast %broadcast_in_dim3A_917 : vector<16x1xi32> to vector<16xi32>
      %gather3A_919 = tpu.dynamic_gather %add3A_903[%gather3A_918] in [0] : vector<16xf32>, vector<16xi32> -> vector<16xf32>
      %add3A_920 = arith.addf %add3A_903, %gather3A_919 : vector<16xf32>
      %add3A_921 = arith.constant 2 : i32
      %add3A_922 = vector.broadcast %add3A_921 : i32 to vector<16xi32>
      %add3A_923 = arith.addi %iota3A, %add3A_922 : vector<16xi32>
      %and3A_924 = arith.constant 15 : i32
      %and3A_925 = vector.broadcast %and3A_924 : i32 to vector<16xi32>
      %and3A_926 = arith.andi %add3A_923, %and3A_925 : vector<16xi32>
      %lt3A_927 = arith.constant 0 : i32
      %lt3A_928 = vector.broadcast %lt3A_927 : i32 to vector<16xi32>
      %lt3A_929 = arith.cmpi slt, %and3A_926, %lt3A_928 : vector<16xi32>
      %add3A_930 = arith.constant 16 : i32
      %add3A_931 = vector.broadcast %add3A_930 : i32 to vector<16xi32>
      %add3A_932 = arith.addi %and3A_926, %add3A_931 : vector<16xi32>
      %select_n3A_933 = arith.select %lt3A_929, %add3A_932, %and3A_926 : vector<16xi1>, vector<16xi32>
      %broadcast_in_dim3A_934 = vector.shape_cast %select_n3A_933 : vector<16xi32> to vector<16x1xi32>
      %gather3A_935 = vector.shape_cast %broadcast_in_dim3A_934 : vector<16x1xi32> to vector<16xi32>
      %gather3A_936 = tpu.dynamic_gather %add3A_920[%gather3A_935] in [0] : vector<16xf32>, vector<16xi32> -> vector<16xf32>
      %add3A_937 = arith.addf %add3A_920, %gather3A_936 : vector<16xf32>
      %add3A_938 = arith.constant 1 : i32
      %add3A_939 = vector.broadcast %add3A_938 : i32 to vector<16xi32>
      %add3A_940 = arith.addi %iota3A, %add3A_939 : vector<16xi32>
      %and3A_941 = arith.constant 15 : i32
      %and3A_942 = vector.broadcast %and3A_941 : i32 to vector<16xi32>
      %and3A_943 = arith.andi %add3A_940, %and3A_942 : vector<16xi32>
      %lt3A_944 = arith.constant 0 : i32
      %lt3A_945 = vector.broadcast %lt3A_944 : i32 to vector<16xi32>
      %lt3A_946 = arith.cmpi slt, %and3A_943, %lt3A_945 : vector<16xi32>
      %add3A_947 = arith.constant 16 : i32
      %add3A_948 = vector.broadcast %add3A_947 : i32 to vector<16xi32>
      %add3A_949 = arith.addi %and3A_943, %add3A_948 : vector<16xi32>
      %select_n3A_950 = arith.select %lt3A_946, %add3A_949, %and3A_943 : vector<16xi1>, vector<16xi32>
      %broadcast_in_dim3A_951 = vector.shape_cast %select_n3A_950 : vector<16xi32> to vector<16x1xi32>
      %gather3A_952 = vector.shape_cast %broadcast_in_dim3A_951 : vector<16x1xi32> to vector<16xi32>
      %gather3A_953 = tpu.dynamic_gather %add3A_937[%gather3A_952] in [0] : vector<16xf32>, vector<16xi32> -> vector<16xf32>
      %add3A_954 = arith.addf %add3A_937, %gather3A_953 : vector<16xf32>
      %select_n3A_955 = arith.select %eq3A_886, %add3A_954, %select_n3A_860 : vector<16xi1>, vector<16xf32>
      %eq3A_956 = arith.constant 11 : i32
      %eq3A_957 = vector.broadcast %eq3A_956 : i32 to vector<16xi32>
      %eq3A_958 = arith.cmpi eq, %iota3A, %eq3A_957 : vector<16xi32>
      %add3A_959 = arith.constant 8 : i32
      %add3A_960 = vector.broadcast %add3A_959 : i32 to vector<16xi32>
      %add3A_961 = arith.addi %iota3A, %add3A_960 : vector<16xi32>
      %and3A_962 = arith.constant 15 : i32
      %and3A_963 = vector.broadcast %and3A_962 : i32 to vector<16xi32>
      %and3A_964 = arith.andi %add3A_961, %and3A_963 : vector<16xi32>
      %lt3A_965 = arith.constant 0 : i32
      %lt3A_966 = vector.broadcast %lt3A_965 : i32 to vector<16xi32>
      %lt3A_967 = arith.cmpi slt, %and3A_964, %lt3A_966 : vector<16xi32>
      %add3A_968 = arith.constant 16 : i32
      %add3A_969 = vector.broadcast %add3A_968 : i32 to vector<16xi32>
      %add3A_970 = arith.addi %and3A_964, %add3A_969 : vector<16xi32>
      %select_n3A_971 = arith.select %lt3A_967, %add3A_970, %and3A_964 : vector<16xi1>, vector<16xi32>
      %broadcast_in_dim3A_972 = vector.shape_cast %select_n3A_971 : vector<16xi32> to vector<16x1xi32>
      %gather3A_973 = vector.shape_cast %broadcast_in_dim3A_972 : vector<16x1xi32> to vector<16xi32>
      %gather3A_974 = tpu.dynamic_gather %scan3A_882#1[%gather3A_973] in [0] : vector<16xf32>, vector<16xi32> -> vector<16xf32>
      %add3A_975 = arith.addf %scan3A_882#1, %gather3A_974 : vector<16xf32>
      %add3A_976 = arith.constant 4 : i32
      %add3A_977 = vector.broadcast %add3A_976 : i32 to vector<16xi32>
      %add3A_978 = arith.addi %iota3A, %add3A_977 : vector<16xi32>
      %and3A_979 = arith.constant 15 : i32
      %and3A_980 = vector.broadcast %and3A_979 : i32 to vector<16xi32>
      %and3A_981 = arith.andi %add3A_978, %and3A_980 : vector<16xi32>
      %lt3A_982 = arith.constant 0 : i32
      %lt3A_983 = vector.broadcast %lt3A_982 : i32 to vector<16xi32>
      %lt3A_984 = arith.cmpi slt, %and3A_981, %lt3A_983 : vector<16xi32>
      %add3A_985 = arith.constant 16 : i32
      %add3A_986 = vector.broadcast %add3A_985 : i32 to vector<16xi32>
      %add3A_987 = arith.addi %and3A_981, %add3A_986 : vector<16xi32>
      %select_n3A_988 = arith.select %lt3A_984, %add3A_987, %and3A_981 : vector<16xi1>, vector<16xi32>
      %broadcast_in_dim3A_989 = vector.shape_cast %select_n3A_988 : vector<16xi32> to vector<16x1xi32>
      %gather3A_990 = vector.shape_cast %broadcast_in_dim3A_989 : vector<16x1xi32> to vector<16xi32>
      %gather3A_991 = tpu.dynamic_gather %add3A_975[%gather3A_990] in [0] : vector<16xf32>, vector<16xi32> -> vector<16xf32>
      %add3A_992 = arith.addf %add3A_975, %gather3A_991 : vector<16xf32>
      %add3A_993 = arith.constant 2 : i32
      %add3A_994 = vector.broadcast %add3A_993 : i32 to vector<16xi32>
      %add3A_995 = arith.addi %iota3A, %add3A_994 : vector<16xi32>
      %and3A_996 = arith.constant 15 : i32
      %and3A_997 = vector.broadcast %and3A_996 : i32 to vector<16xi32>
      %and3A_998 = arith.andi %add3A_995, %and3A_997 : vector<16xi32>
      %lt3A_999 = arith.constant 0 : i32
      %lt3A_1000 = vector.broadcast %lt3A_999 : i32 to vector<16xi32>
      %lt3A_1001 = arith.cmpi slt, %and3A_998, %lt3A_1000 : vector<16xi32>
      %add3A_1002 = arith.constant 16 : i32
      %add3A_1003 = vector.broadcast %add3A_1002 : i32 to vector<16xi32>
      %add3A_1004 = arith.addi %and3A_998, %add3A_1003 : vector<16xi32>
      %select_n3A_1005 = arith.select %lt3A_1001, %add3A_1004, %and3A_998 : vector<16xi1>, vector<16xi32>
      %broadcast_in_dim3A_1006 = vector.shape_cast %select_n3A_1005 : vector<16xi32> to vector<16x1xi32>
      %gather3A_1007 = vector.shape_cast %broadcast_in_dim3A_1006 : vector<16x1xi32> to vector<16xi32>
      %gather3A_1008 = tpu.dynamic_gather %add3A_992[%gather3A_1007] in [0] : vector<16xf32>, vector<16xi32> -> vector<16xf32>
      %add3A_1009 = arith.addf %add3A_992, %gather3A_1008 : vector<16xf32>
      %add3A_1010 = arith.constant 1 : i32
      %add3A_1011 = vector.broadcast %add3A_1010 : i32 to vector<16xi32>
      %add3A_1012 = arith.addi %iota3A, %add3A_1011 : vector<16xi32>
      %and3A_1013 = arith.constant 15 : i32
      %and3A_1014 = vector.broadcast %and3A_1013 : i32 to vector<16xi32>
      %and3A_1015 = arith.andi %add3A_1012, %and3A_1014 : vector<16xi32>
      %lt3A_1016 = arith.constant 0 : i32
      %lt3A_1017 = vector.broadcast %lt3A_1016 : i32 to vector<16xi32>
      %lt3A_1018 = arith.cmpi slt, %and3A_1015, %lt3A_1017 : vector<16xi32>
      %add3A_1019 = arith.constant 16 : i32
      %add3A_1020 = vector.broadcast %add3A_1019 : i32 to vector<16xi32>
      %add3A_1021 = arith.addi %and3A_1015, %add3A_1020 : vector<16xi32>
      %select_n3A_1022 = arith.select %lt3A_1018, %add3A_1021, %and3A_1015 : vector<16xi1>, vector<16xi32>
      %broadcast_in_dim3A_1023 = vector.shape_cast %select_n3A_1022 : vector<16xi32> to vector<16x1xi32>
      %gather3A_1024 = vector.shape_cast %broadcast_in_dim3A_1023 : vector<16x1xi32> to vector<16xi32>
      %gather3A_1025 = tpu.dynamic_gather %add3A_1009[%gather3A_1024] in [0] : vector<16xf32>, vector<16xi32> -> vector<16xf32>
      %add3A_1026 = arith.addf %add3A_1009, %gather3A_1025 : vector<16xf32>
      %select_n3A_1027 = arith.select %eq3A_958, %add3A_1026, %select_n3A_955 : vector<16xi1>, vector<16xf32>
      %add3A_1028 = arith.constant 4 : i32
      %add3A_1029 = arith.addi %add3A_871, %add3A_1028 : i32
      %lt3A_1030 = arith.constant 256 : i32
      %lt3A_1031 = arith.cmpi slt, %add3A_1029, %lt3A_1030 : i32
      %convert_element_type3A_1032 = arith.extui %lt3A_1031 : i1 to i32
      %cond3A_1033 = arith.constant 0 : i32
      %cond3A_1034 = arith.cmpi ne, %convert_element_type3A_1032, %cond3A_1033 : i32
      scf.if %cond3A_1034 {
        %dma_start3A_1375 = arith.constant 0 : i32
        %dma_start3A_1376 = tpu.memref_slice %arg7[%add3A_1029, %dma_start3A_1375] : memref<256x100xi32, #tpu.memory_space<vmem>> -> memref<1x100xi32, #tpu.memory_space<vmem>>
        %dma_start3A_1377 = tpu.memref_squeeze %dma_start3A_1376 : memref<1x100xi32, #tpu.memory_space<vmem>> -> memref<100xi32, #tpu.memory_space<vmem>>
        %dma_start3A_1378 = arith.constant 0 : i32
        %dma_start3A_1379 = arith.constant 0 : i32
        %dma_start3A_1380 = tpu.memref_slice %arg5[%dma_start3A_1378, %dma_start3A_1379] : memref<1000000x128xf32, #tpu.memory_space<hbm>> -> memref<1000000x128xf32, #tpu.memory_space<hbm>>
        tpu.enqueue_indirect_dma source(%dma_start3A_1380 : memref<1000000x128xf32, #tpu.memory_space<hbm>>) target(%arg12 : memref<100x128xf32, #tpu.memory_space<vmem>>) offsets(%dma_start3A_1377 : memref<100xi32, #tpu.memory_space<vmem>>) semaphore(%arg16 : memref<!tpu.dma_semaphore, #tpu.memory_space<semaphore_mem>>)
      } else {
      }
      %mul3A_1035 = arith.constant 8 : i32
      %mul3A_1036 = arith.muli %scan3A_40, %mul3A_1035 : i32
      %add3A_1037 = arith.constant 6 : i32
      %add3A_1038 = arith.addi %mul3A_1036, %add3A_1037 : i32
      %dma_wait3A_1039 = arith.constant 0 : i32
      %dma_wait3A_1040 = tpu.memref_slice %arg7[%add3A_1038, %dma_wait3A_1039] : memref<256x100xi32, #tpu.memory_space<vmem>> -> memref<1x100xi32, #tpu.memory_space<vmem>>
      %dma_wait3A_1041 = tpu.memref_squeeze %dma_wait3A_1040 : memref<1x100xi32, #tpu.memory_space<vmem>> -> memref<100xi32, #tpu.memory_space<vmem>>
      %dma_wait3A_1042 = arith.constant 0 : i32
      %dma_wait3A_1043 = arith.constant 0 : i32
      %dma_wait3A_1044 = tpu.memref_slice %arg5[%dma_wait3A_1042, %dma_wait3A_1043] : memref<1000000x128xf32, #tpu.memory_space<hbm>> -> memref<1000000x128xf32, #tpu.memory_space<hbm>>
      tpu.wait_indirect_dma semaphore(%arg17 : memref<!tpu.dma_semaphore, #tpu.memory_space<semaphore_mem>>) src(%dma_wait3A_1044 : memref<1000000x128xf32, #tpu.memory_space<hbm>>) dst(%arg13 : memref<100x128xf32, #tpu.memory_space<vmem>>)
      %scan3A_1045 = arith.constant 0 : i32
      %scan3A_1046 = arith.constant 50 : i32
      %scan3A_1047 = arith.addi %scan3A_1045, %scan3A_1046 : i32
      %scan3A_1048 = arith.constant 1 : i32
      %scan3A_1049:2 = scf.for %scan3A_1375 = %scan3A_1045 to %scan3A_1047 step %scan3A_1048 iter_args(%scan3A_1376 = %broadcast_in_dim3A_30, %scan3A_1377 = %broadcast_in_dim3A_30) -> (vector<16xf32>, vector<16xf32>)  : i32 {
        %get3A_1378 = arith.index_cast %scan3A_1375 : i32 to index
        %get3A_1379 = arith.constant 0 : index
        %get3A_1380 = tpu.vector_load %arg8[%get3A_1378, %get3A_1379] {strides = array<i32>} : memref<50x128xf32, #tpu.memory_space<vmem>>, vector<1x16xf32>,
        %get3A_1381 = vector.shape_cast %get3A_1380 : vector<1x16xf32> to vector<16xf32>
        %get3A_1382 = arith.index_cast %scan3A_1375 : i32 to index
        %get3A_1383 = arith.constant 0 : index
        %get3A_1384 = tpu.vector_load %arg13[%get3A_1382, %get3A_1383] {strides = array<i32>} : memref<100x128xf32, #tpu.memory_space<vmem>>, vector<1x16xf32>,
        %get3A_1385 = vector.shape_cast %get3A_1384 : vector<1x16xf32> to vector<16xf32>
        %mul3A_1386 = arith.mulf %get3A_1385, %get3A_1381 : vector<16xf32>
        %add3A_1387 = arith.addf %scan3A_1376, %mul3A_1386 : vector<16xf32>
        %add3A_1388 = arith.constant 50 : i32
        %add3A_1389 = arith.addi %add3A_1388, %scan3A_1375 : i32
        %get3A_1390 = arith.index_cast %add3A_1389 : i32 to index
        %get3A_1391 = arith.constant 0 : index
        %get3A_1392 = tpu.vector_load %arg13[%get3A_1390, %get3A_1391] {strides = array<i32>} : memref<100x128xf32, #tpu.memory_space<vmem>>, vector<1x16xf32>,
        %get3A_1393 = vector.shape_cast %get3A_1392 : vector<1x16xf32> to vector<16xf32>
        %mul3A_1394 = arith.mulf %get3A_1393, %get3A_1381 : vector<16xf32>
        %add3A_1395 = arith.addf %scan3A_1377, %mul3A_1394 : vector<16xf32>
        %get3A_1396 = arith.index_cast %scan3A_1375 : i32 to index
        %get3A_1397 = arith.constant 16 : index
        %get3A_1398 = tpu.vector_load %arg8[%get3A_1396, %get3A_1397] {strides = array<i32>} : memref<50x128xf32, #tpu.memory_space<vmem>>, vector<1x16xf32>,
        %get3A_1399 = vector.shape_cast %get3A_1398 : vector<1x16xf32> to vector<16xf32>
        %get3A_1400 = arith.index_cast %scan3A_1375 : i32 to index
        %get3A_1401 = arith.constant 16 : index
        %get3A_1402 = tpu.vector_load %arg13[%get3A_1400, %get3A_1401] {strides = array<i32>} : memref<100x128xf32, #tpu.memory_space<vmem>>, vector<1x16xf32>,
        %get3A_1403 = vector.shape_cast %get3A_1402 : vector<1x16xf32> to vector<16xf32>
        %mul3A_1404 = arith.mulf %get3A_1403, %get3A_1399 : vector<16xf32>
        %add3A_1405 = arith.addf %add3A_1387, %mul3A_1404 : vector<16xf32>
        %add3A_1406 = arith.constant 50 : i32
        %add3A_1407 = arith.addi %add3A_1406, %scan3A_1375 : i32
        %get3A_1408 = arith.index_cast %add3A_1407 : i32 to index
        %get3A_1409 = arith.constant 16 : index
        %get3A_1410 = tpu.vector_load %arg13[%get3A_1408, %get3A_1409] {strides = array<i32>} : memref<100x128xf32, #tpu.memory_space<vmem>>, vector<1x16xf32>,
        %get3A_1411 = vector.shape_cast %get3A_1410 : vector<1x16xf32> to vector<16xf32>
        %mul3A_1412 = arith.mulf %get3A_1411, %get3A_1399 : vector<16xf32>
        %add3A_1413 = arith.addf %add3A_1395, %mul3A_1412 : vector<16xf32>
        %get3A_1414 = arith.index_cast %scan3A_1375 : i32 to index
        %get3A_1415 = arith.constant 32 : index
        %get3A_1416 = tpu.vector_load %arg8[%get3A_1414, %get3A_1415] {strides = array<i32>} : memref<50x128xf32, #tpu.memory_space<vmem>>, vector<1x16xf32>,
        %get3A_1417 = vector.shape_cast %get3A_1416 : vector<1x16xf32> to vector<16xf32>
        %get3A_1418 = arith.index_cast %scan3A_1375 : i32 to index
        %get3A_1419 = arith.constant 32 : index
        %get3A_1420 = tpu.vector_load %arg13[%get3A_1418, %get3A_1419] {strides = array<i32>} : memref<100x128xf32, #tpu.memory_space<vmem>>, vector<1x16xf32>,
        %get3A_1421 = vector.shape_cast %get3A_1420 : vector<1x16xf32> to vector<16xf32>
        %mul3A_1422 = arith.mulf %get3A_1421, %get3A_1417 : vector<16xf32>
        %add3A_1423 = arith.addf %add3A_1405, %mul3A_1422 : vector<16xf32>
        %add3A_1424 = arith.constant 50 : i32
        %add3A_1425 = arith.addi %add3A_1424, %scan3A_1375 : i32
        %get3A_1426 = arith.index_cast %add3A_1425 : i32 to index
        %get3A_1427 = arith.constant 32 : index
        %get3A_1428 = tpu.vector_load %arg13[%get3A_1426, %get3A_1427] {strides = array<i32>} : memref<100x128xf32, #tpu.memory_space<vmem>>, vector<1x16xf32>,
        %get3A_1429 = vector.shape_cast %get3A_1428 : vector<1x16xf32> to vector<16xf32>
        %mul3A_1430 = arith.mulf %get3A_1429, %get3A_1417 : vector<16xf32>
        %add3A_1431 = arith.addf %add3A_1413, %mul3A_1430 : vector<16xf32>
        %get3A_1432 = arith.index_cast %scan3A_1375 : i32 to index
        %get3A_1433 = arith.constant 48 : index
        %get3A_1434 = tpu.vector_load %arg8[%get3A_1432, %get3A_1433] {strides = array<i32>} : memref<50x128xf32, #tpu.memory_space<vmem>>, vector<1x16xf32>,
        %get3A_1435 = vector.shape_cast %get3A_1434 : vector<1x16xf32> to vector<16xf32>
        %get3A_1436 = arith.index_cast %scan3A_1375 : i32 to index
        %get3A_1437 = arith.constant 48 : index
        %get3A_1438 = tpu.vector_load %arg13[%get3A_1436, %get3A_1437] {strides = array<i32>} : memref<100x128xf32, #tpu.memory_space<vmem>>, vector<1x16xf32>,
        %get3A_1439 = vector.shape_cast %get3A_1438 : vector<1x16xf32> to vector<16xf32>
        %mul3A_1440 = arith.mulf %get3A_1439, %get3A_1435 : vector<16xf32>
        %add3A_1441 = arith.addf %add3A_1423, %mul3A_1440 : vector<16xf32>
        %add3A_1442 = arith.constant 50 : i32
        %add3A_1443 = arith.addi %add3A_1442, %scan3A_1375 : i32
        %get3A_1444 = arith.index_cast %add3A_1443 : i32 to index
        %get3A_1445 = arith.constant 48 : index
        %get3A_1446 = tpu.vector_load %arg13[%get3A_1444, %get3A_1445] {strides = array<i32>} : memref<100x128xf32, #tpu.memory_space<vmem>>, vector<1x16xf32>,
        %get3A_1447 = vector.shape_cast %get3A_1446 : vector<1x16xf32> to vector<16xf32>
        %mul3A_1448 = arith.mulf %get3A_1447, %get3A_1435 : vector<16xf32>
        %add3A_1449 = arith.addf %add3A_1431, %mul3A_1448 : vector<16xf32>
        %get3A_1450 = arith.index_cast %scan3A_1375 : i32 to index
        %get3A_1451 = arith.constant 64 : index
        %get3A_1452 = tpu.vector_load %arg8[%get3A_1450, %get3A_1451] {strides = array<i32>} : memref<50x128xf32, #tpu.memory_space<vmem>>, vector<1x16xf32>,
        %get3A_1453 = vector.shape_cast %get3A_1452 : vector<1x16xf32> to vector<16xf32>
        %get3A_1454 = arith.index_cast %scan3A_1375 : i32 to index
        %get3A_1455 = arith.constant 64 : index
        %get3A_1456 = tpu.vector_load %arg13[%get3A_1454, %get3A_1455] {strides = array<i32>} : memref<100x128xf32, #tpu.memory_space<vmem>>, vector<1x16xf32>,
        %get3A_1457 = vector.shape_cast %get3A_1456 : vector<1x16xf32> to vector<16xf32>
        %mul3A_1458 = arith.mulf %get3A_1457, %get3A_1453 : vector<16xf32>
        %add3A_1459 = arith.addf %add3A_1441, %mul3A_1458 : vector<16xf32>
        %add3A_1460 = arith.constant 50 : i32
        %add3A_1461 = arith.addi %add3A_1460, %scan3A_1375 : i32
        %get3A_1462 = arith.index_cast %add3A_1461 : i32 to index
        %get3A_1463 = arith.constant 64 : index
        %get3A_1464 = tpu.vector_load %arg13[%get3A_1462, %get3A_1463] {strides = array<i32>} : memref<100x128xf32, #tpu.memory_space<vmem>>, vector<1x16xf32>,
        %get3A_1465 = vector.shape_cast %get3A_1464 : vector<1x16xf32> to vector<16xf32>
        %mul3A_1466 = arith.mulf %get3A_1465, %get3A_1453 : vector<16xf32>
        %add3A_1467 = arith.addf %add3A_1449, %mul3A_1466 : vector<16xf32>
        %get3A_1468 = arith.index_cast %scan3A_1375 : i32 to index
        %get3A_1469 = arith.constant 80 : index
        %get3A_1470 = tpu.vector_load %arg8[%get3A_1468, %get3A_1469] {strides = array<i32>} : memref<50x128xf32, #tpu.memory_space<vmem>>, vector<1x16xf32>,
        %get3A_1471 = vector.shape_cast %get3A_1470 : vector<1x16xf32> to vector<16xf32>
        %get3A_1472 = arith.index_cast %scan3A_1375 : i32 to index
        %get3A_1473 = arith.constant 80 : index
        %get3A_1474 = tpu.vector_load %arg13[%get3A_1472, %get3A_1473] {strides = array<i32>} : memref<100x128xf32, #tpu.memory_space<vmem>>, vector<1x16xf32>,
        %get3A_1475 = vector.shape_cast %get3A_1474 : vector<1x16xf32> to vector<16xf32>
        %mul3A_1476 = arith.mulf %get3A_1475, %get3A_1471 : vector<16xf32>
        %add3A_1477 = arith.addf %add3A_1459, %mul3A_1476 : vector<16xf32>
        %add3A_1478 = arith.constant 50 : i32
        %add3A_1479 = arith.addi %add3A_1478, %scan3A_1375 : i32
        %get3A_1480 = arith.index_cast %add3A_1479 : i32 to index
        %get3A_1481 = arith.constant 80 : index
        %get3A_1482 = tpu.vector_load %arg13[%get3A_1480, %get3A_1481] {strides = array<i32>} : memref<100x128xf32, #tpu.memory_space<vmem>>, vector<1x16xf32>,
        %get3A_1483 = vector.shape_cast %get3A_1482 : vector<1x16xf32> to vector<16xf32>
        %mul3A_1484 = arith.mulf %get3A_1483, %get3A_1471 : vector<16xf32>
        %add3A_1485 = arith.addf %add3A_1467, %mul3A_1484 : vector<16xf32>
        %get3A_1486 = arith.index_cast %scan3A_1375 : i32 to index
        %get3A_1487 = arith.constant 96 : index
        %get3A_1488 = tpu.vector_load %arg8[%get3A_1486, %get3A_1487] {strides = array<i32>} : memref<50x128xf32, #tpu.memory_space<vmem>>, vector<1x16xf32>,
        %get3A_1489 = vector.shape_cast %get3A_1488 : vector<1x16xf32> to vector<16xf32>
        %get3A_1490 = arith.index_cast %scan3A_1375 : i32 to index
        %get3A_1491 = arith.constant 96 : index
        %get3A_1492 = tpu.vector_load %arg13[%get3A_1490, %get3A_1491] {strides = array<i32>} : memref<100x128xf32, #tpu.memory_space<vmem>>, vector<1x16xf32>,
        %get3A_1493 = vector.shape_cast %get3A_1492 : vector<1x16xf32> to vector<16xf32>
        %mul3A_1494 = arith.mulf %get3A_1493, %get3A_1489 : vector<16xf32>
        %add3A_1495 = arith.addf %add3A_1477, %mul3A_1494 : vector<16xf32>
        %add3A_1496 = arith.constant 50 : i32
        %add3A_1497 = arith.addi %add3A_1496, %scan3A_1375 : i32
        %get3A_1498 = arith.index_cast %add3A_1497 : i32 to index
        %get3A_1499 = arith.constant 96 : index
        %get3A_1500 = tpu.vector_load %arg13[%get3A_1498, %get3A_1499] {strides = array<i32>} : memref<100x128xf32, #tpu.memory_space<vmem>>, vector<1x16xf32>,
        %get3A_1501 = vector.shape_cast %get3A_1500 : vector<1x16xf32> to vector<16xf32>
        %mul3A_1502 = arith.mulf %get3A_1501, %get3A_1489 : vector<16xf32>
        %add3A_1503 = arith.addf %add3A_1485, %mul3A_1502 : vector<16xf32>
        %get3A_1504 = arith.index_cast %scan3A_1375 : i32 to index
        %get3A_1505 = arith.constant 112 : index
        %get3A_1506 = tpu.vector_load %arg8[%get3A_1504, %get3A_1505] {strides = array<i32>} : memref<50x128xf32, #tpu.memory_space<vmem>>, vector<1x16xf32>,
        %get3A_1507 = vector.shape_cast %get3A_1506 : vector<1x16xf32> to vector<16xf32>
        %get3A_1508 = arith.index_cast %scan3A_1375 : i32 to index
        %get3A_1509 = arith.constant 112 : index
        %get3A_1510 = tpu.vector_load %arg13[%get3A_1508, %get3A_1509] {strides = array<i32>} : memref<100x128xf32, #tpu.memory_space<vmem>>, vector<1x16xf32>,
        %get3A_1511 = vector.shape_cast %get3A_1510 : vector<1x16xf32> to vector<16xf32>
        %mul3A_1512 = arith.mulf %get3A_1511, %get3A_1507 : vector<16xf32>
        %add3A_1513 = arith.addf %add3A_1495, %mul3A_1512 : vector<16xf32>
        %add3A_1514 = arith.constant 50 : i32
        %add3A_1515 = arith.addi %add3A_1514, %scan3A_1375 : i32
        %get3A_1516 = arith.index_cast %add3A_1515 : i32 to index
        %get3A_1517 = arith.constant 112 : index
        %get3A_1518 = tpu.vector_load %arg13[%get3A_1516, %get3A_1517] {strides = array<i32>} : memref<100x128xf32, #tpu.memory_space<vmem>>, vector<1x16xf32>,
        %get3A_1519 = vector.shape_cast %get3A_1518 : vector<1x16xf32> to vector<16xf32>
        %mul3A_1520 = arith.mulf %get3A_1519, %get3A_1507 : vector<16xf32>
        %add3A_1521 = arith.addf %add3A_1503, %mul3A_1520 : vector<16xf32>
        scf.yield %add3A_1513, %add3A_1521 : vector<16xf32>, vector<16xf32>
      }
      %scan3A_1050 = arith.constant 50 : i32
      %eq3A_1051 = arith.constant 12 : i32
      %eq3A_1052 = vector.broadcast %eq3A_1051 : i32 to vector<16xi32>
      %eq3A_1053 = arith.cmpi eq, %iota3A, %eq3A_1052 : vector<16xi32>
      %add3A_1054 = arith.constant 8 : i32
      %add3A_1055 = vector.broadcast %add3A_1054 : i32 to vector<16xi32>
      %add3A_1056 = arith.addi %iota3A, %add3A_1055 : vector<16xi32>
      %and3A_1057 = arith.constant 15 : i32
      %and3A_1058 = vector.broadcast %and3A_1057 : i32 to vector<16xi32>
      %and3A_1059 = arith.andi %add3A_1056, %and3A_1058 : vector<16xi32>
      %lt3A_1060 = arith.constant 0 : i32
      %lt3A_1061 = vector.broadcast %lt3A_1060 : i32 to vector<16xi32>
      %lt3A_1062 = arith.cmpi slt, %and3A_1059, %lt3A_1061 : vector<16xi32>
      %add3A_1063 = arith.constant 16 : i32
      %add3A_1064 = vector.broadcast %add3A_1063 : i32 to vector<16xi32>
      %add3A_1065 = arith.addi %and3A_1059, %add3A_1064 : vector<16xi32>
      %select_n3A_1066 = arith.select %lt3A_1062, %add3A_1065, %and3A_1059 : vector<16xi1>, vector<16xi32>
      %broadcast_in_dim3A_1067 = vector.shape_cast %select_n3A_1066 : vector<16xi32> to vector<16x1xi32>
      %gather3A_1068 = vector.shape_cast %broadcast_in_dim3A_1067 : vector<16x1xi32> to vector<16xi32>
      %gather3A_1069 = tpu.dynamic_gather %scan3A_1049#0[%gather3A_1068] in [0] : vector<16xf32>, vector<16xi32> -> vector<16xf32>
      %add3A_1070 = arith.addf %scan3A_1049#0, %gather3A_1069 : vector<16xf32>
      %add3A_1071 = arith.constant 4 : i32
      %add3A_1072 = vector.broadcast %add3A_1071 : i32 to vector<16xi32>
      %add3A_1073 = arith.addi %iota3A, %add3A_1072 : vector<16xi32>
      %and3A_1074 = arith.constant 15 : i32
      %and3A_1075 = vector.broadcast %and3A_1074 : i32 to vector<16xi32>
      %and3A_1076 = arith.andi %add3A_1073, %and3A_1075 : vector<16xi32>
      %lt3A_1077 = arith.constant 0 : i32
      %lt3A_1078 = vector.broadcast %lt3A_1077 : i32 to vector<16xi32>
      %lt3A_1079 = arith.cmpi slt, %and3A_1076, %lt3A_1078 : vector<16xi32>
      %add3A_1080 = arith.constant 16 : i32
      %add3A_1081 = vector.broadcast %add3A_1080 : i32 to vector<16xi32>
      %add3A_1082 = arith.addi %and3A_1076, %add3A_1081 : vector<16xi32>
      %select_n3A_1083 = arith.select %lt3A_1079, %add3A_1082, %and3A_1076 : vector<16xi1>, vector<16xi32>
      %broadcast_in_dim3A_1084 = vector.shape_cast %select_n3A_1083 : vector<16xi32> to vector<16x1xi32>
      %gather3A_1085 = vector.shape_cast %broadcast_in_dim3A_1084 : vector<16x1xi32> to vector<16xi32>
      %gather3A_1086 = tpu.dynamic_gather %add3A_1070[%gather3A_1085] in [0] : vector<16xf32>, vector<16xi32> -> vector<16xf32>
      %add3A_1087 = arith.addf %add3A_1070, %gather3A_1086 : vector<16xf32>
      %add3A_1088 = arith.constant 2 : i32
      %add3A_1089 = vector.broadcast %add3A_1088 : i32 to vector<16xi32>
      %add3A_1090 = arith.addi %iota3A, %add3A_1089 : vector<16xi32>
      %and3A_1091 = arith.constant 15 : i32
      %and3A_1092 = vector.broadcast %and3A_1091 : i32 to vector<16xi32>
      %and3A_1093 = arith.andi %add3A_1090, %and3A_1092 : vector<16xi32>
      %lt3A_1094 = arith.constant 0 : i32
      %lt3A_1095 = vector.broadcast %lt3A_1094 : i32 to vector<16xi32>
      %lt3A_1096 = arith.cmpi slt, %and3A_1093, %lt3A_1095 : vector<16xi32>
      %add3A_1097 = arith.constant 16 : i32
      %add3A_1098 = vector.broadcast %add3A_1097 : i32 to vector<16xi32>
      %add3A_1099 = arith.addi %and3A_1093, %add3A_1098 : vector<16xi32>
      %select_n3A_1100 = arith.select %lt3A_1096, %add3A_1099, %and3A_1093 : vector<16xi1>, vector<16xi32>
      %broadcast_in_dim3A_1101 = vector.shape_cast %select_n3A_1100 : vector<16xi32> to vector<16x1xi32>
      %gather3A_1102 = vector.shape_cast %broadcast_in_dim3A_1101 : vector<16x1xi32> to vector<16xi32>
      %gather3A_1103 = tpu.dynamic_gather %add3A_1087[%gather3A_1102] in [0] : vector<16xf32>, vector<16xi32> -> vector<16xf32>
      %add3A_1104 = arith.addf %add3A_1087, %gather3A_1103 : vector<16xf32>
      %add3A_1105 = arith.constant 1 : i32
      %add3A_1106 = vector.broadcast %add3A_1105 : i32 to vector<16xi32>
      %add3A_1107 = arith.addi %iota3A, %add3A_1106 : vector<16xi32>
      %and3A_1108 = arith.constant 15 : i32
      %and3A_1109 = vector.broadcast %and3A_1108 : i32 to vector<16xi32>
      %and3A_1110 = arith.andi %add3A_1107, %and3A_1109 : vector<16xi32>
      %lt3A_1111 = arith.constant 0 : i32
      %lt3A_1112 = vector.broadcast %lt3A_1111 : i32 to vector<16xi32>
      %lt3A_1113 = arith.cmpi slt, %and3A_1110, %lt3A_1112 : vector<16xi32>
      %add3A_1114 = arith.constant 16 : i32
      %add3A_1115 = vector.broadcast %add3A_1114 : i32 to vector<16xi32>
      %add3A_1116 = arith.addi %and3A_1110, %add3A_1115 : vector<16xi32>
      %select_n3A_1117 = arith.select %lt3A_1113, %add3A_1116, %and3A_1110 : vector<16xi1>, vector<16xi32>
      %broadcast_in_dim3A_1118 = vector.shape_cast %select_n3A_1117 : vector<16xi32> to vector<16x1xi32>
      %gather3A_1119 = vector.shape_cast %broadcast_in_dim3A_1118 : vector<16x1xi32> to vector<16xi32>
      %gather3A_1120 = tpu.dynamic_gather %add3A_1104[%gather3A_1119] in [0] : vector<16xf32>, vector<16xi32> -> vector<16xf32>
      %add3A_1121 = arith.addf %add3A_1104, %gather3A_1120 : vector<16xf32>
      %select_n3A_1122 = arith.select %eq3A_1053, %add3A_1121, %select_n3A_1027 : vector<16xi1>, vector<16xf32>
      %eq3A_1123 = arith.constant 13 : i32
      %eq3A_1124 = vector.broadcast %eq3A_1123 : i32 to vector<16xi32>
      %eq3A_1125 = arith.cmpi eq, %iota3A, %eq3A_1124 : vector<16xi32>
      %add3A_1126 = arith.constant 8 : i32
      %add3A_1127 = vector.broadcast %add3A_1126 : i32 to vector<16xi32>
      %add3A_1128 = arith.addi %iota3A, %add3A_1127 : vector<16xi32>
      %and3A_1129 = arith.constant 15 : i32
      %and3A_1130 = vector.broadcast %and3A_1129 : i32 to vector<16xi32>
      %and3A_1131 = arith.andi %add3A_1128, %and3A_1130 : vector<16xi32>
      %lt3A_1132 = arith.constant 0 : i32
      %lt3A_1133 = vector.broadcast %lt3A_1132 : i32 to vector<16xi32>
      %lt3A_1134 = arith.cmpi slt, %and3A_1131, %lt3A_1133 : vector<16xi32>
      %add3A_1135 = arith.constant 16 : i32
      %add3A_1136 = vector.broadcast %add3A_1135 : i32 to vector<16xi32>
      %add3A_1137 = arith.addi %and3A_1131, %add3A_1136 : vector<16xi32>
      %select_n3A_1138 = arith.select %lt3A_1134, %add3A_1137, %and3A_1131 : vector<16xi1>, vector<16xi32>
      %broadcast_in_dim3A_1139 = vector.shape_cast %select_n3A_1138 : vector<16xi32> to vector<16x1xi32>
      %gather3A_1140 = vector.shape_cast %broadcast_in_dim3A_1139 : vector<16x1xi32> to vector<16xi32>
      %gather3A_1141 = tpu.dynamic_gather %scan3A_1049#1[%gather3A_1140] in [0] : vector<16xf32>, vector<16xi32> -> vector<16xf32>
      %add3A_1142 = arith.addf %scan3A_1049#1, %gather3A_1141 : vector<16xf32>
      %add3A_1143 = arith.constant 4 : i32
      %add3A_1144 = vector.broadcast %add3A_1143 : i32 to vector<16xi32>
      %add3A_1145 = arith.addi %iota3A, %add3A_1144 : vector<16xi32>
      %and3A_1146 = arith.constant 15 : i32
      %and3A_1147 = vector.broadcast %and3A_1146 : i32 to vector<16xi32>
      %and3A_1148 = arith.andi %add3A_1145, %and3A_1147 : vector<16xi32>
      %lt3A_1149 = arith.constant 0 : i32
      %lt3A_1150 = vector.broadcast %lt3A_1149 : i32 to vector<16xi32>
      %lt3A_1151 = arith.cmpi slt, %and3A_1148, %lt3A_1150 : vector<16xi32>
      %add3A_1152 = arith.constant 16 : i32
      %add3A_1153 = vector.broadcast %add3A_1152 : i32 to vector<16xi32>
      %add3A_1154 = arith.addi %and3A_1148, %add3A_1153 : vector<16xi32>
      %select_n3A_1155 = arith.select %lt3A_1151, %add3A_1154, %and3A_1148 : vector<16xi1>, vector<16xi32>
      %broadcast_in_dim3A_1156 = vector.shape_cast %select_n3A_1155 : vector<16xi32> to vector<16x1xi32>
      %gather3A_1157 = vector.shape_cast %broadcast_in_dim3A_1156 : vector<16x1xi32> to vector<16xi32>
      %gather3A_1158 = tpu.dynamic_gather %add3A_1142[%gather3A_1157] in [0] : vector<16xf32>, vector<16xi32> -> vector<16xf32>
      %add3A_1159 = arith.addf %add3A_1142, %gather3A_1158 : vector<16xf32>
      %add3A_1160 = arith.constant 2 : i32
      %add3A_1161 = vector.broadcast %add3A_1160 : i32 to vector<16xi32>
      %add3A_1162 = arith.addi %iota3A, %add3A_1161 : vector<16xi32>
      %and3A_1163 = arith.constant 15 : i32
      %and3A_1164 = vector.broadcast %and3A_1163 : i32 to vector<16xi32>
      %and3A_1165 = arith.andi %add3A_1162, %and3A_1164 : vector<16xi32>
      %lt3A_1166 = arith.constant 0 : i32
      %lt3A_1167 = vector.broadcast %lt3A_1166 : i32 to vector<16xi32>
      %lt3A_1168 = arith.cmpi slt, %and3A_1165, %lt3A_1167 : vector<16xi32>
      %add3A_1169 = arith.constant 16 : i32
      %add3A_1170 = vector.broadcast %add3A_1169 : i32 to vector<16xi32>
      %add3A_1171 = arith.addi %and3A_1165, %add3A_1170 : vector<16xi32>
      %select_n3A_1172 = arith.select %lt3A_1168, %add3A_1171, %and3A_1165 : vector<16xi1>, vector<16xi32>
      %broadcast_in_dim3A_1173 = vector.shape_cast %select_n3A_1172 : vector<16xi32> to vector<16x1xi32>
      %gather3A_1174 = vector.shape_cast %broadcast_in_dim3A_1173 : vector<16x1xi32> to vector<16xi32>
      %gather3A_1175 = tpu.dynamic_gather %add3A_1159[%gather3A_1174] in [0] : vector<16xf32>, vector<16xi32> -> vector<16xf32>
      %add3A_1176 = arith.addf %add3A_1159, %gather3A_1175 : vector<16xf32>
      %add3A_1177 = arith.constant 1 : i32
      %add3A_1178 = vector.broadcast %add3A_1177 : i32 to vector<16xi32>
      %add3A_1179 = arith.addi %iota3A, %add3A_1178 : vector<16xi32>
      %and3A_1180 = arith.constant 15 : i32
      %and3A_1181 = vector.broadcast %and3A_1180 : i32 to vector<16xi32>
      %and3A_1182 = arith.andi %add3A_1179, %and3A_1181 : vector<16xi32>
      %lt3A_1183 = arith.constant 0 : i32
      %lt3A_1184 = vector.broadcast %lt3A_1183 : i32 to vector<16xi32>
      %lt3A_1185 = arith.cmpi slt, %and3A_1182, %lt3A_1184 : vector<16xi32>
      %add3A_1186 = arith.constant 16 : i32
      %add3A_1187 = vector.broadcast %add3A_1186 : i32 to vector<16xi32>
      %add3A_1188 = arith.addi %and3A_1182, %add3A_1187 : vector<16xi32>
      %select_n3A_1189 = arith.select %lt3A_1185, %add3A_1188, %and3A_1182 : vector<16xi1>, vector<16xi32>
      %broadcast_in_dim3A_1190 = vector.shape_cast %select_n3A_1189 : vector<16xi32> to vector<16x1xi32>
      %gather3A_1191 = vector.shape_cast %broadcast_in_dim3A_1190 : vector<16x1xi32> to vector<16xi32>
      %gather3A_1192 = tpu.dynamic_gather %add3A_1176[%gather3A_1191] in [0] : vector<16xf32>, vector<16xi32> -> vector<16xf32>
      %add3A_1193 = arith.addf %add3A_1176, %gather3A_1192 : vector<16xf32>
      %select_n3A_1194 = arith.select %eq3A_1125, %add3A_1193, %select_n3A_1122 : vector<16xi1>, vector<16xf32>
      %add3A_1195 = arith.constant 4 : i32
      %add3A_1196 = arith.addi %add3A_1038, %add3A_1195 : i32
      %lt3A_1197 = arith.constant 256 : i32
      %lt3A_1198 = arith.cmpi slt, %add3A_1196, %lt3A_1197 : i32
      %convert_element_type3A_1199 = arith.extui %lt3A_1198 : i1 to i32
      %cond3A_1200 = arith.constant 0 : i32
      %cond3A_1201 = arith.cmpi ne, %convert_element_type3A_1199, %cond3A_1200 : i32
      scf.if %cond3A_1201 {
        %dma_start3A_1375 = arith.constant 0 : i32
        %dma_start3A_1376 = tpu.memref_slice %arg7[%add3A_1196, %dma_start3A_1375] : memref<256x100xi32, #tpu.memory_space<vmem>> -> memref<1x100xi32, #tpu.memory_space<vmem>>
        %dma_start3A_1377 = tpu.memref_squeeze %dma_start3A_1376 : memref<1x100xi32, #tpu.memory_space<vmem>> -> memref<100xi32, #tpu.memory_space<vmem>>
        %dma_start3A_1378 = arith.constant 0 : i32
        %dma_start3A_1379 = arith.constant 0 : i32
        %dma_start3A_1380 = tpu.memref_slice %arg5[%dma_start3A_1378, %dma_start3A_1379] : memref<1000000x128xf32, #tpu.memory_space<hbm>> -> memref<1000000x128xf32, #tpu.memory_space<hbm>>
        tpu.enqueue_indirect_dma source(%dma_start3A_1380 : memref<1000000x128xf32, #tpu.memory_space<hbm>>) target(%arg13 : memref<100x128xf32, #tpu.memory_space<vmem>>) offsets(%dma_start3A_1377 : memref<100xi32, #tpu.memory_space<vmem>>) semaphore(%arg17 : memref<!tpu.dma_semaphore, #tpu.memory_space<semaphore_mem>>)
      } else {
      }
      %mul3A_1202 = arith.constant 8 : i32
      %mul3A_1203 = arith.muli %scan3A_40, %mul3A_1202 : i32
      %add3A_1204 = arith.constant 7 : i32
      %add3A_1205 = arith.addi %mul3A_1203, %add3A_1204 : i32
      %dma_wait3A_1206 = arith.constant 0 : i32
      %dma_wait3A_1207 = tpu.memref_slice %arg7[%add3A_1205, %dma_wait3A_1206] : memref<256x100xi32, #tpu.memory_space<vmem>> -> memref<1x100xi32, #tpu.memory_space<vmem>>
      %dma_wait3A_1208 = tpu.memref_squeeze %dma_wait3A_1207 : memref<1x100xi32, #tpu.memory_space<vmem>> -> memref<100xi32, #tpu.memory_space<vmem>>
      %dma_wait3A_1209 = arith.constant 0 : i32
      %dma_wait3A_1210 = arith.constant 0 : i32
      %dma_wait3A_1211 = tpu.memref_slice %arg5[%dma_wait3A_1209, %dma_wait3A_1210] : memref<1000000x128xf32, #tpu.memory_space<hbm>> -> memref<1000000x128xf32, #tpu.memory_space<hbm>>
      tpu.wait_indirect_dma semaphore(%arg18 : memref<!tpu.dma_semaphore, #tpu.memory_space<semaphore_mem>>) src(%dma_wait3A_1211 : memref<1000000x128xf32, #tpu.memory_space<hbm>>) dst(%arg14 : memref<100x128xf32, #tpu.memory_space<vmem>>)
      %scan3A_1212 = arith.constant 0 : i32
      %scan3A_1213 = arith.constant 50 : i32
      %scan3A_1214 = arith.addi %scan3A_1212, %scan3A_1213 : i32
      %scan3A_1215 = arith.constant 1 : i32
      %scan3A_1216:2 = scf.for %scan3A_1375 = %scan3A_1212 to %scan3A_1214 step %scan3A_1215 iter_args(%scan3A_1376 = %broadcast_in_dim3A_30, %scan3A_1377 = %broadcast_in_dim3A_30) -> (vector<16xf32>, vector<16xf32>)  : i32 {
        %get3A_1378 = arith.index_cast %scan3A_1375 : i32 to index
        %get3A_1379 = arith.constant 0 : index
        %get3A_1380 = tpu.vector_load %arg8[%get3A_1378, %get3A_1379] {strides = array<i32>} : memref<50x128xf32, #tpu.memory_space<vmem>>, vector<1x16xf32>,
        %get3A_1381 = vector.shape_cast %get3A_1380 : vector<1x16xf32> to vector<16xf32>
        %get3A_1382 = arith.index_cast %scan3A_1375 : i32 to index
        %get3A_1383 = arith.constant 0 : index
        %get3A_1384 = tpu.vector_load %arg14[%get3A_1382, %get3A_1383] {strides = array<i32>} : memref<100x128xf32, #tpu.memory_space<vmem>>, vector<1x16xf32>,
        %get3A_1385 = vector.shape_cast %get3A_1384 : vector<1x16xf32> to vector<16xf32>
        %mul3A_1386 = arith.mulf %get3A_1385, %get3A_1381 : vector<16xf32>
        %add3A_1387 = arith.addf %scan3A_1376, %mul3A_1386 : vector<16xf32>
        %add3A_1388 = arith.constant 50 : i32
        %add3A_1389 = arith.addi %add3A_1388, %scan3A_1375 : i32
        %get3A_1390 = arith.index_cast %add3A_1389 : i32 to index
        %get3A_1391 = arith.constant 0 : index
        %get3A_1392 = tpu.vector_load %arg14[%get3A_1390, %get3A_1391] {strides = array<i32>} : memref<100x128xf32, #tpu.memory_space<vmem>>, vector<1x16xf32>,
        %get3A_1393 = vector.shape_cast %get3A_1392 : vector<1x16xf32> to vector<16xf32>
        %mul3A_1394 = arith.mulf %get3A_1393, %get3A_1381 : vector<16xf32>
        %add3A_1395 = arith.addf %scan3A_1377, %mul3A_1394 : vector<16xf32>
        %get3A_1396 = arith.index_cast %scan3A_1375 : i32 to index
        %get3A_1397 = arith.constant 16 : index
        %get3A_1398 = tpu.vector_load %arg8[%get3A_1396, %get3A_1397] {strides = array<i32>} : memref<50x128xf32, #tpu.memory_space<vmem>>, vector<1x16xf32>,
        %get3A_1399 = vector.shape_cast %get3A_1398 : vector<1x16xf32> to vector<16xf32>
        %get3A_1400 = arith.index_cast %scan3A_1375 : i32 to index
        %get3A_1401 = arith.constant 16 : index
        %get3A_1402 = tpu.vector_load %arg14[%get3A_1400, %get3A_1401] {strides = array<i32>} : memref<100x128xf32, #tpu.memory_space<vmem>>, vector<1x16xf32>,
        %get3A_1403 = vector.shape_cast %get3A_1402 : vector<1x16xf32> to vector<16xf32>
        %mul3A_1404 = arith.mulf %get3A_1403, %get3A_1399 : vector<16xf32>
        %add3A_1405 = arith.addf %add3A_1387, %mul3A_1404 : vector<16xf32>
        %add3A_1406 = arith.constant 50 : i32
        %add3A_1407 = arith.addi %add3A_1406, %scan3A_1375 : i32
        %get3A_1408 = arith.index_cast %add3A_1407 : i32 to index
        %get3A_1409 = arith.constant 16 : index
        %get3A_1410 = tpu.vector_load %arg14[%get3A_1408, %get3A_1409] {strides = array<i32>} : memref<100x128xf32, #tpu.memory_space<vmem>>, vector<1x16xf32>,
        %get3A_1411 = vector.shape_cast %get3A_1410 : vector<1x16xf32> to vector<16xf32>
        %mul3A_1412 = arith.mulf %get3A_1411, %get3A_1399 : vector<16xf32>
        %add3A_1413 = arith.addf %add3A_1395, %mul3A_1412 : vector<16xf32>
        %get3A_1414 = arith.index_cast %scan3A_1375 : i32 to index
        %get3A_1415 = arith.constant 32 : index
        %get3A_1416 = tpu.vector_load %arg8[%get3A_1414, %get3A_1415] {strides = array<i32>} : memref<50x128xf32, #tpu.memory_space<vmem>>, vector<1x16xf32>,
        %get3A_1417 = vector.shape_cast %get3A_1416 : vector<1x16xf32> to vector<16xf32>
        %get3A_1418 = arith.index_cast %scan3A_1375 : i32 to index
        %get3A_1419 = arith.constant 32 : index
        %get3A_1420 = tpu.vector_load %arg14[%get3A_1418, %get3A_1419] {strides = array<i32>} : memref<100x128xf32, #tpu.memory_space<vmem>>, vector<1x16xf32>,
        %get3A_1421 = vector.shape_cast %get3A_1420 : vector<1x16xf32> to vector<16xf32>
        %mul3A_1422 = arith.mulf %get3A_1421, %get3A_1417 : vector<16xf32>
        %add3A_1423 = arith.addf %add3A_1405, %mul3A_1422 : vector<16xf32>
        %add3A_1424 = arith.constant 50 : i32
        %add3A_1425 = arith.addi %add3A_1424, %scan3A_1375 : i32
        %get3A_1426 = arith.index_cast %add3A_1425 : i32 to index
        %get3A_1427 = arith.constant 32 : index
        %get3A_1428 = tpu.vector_load %arg14[%get3A_1426, %get3A_1427] {strides = array<i32>} : memref<100x128xf32, #tpu.memory_space<vmem>>, vector<1x16xf32>,
        %get3A_1429 = vector.shape_cast %get3A_1428 : vector<1x16xf32> to vector<16xf32>
        %mul3A_1430 = arith.mulf %get3A_1429, %get3A_1417 : vector<16xf32>
        %add3A_1431 = arith.addf %add3A_1413, %mul3A_1430 : vector<16xf32>
        %get3A_1432 = arith.index_cast %scan3A_1375 : i32 to index
        %get3A_1433 = arith.constant 48 : index
        %get3A_1434 = tpu.vector_load %arg8[%get3A_1432, %get3A_1433] {strides = array<i32>} : memref<50x128xf32, #tpu.memory_space<vmem>>, vector<1x16xf32>,
        %get3A_1435 = vector.shape_cast %get3A_1434 : vector<1x16xf32> to vector<16xf32>
        %get3A_1436 = arith.index_cast %scan3A_1375 : i32 to index
        %get3A_1437 = arith.constant 48 : index
        %get3A_1438 = tpu.vector_load %arg14[%get3A_1436, %get3A_1437] {strides = array<i32>} : memref<100x128xf32, #tpu.memory_space<vmem>>, vector<1x16xf32>,
        %get3A_1439 = vector.shape_cast %get3A_1438 : vector<1x16xf32> to vector<16xf32>
        %mul3A_1440 = arith.mulf %get3A_1439, %get3A_1435 : vector<16xf32>
        %add3A_1441 = arith.addf %add3A_1423, %mul3A_1440 : vector<16xf32>
        %add3A_1442 = arith.constant 50 : i32
        %add3A_1443 = arith.addi %add3A_1442, %scan3A_1375 : i32
        %get3A_1444 = arith.index_cast %add3A_1443 : i32 to index
        %get3A_1445 = arith.constant 48 : index
        %get3A_1446 = tpu.vector_load %arg14[%get3A_1444, %get3A_1445] {strides = array<i32>} : memref<100x128xf32, #tpu.memory_space<vmem>>, vector<1x16xf32>,
        %get3A_1447 = vector.shape_cast %get3A_1446 : vector<1x16xf32> to vector<16xf32>
        %mul3A_1448 = arith.mulf %get3A_1447, %get3A_1435 : vector<16xf32>
        %add3A_1449 = arith.addf %add3A_1431, %mul3A_1448 : vector<16xf32>
        %get3A_1450 = arith.index_cast %scan3A_1375 : i32 to index
        %get3A_1451 = arith.constant 64 : index
        %get3A_1452 = tpu.vector_load %arg8[%get3A_1450, %get3A_1451] {strides = array<i32>} : memref<50x128xf32, #tpu.memory_space<vmem>>, vector<1x16xf32>,
        %get3A_1453 = vector.shape_cast %get3A_1452 : vector<1x16xf32> to vector<16xf32>
        %get3A_1454 = arith.index_cast %scan3A_1375 : i32 to index
        %get3A_1455 = arith.constant 64 : index
        %get3A_1456 = tpu.vector_load %arg14[%get3A_1454, %get3A_1455] {strides = array<i32>} : memref<100x128xf32, #tpu.memory_space<vmem>>, vector<1x16xf32>,
        %get3A_1457 = vector.shape_cast %get3A_1456 : vector<1x16xf32> to vector<16xf32>
        %mul3A_1458 = arith.mulf %get3A_1457, %get3A_1453 : vector<16xf32>
        %add3A_1459 = arith.addf %add3A_1441, %mul3A_1458 : vector<16xf32>
        %add3A_1460 = arith.constant 50 : i32
        %add3A_1461 = arith.addi %add3A_1460, %scan3A_1375 : i32
        %get3A_1462 = arith.index_cast %add3A_1461 : i32 to index
        %get3A_1463 = arith.constant 64 : index
        %get3A_1464 = tpu.vector_load %arg14[%get3A_1462, %get3A_1463] {strides = array<i32>} : memref<100x128xf32, #tpu.memory_space<vmem>>, vector<1x16xf32>,
        %get3A_1465 = vector.shape_cast %get3A_1464 : vector<1x16xf32> to vector<16xf32>
        %mul3A_1466 = arith.mulf %get3A_1465, %get3A_1453 : vector<16xf32>
        %add3A_1467 = arith.addf %add3A_1449, %mul3A_1466 : vector<16xf32>
        %get3A_1468 = arith.index_cast %scan3A_1375 : i32 to index
        %get3A_1469 = arith.constant 80 : index
        %get3A_1470 = tpu.vector_load %arg8[%get3A_1468, %get3A_1469] {strides = array<i32>} : memref<50x128xf32, #tpu.memory_space<vmem>>, vector<1x16xf32>,
        %get3A_1471 = vector.shape_cast %get3A_1470 : vector<1x16xf32> to vector<16xf32>
        %get3A_1472 = arith.index_cast %scan3A_1375 : i32 to index
        %get3A_1473 = arith.constant 80 : index
        %get3A_1474 = tpu.vector_load %arg14[%get3A_1472, %get3A_1473] {strides = array<i32>} : memref<100x128xf32, #tpu.memory_space<vmem>>, vector<1x16xf32>,
        %get3A_1475 = vector.shape_cast %get3A_1474 : vector<1x16xf32> to vector<16xf32>
        %mul3A_1476 = arith.mulf %get3A_1475, %get3A_1471 : vector<16xf32>
        %add3A_1477 = arith.addf %add3A_1459, %mul3A_1476 : vector<16xf32>
        %add3A_1478 = arith.constant 50 : i32
        %add3A_1479 = arith.addi %add3A_1478, %scan3A_1375 : i32
        %get3A_1480 = arith.index_cast %add3A_1479 : i32 to index
        %get3A_1481 = arith.constant 80 : index
        %get3A_1482 = tpu.vector_load %arg14[%get3A_1480, %get3A_1481] {strides = array<i32>} : memref<100x128xf32, #tpu.memory_space<vmem>>, vector<1x16xf32>,
        %get3A_1483 = vector.shape_cast %get3A_1482 : vector<1x16xf32> to vector<16xf32>
        %mul3A_1484 = arith.mulf %get3A_1483, %get3A_1471 : vector<16xf32>
        %add3A_1485 = arith.addf %add3A_1467, %mul3A_1484 : vector<16xf32>
        %get3A_1486 = arith.index_cast %scan3A_1375 : i32 to index
        %get3A_1487 = arith.constant 96 : index
        %get3A_1488 = tpu.vector_load %arg8[%get3A_1486, %get3A_1487] {strides = array<i32>} : memref<50x128xf32, #tpu.memory_space<vmem>>, vector<1x16xf32>,
        %get3A_1489 = vector.shape_cast %get3A_1488 : vector<1x16xf32> to vector<16xf32>
        %get3A_1490 = arith.index_cast %scan3A_1375 : i32 to index
        %get3A_1491 = arith.constant 96 : index
        %get3A_1492 = tpu.vector_load %arg14[%get3A_1490, %get3A_1491] {strides = array<i32>} : memref<100x128xf32, #tpu.memory_space<vmem>>, vector<1x16xf32>,
        %get3A_1493 = vector.shape_cast %get3A_1492 : vector<1x16xf32> to vector<16xf32>
        %mul3A_1494 = arith.mulf %get3A_1493, %get3A_1489 : vector<16xf32>
        %add3A_1495 = arith.addf %add3A_1477, %mul3A_1494 : vector<16xf32>
        %add3A_1496 = arith.constant 50 : i32
        %add3A_1497 = arith.addi %add3A_1496, %scan3A_1375 : i32
        %get3A_1498 = arith.index_cast %add3A_1497 : i32 to index
        %get3A_1499 = arith.constant 96 : index
        %get3A_1500 = tpu.vector_load %arg14[%get3A_1498, %get3A_1499] {strides = array<i32>} : memref<100x128xf32, #tpu.memory_space<vmem>>, vector<1x16xf32>,
        %get3A_1501 = vector.shape_cast %get3A_1500 : vector<1x16xf32> to vector<16xf32>
        %mul3A_1502 = arith.mulf %get3A_1501, %get3A_1489 : vector<16xf32>
        %add3A_1503 = arith.addf %add3A_1485, %mul3A_1502 : vector<16xf32>
        %get3A_1504 = arith.index_cast %scan3A_1375 : i32 to index
        %get3A_1505 = arith.constant 112 : index
        %get3A_1506 = tpu.vector_load %arg8[%get3A_1504, %get3A_1505] {strides = array<i32>} : memref<50x128xf32, #tpu.memory_space<vmem>>, vector<1x16xf32>,
        %get3A_1507 = vector.shape_cast %get3A_1506 : vector<1x16xf32> to vector<16xf32>
        %get3A_1508 = arith.index_cast %scan3A_1375 : i32 to index
        %get3A_1509 = arith.constant 112 : index
        %get3A_1510 = tpu.vector_load %arg14[%get3A_1508, %get3A_1509] {strides = array<i32>} : memref<100x128xf32, #tpu.memory_space<vmem>>, vector<1x16xf32>,
        %get3A_1511 = vector.shape_cast %get3A_1510 : vector<1x16xf32> to vector<16xf32>
        %mul3A_1512 = arith.mulf %get3A_1511, %get3A_1507 : vector<16xf32>
        %add3A_1513 = arith.addf %add3A_1495, %mul3A_1512 : vector<16xf32>
        %add3A_1514 = arith.constant 50 : i32
        %add3A_1515 = arith.addi %add3A_1514, %scan3A_1375 : i32
        %get3A_1516 = arith.index_cast %add3A_1515 : i32 to index
        %get3A_1517 = arith.constant 112 : index
        %get3A_1518 = tpu.vector_load %arg14[%get3A_1516, %get3A_1517] {strides = array<i32>} : memref<100x128xf32, #tpu.memory_space<vmem>>, vector<1x16xf32>,
        %get3A_1519 = vector.shape_cast %get3A_1518 : vector<1x16xf32> to vector<16xf32>
        %mul3A_1520 = arith.mulf %get3A_1519, %get3A_1507 : vector<16xf32>
        %add3A_1521 = arith.addf %add3A_1503, %mul3A_1520 : vector<16xf32>
        scf.yield %add3A_1513, %add3A_1521 : vector<16xf32>, vector<16xf32>
      }
      %scan3A_1217 = arith.constant 50 : i32
      %eq3A_1218 = arith.constant 14 : i32
      %eq3A_1219 = vector.broadcast %eq3A_1218 : i32 to vector<16xi32>
      %eq3A_1220 = arith.cmpi eq, %iota3A, %eq3A_1219 : vector<16xi32>
      %add3A_1221 = arith.constant 8 : i32
      %add3A_1222 = vector.broadcast %add3A_1221 : i32 to vector<16xi32>
      %add3A_1223 = arith.addi %iota3A, %add3A_1222 : vector<16xi32>
      %and3A_1224 = arith.constant 15 : i32
      %and3A_1225 = vector.broadcast %and3A_1224 : i32 to vector<16xi32>
      %and3A_1226 = arith.andi %add3A_1223, %and3A_1225 : vector<16xi32>
      %lt3A_1227 = arith.constant 0 : i32
      %lt3A_1228 = vector.broadcast %lt3A_1227 : i32 to vector<16xi32>
      %lt3A_1229 = arith.cmpi slt, %and3A_1226, %lt3A_1228 : vector<16xi32>
      %add3A_1230 = arith.constant 16 : i32
      %add3A_1231 = vector.broadcast %add3A_1230 : i32 to vector<16xi32>
      %add3A_1232 = arith.addi %and3A_1226, %add3A_1231 : vector<16xi32>
      %select_n3A_1233 = arith.select %lt3A_1229, %add3A_1232, %and3A_1226 : vector<16xi1>, vector<16xi32>
      %broadcast_in_dim3A_1234 = vector.shape_cast %select_n3A_1233 : vector<16xi32> to vector<16x1xi32>
      %gather3A_1235 = vector.shape_cast %broadcast_in_dim3A_1234 : vector<16x1xi32> to vector<16xi32>
      %gather3A_1236 = tpu.dynamic_gather %scan3A_1216#0[%gather3A_1235] in [0] : vector<16xf32>, vector<16xi32> -> vector<16xf32>
      %add3A_1237 = arith.addf %scan3A_1216#0, %gather3A_1236 : vector<16xf32>
      %add3A_1238 = arith.constant 4 : i32
      %add3A_1239 = vector.broadcast %add3A_1238 : i32 to vector<16xi32>
      %add3A_1240 = arith.addi %iota3A, %add3A_1239 : vector<16xi32>
      %and3A_1241 = arith.constant 15 : i32
      %and3A_1242 = vector.broadcast %and3A_1241 : i32 to vector<16xi32>
      %and3A_1243 = arith.andi %add3A_1240, %and3A_1242 : vector<16xi32>
      %lt3A_1244 = arith.constant 0 : i32
      %lt3A_1245 = vector.broadcast %lt3A_1244 : i32 to vector<16xi32>
      %lt3A_1246 = arith.cmpi slt, %and3A_1243, %lt3A_1245 : vector<16xi32>
      %add3A_1247 = arith.constant 16 : i32
      %add3A_1248 = vector.broadcast %add3A_1247 : i32 to vector<16xi32>
      %add3A_1249 = arith.addi %and3A_1243, %add3A_1248 : vector<16xi32>
      %select_n3A_1250 = arith.select %lt3A_1246, %add3A_1249, %and3A_1243 : vector<16xi1>, vector<16xi32>
      %broadcast_in_dim3A_1251 = vector.shape_cast %select_n3A_1250 : vector<16xi32> to vector<16x1xi32>
      %gather3A_1252 = vector.shape_cast %broadcast_in_dim3A_1251 : vector<16x1xi32> to vector<16xi32>
      %gather3A_1253 = tpu.dynamic_gather %add3A_1237[%gather3A_1252] in [0] : vector<16xf32>, vector<16xi32> -> vector<16xf32>
      %add3A_1254 = arith.addf %add3A_1237, %gather3A_1253 : vector<16xf32>
      %add3A_1255 = arith.constant 2 : i32
      %add3A_1256 = vector.broadcast %add3A_1255 : i32 to vector<16xi32>
      %add3A_1257 = arith.addi %iota3A, %add3A_1256 : vector<16xi32>
      %and3A_1258 = arith.constant 15 : i32
      %and3A_1259 = vector.broadcast %and3A_1258 : i32 to vector<16xi32>
      %and3A_1260 = arith.andi %add3A_1257, %and3A_1259 : vector<16xi32>
      %lt3A_1261 = arith.constant 0 : i32
      %lt3A_1262 = vector.broadcast %lt3A_1261 : i32 to vector<16xi32>
      %lt3A_1263 = arith.cmpi slt, %and3A_1260, %lt3A_1262 : vector<16xi32>
      %add3A_1264 = arith.constant 16 : i32
      %add3A_1265 = vector.broadcast %add3A_1264 : i32 to vector<16xi32>
      %add3A_1266 = arith.addi %and3A_1260, %add3A_1265 : vector<16xi32>
      %select_n3A_1267 = arith.select %lt3A_1263, %add3A_1266, %and3A_1260 : vector<16xi1>, vector<16xi32>
      %broadcast_in_dim3A_1268 = vector.shape_cast %select_n3A_1267 : vector<16xi32> to vector<16x1xi32>
      %gather3A_1269 = vector.shape_cast %broadcast_in_dim3A_1268 : vector<16x1xi32> to vector<16xi32>
      %gather3A_1270 = tpu.dynamic_gather %add3A_1254[%gather3A_1269] in [0] : vector<16xf32>, vector<16xi32> -> vector<16xf32>
      %add3A_1271 = arith.addf %add3A_1254, %gather3A_1270 : vector<16xf32>
      %add3A_1272 = arith.constant 1 : i32
      %add3A_1273 = vector.broadcast %add3A_1272 : i32 to vector<16xi32>
      %add3A_1274 = arith.addi %iota3A, %add3A_1273 : vector<16xi32>
      %and3A_1275 = arith.constant 15 : i32
      %and3A_1276 = vector.broadcast %and3A_1275 : i32 to vector<16xi32>
      %and3A_1277 = arith.andi %add3A_1274, %and3A_1276 : vector<16xi32>
      %lt3A_1278 = arith.constant 0 : i32
      %lt3A_1279 = vector.broadcast %lt3A_1278 : i32 to vector<16xi32>
      %lt3A_1280 = arith.cmpi slt, %and3A_1277, %lt3A_1279 : vector<16xi32>
      %add3A_1281 = arith.constant 16 : i32
      %add3A_1282 = vector.broadcast %add3A_1281 : i32 to vector<16xi32>
      %add3A_1283 = arith.addi %and3A_1277, %add3A_1282 : vector<16xi32>
      %select_n3A_1284 = arith.select %lt3A_1280, %add3A_1283, %and3A_1277 : vector<16xi1>, vector<16xi32>
      %broadcast_in_dim3A_1285 = vector.shape_cast %select_n3A_1284 : vector<16xi32> to vector<16x1xi32>
      %gather3A_1286 = vector.shape_cast %broadcast_in_dim3A_1285 : vector<16x1xi32> to vector<16xi32>
      %gather3A_1287 = tpu.dynamic_gather %add3A_1271[%gather3A_1286] in [0] : vector<16xf32>, vector<16xi32> -> vector<16xf32>
      %add3A_1288 = arith.addf %add3A_1271, %gather3A_1287 : vector<16xf32>
      %select_n3A_1289 = arith.select %eq3A_1220, %add3A_1288, %select_n3A_1194 : vector<16xi1>, vector<16xf32>
      %eq3A_1290 = arith.constant 15 : i32
      %eq3A_1291 = vector.broadcast %eq3A_1290 : i32 to vector<16xi32>
      %eq3A_1292 = arith.cmpi eq, %iota3A, %eq3A_1291 : vector<16xi32>
      %add3A_1293 = arith.constant 8 : i32
      %add3A_1294 = vector.broadcast %add3A_1293 : i32 to vector<16xi32>
      %add3A_1295 = arith.addi %iota3A, %add3A_1294 : vector<16xi32>
      %and3A_1296 = arith.constant 15 : i32
      %and3A_1297 = vector.broadcast %and3A_1296 : i32 to vector<16xi32>
      %and3A_1298 = arith.andi %add3A_1295, %and3A_1297 : vector<16xi32>
      %lt3A_1299 = arith.constant 0 : i32
      %lt3A_1300 = vector.broadcast %lt3A_1299 : i32 to vector<16xi32>
      %lt3A_1301 = arith.cmpi slt, %and3A_1298, %lt3A_1300 : vector<16xi32>
      %add3A_1302 = arith.constant 16 : i32
      %add3A_1303 = vector.broadcast %add3A_1302 : i32 to vector<16xi32>
      %add3A_1304 = arith.addi %and3A_1298, %add3A_1303 : vector<16xi32>
      %select_n3A_1305 = arith.select %lt3A_1301, %add3A_1304, %and3A_1298 : vector<16xi1>, vector<16xi32>
      %broadcast_in_dim3A_1306 = vector.shape_cast %select_n3A_1305 : vector<16xi32> to vector<16x1xi32>
      %gather3A_1307 = vector.shape_cast %broadcast_in_dim3A_1306 : vector<16x1xi32> to vector<16xi32>
      %gather3A_1308 = tpu.dynamic_gather %scan3A_1216#1[%gather3A_1307] in [0] : vector<16xf32>, vector<16xi32> -> vector<16xf32>
      %add3A_1309 = arith.addf %scan3A_1216#1, %gather3A_1308 : vector<16xf32>
      %add3A_1310 = arith.constant 4 : i32
      %add3A_1311 = vector.broadcast %add3A_1310 : i32 to vector<16xi32>
      %add3A_1312 = arith.addi %iota3A, %add3A_1311 : vector<16xi32>
      %and3A_1313 = arith.constant 15 : i32
      %and3A_1314 = vector.broadcast %and3A_1313 : i32 to vector<16xi32>
      %and3A_1315 = arith.andi %add3A_1312, %and3A_1314 : vector<16xi32>
      %lt3A_1316 = arith.constant 0 : i32
      %lt3A_1317 = vector.broadcast %lt3A_1316 : i32 to vector<16xi32>
      %lt3A_1318 = arith.cmpi slt, %and3A_1315, %lt3A_1317 : vector<16xi32>
      %add3A_1319 = arith.constant 16 : i32
      %add3A_1320 = vector.broadcast %add3A_1319 : i32 to vector<16xi32>
      %add3A_1321 = arith.addi %and3A_1315, %add3A_1320 : vector<16xi32>
      %select_n3A_1322 = arith.select %lt3A_1318, %add3A_1321, %and3A_1315 : vector<16xi1>, vector<16xi32>
      %broadcast_in_dim3A_1323 = vector.shape_cast %select_n3A_1322 : vector<16xi32> to vector<16x1xi32>
      %gather3A_1324 = vector.shape_cast %broadcast_in_dim3A_1323 : vector<16x1xi32> to vector<16xi32>
      %gather3A_1325 = tpu.dynamic_gather %add3A_1309[%gather3A_1324] in [0] : vector<16xf32>, vector<16xi32> -> vector<16xf32>
      %add3A_1326 = arith.addf %add3A_1309, %gather3A_1325 : vector<16xf32>
      %add3A_1327 = arith.constant 2 : i32
      %add3A_1328 = vector.broadcast %add3A_1327 : i32 to vector<16xi32>
      %add3A_1329 = arith.addi %iota3A, %add3A_1328 : vector<16xi32>
      %and3A_1330 = arith.constant 15 : i32
      %and3A_1331 = vector.broadcast %and3A_1330 : i32 to vector<16xi32>
      %and3A_1332 = arith.andi %add3A_1329, %and3A_1331 : vector<16xi32>
      %lt3A_1333 = arith.constant 0 : i32
      %lt3A_1334 = vector.broadcast %lt3A_1333 : i32 to vector<16xi32>
      %lt3A_1335 = arith.cmpi slt, %and3A_1332, %lt3A_1334 : vector<16xi32>
      %add3A_1336 = arith.constant 16 : i32
      %add3A_1337 = vector.broadcast %add3A_1336 : i32 to vector<16xi32>
      %add3A_1338 = arith.addi %and3A_1332, %add3A_1337 : vector<16xi32>
      %select_n3A_1339 = arith.select %lt3A_1335, %add3A_1338, %and3A_1332 : vector<16xi1>, vector<16xi32>
      %broadcast_in_dim3A_1340 = vector.shape_cast %select_n3A_1339 : vector<16xi32> to vector<16x1xi32>
      %gather3A_1341 = vector.shape_cast %broadcast_in_dim3A_1340 : vector<16x1xi32> to vector<16xi32>
      %gather3A_1342 = tpu.dynamic_gather %add3A_1326[%gather3A_1341] in [0] : vector<16xf32>, vector<16xi32> -> vector<16xf32>
      %add3A_1343 = arith.addf %add3A_1326, %gather3A_1342 : vector<16xf32>
      %add3A_1344 = arith.constant 1 : i32
      %add3A_1345 = vector.broadcast %add3A_1344 : i32 to vector<16xi32>
      %add3A_1346 = arith.addi %iota3A, %add3A_1345 : vector<16xi32>
      %and3A_1347 = arith.constant 15 : i32
      %and3A_1348 = vector.broadcast %and3A_1347 : i32 to vector<16xi32>
      %and3A_1349 = arith.andi %add3A_1346, %and3A_1348 : vector<16xi32>
      %lt3A_1350 = arith.constant 0 : i32
      %lt3A_1351 = vector.broadcast %lt3A_1350 : i32 to vector<16xi32>
      %lt3A_1352 = arith.cmpi slt, %and3A_1349, %lt3A_1351 : vector<16xi32>
      %add3A_1353 = arith.constant 16 : i32
      %add3A_1354 = vector.broadcast %add3A_1353 : i32 to vector<16xi32>
      %add3A_1355 = arith.addi %and3A_1349, %add3A_1354 : vector<16xi32>
      %select_n3A_1356 = arith.select %lt3A_1352, %add3A_1355, %and3A_1349 : vector<16xi1>, vector<16xi32>
      %broadcast_in_dim3A_1357 = vector.shape_cast %select_n3A_1356 : vector<16xi32> to vector<16x1xi32>
      %gather3A_1358 = vector.shape_cast %broadcast_in_dim3A_1357 : vector<16x1xi32> to vector<16xi32>
      %gather3A_1359 = tpu.dynamic_gather %add3A_1343[%gather3A_1358] in [0] : vector<16xf32>, vector<16xi32> -> vector<16xf32>
      %add3A_1360 = arith.addf %add3A_1343, %gather3A_1359 : vector<16xf32>
      %select_n3A_1361 = arith.select %eq3A_1292, %add3A_1360, %select_n3A_1289 : vector<16xi1>, vector<16xf32>
      %add3A_1362 = arith.constant 4 : i32
      %add3A_1363 = arith.addi %add3A_1205, %add3A_1362 : i32
      %lt3A_1364 = arith.constant 256 : i32
      %lt3A_1365 = arith.cmpi slt, %add3A_1363, %lt3A_1364 : i32
      %convert_element_type3A_1366 = arith.extui %lt3A_1365 : i1 to i32
      %cond3A_1367 = arith.constant 0 : i32
      %cond3A_1368 = arith.cmpi ne, %convert_element_type3A_1366, %cond3A_1367 : i32
      scf.if %cond3A_1368 {
        %dma_start3A_1375 = arith.constant 0 : i32
        %dma_start3A_1376 = tpu.memref_slice %arg7[%add3A_1363, %dma_start3A_1375] : memref<256x100xi32, #tpu.memory_space<vmem>> -> memref<1x100xi32, #tpu.memory_space<vmem>>
        %dma_start3A_1377 = tpu.memref_squeeze %dma_start3A_1376 : memref<1x100xi32, #tpu.memory_space<vmem>> -> memref<100xi32, #tpu.memory_space<vmem>>
        %dma_start3A_1378 = arith.constant 0 : i32
        %dma_start3A_1379 = arith.constant 0 : i32
        %dma_start3A_1380 = tpu.memref_slice %arg5[%dma_start3A_1378, %dma_start3A_1379] : memref<1000000x128xf32, #tpu.memory_space<hbm>> -> memref<1000000x128xf32, #tpu.memory_space<hbm>>
        tpu.enqueue_indirect_dma source(%dma_start3A_1380 : memref<1000000x128xf32, #tpu.memory_space<hbm>>) target(%arg14 : memref<100x128xf32, #tpu.memory_space<vmem>>) offsets(%dma_start3A_1377 : memref<100xi32, #tpu.memory_space<vmem>>) semaphore(%arg18 : memref<!tpu.dma_semaphore, #tpu.memory_space<semaphore_mem>>)
      } else {
      }
      %add3A_1369 = arith.addf %select_n3A_1361, %get3A_32 : vector<16xf32>
      %mul3A_1370 = arith.constant 16 : i32
      %mul3A_1371 = arith.muli %scan3A_40, %mul3A_1370 : i32
      %swap3A = arith.index_cast %mul3A_1371 : i32 to index
      %swap3A_1372 = tpu.vector_load %arg10[%swap3A] {strides = array<i32>} : memref<512xf32, #tpu.memory_space<vmem>>, vector<16xf32>,
      %swap3A_1373 = vector.shape_cast %swap3A_1372 : vector<16xf32> to vector<16xf32>
      %swap3A_1374 = vector.shape_cast %add3A_1369 : vector<16xf32> to vector<16xf32>
      tpu.vector_store %arg10[%swap3A], %swap3A_1374 {strides = array<i32>} : memref<512xf32, #tpu.memory_space<vmem>>, vector<16xf32>,
    }
    %scan3A_37 = arith.constant 32 : i32
    %mul3A_38 = arith.constant 512 : i32
    %mul3A_39 = arith.muli %add3A, %mul3A_38 : i32
    "tpu.region"() ({
      %run_scoped3A = tpu.sem_alloc : memref<!tpu.dma_semaphore, #tpu.memory_space<semaphore_mem>>
      %dma_start3A_40 = tpu.memref_slice %arg6[%mul3A_39] : memref<16384xf32, #tpu.memory_space<hbm>> -> memref<512xf32, #tpu.memory_space<hbm>>
      %dma_start3A_41 = tpu.memref_slice %arg6[%mul3A_39] : memref<16384xf32, #tpu.memory_space<hbm>> -> memref<512xf32, #tpu.memory_space<hbm>>
      tpu.enqueue_dma source(%arg10 : memref<512xf32, #tpu.memory_space<vmem>>) target(%dma_start3A_41 : memref<512xf32, #tpu.memory_space<hbm>>) target_semaphore(%run_scoped3A : memref<!tpu.dma_semaphore, #tpu.memory_space<semaphore_mem>>)
      %dma_wait3A = tpu.memref_slice %arg6[%mul3A_39] : memref<16384xf32, #tpu.memory_space<hbm>> -> memref<512xf32, #tpu.memory_space<hbm>>
      %dma_wait3A_42 = tpu.memref_slice %arg6[%mul3A_39] : memref<16384xf32, #tpu.memory_space<hbm>> -> memref<512xf32, #tpu.memory_space<hbm>>
      tpu.wait_dma2 semaphore(%run_scoped3A : memref<!tpu.dma_semaphore, #tpu.memory_space<semaphore_mem>>) src(%arg10 : memref<512xf32, #tpu.memory_space<vmem>>) dst(%dma_wait3A_42 : memref<512xf32, #tpu.memory_space<hbm>>)
      tpu.yield
    }) : () -> ()
    return
  }
}

</mosaic_0001>

<sc_bundles>
// kernel: _run.3.cloned.1.call-start
scs
__scs_entry_jumppad:
0x0: {  	(pc) =	sbr.rel $0x88, $3  }
0x1: {  	(tag) =	ssettag $0x0;
	lr =	simm.s32 $0x1  }
0x2: {  	[smem:$0x3F9D] =	sst lr;
	_ =	strace $0xD0000000  }
0x3: {  	_ = 	snop  }
0x4: {  	_ = 	snop  }
0x5: {  	_ = 	snop  }
0x6: {  	_ = 	snop  }
0x7: {  	_ = 	snop  }
__scs_overlays_trampoline_lowered:
0x8: {  	[smem:$0x3FAC] =	sst s0  }
0x9: {  	[smem:$0x3FAD] =	sst s1  }
0xa: {  	[smem:$0x3FAE] =	sst s2  }
0xb: {  	[smem:$0x3FAF] =	sst s3  }
0xc: {  	[smem:$0x3FB0] =	sst s4  }
0xd: {  	[smem:$0x3FB1] =	sst s5  }
0xe: {  	[smem:$0x3FB2] =	sst s6  }
0xf: {  	[smem:$0x3FB3] =	sst s7  }
0x10: {  	[smem:$0x3FB4] =	sst s8  }
0x11: {  	[smem:$0x3FB5] =	sst s9;
	s0 =	simm.s32 @!p0 $0x0  }
0x12: {  	s1 =	sld [smem:$0x3F9B];
	s0 =	simm.s32 @p0 $0x1  }
0x13: {  	[smem:$0x3FB6] =	sst s0;
	s0 =	simm.s32 @!p1 $0x0  }
0x14: {  	s2 =	sld [smem:$0x3F9A];
	s0 =	simm.s32 @p1 $0x1  }
0x15: {  	[smem:$0x3FB7] =	sst s0;
	s0 =	simm.s32 @!p2 $0x0  }
0x16: {  	s3 =	sld [smem:$0x3FDB];
	s0 =	simm.s32 @p2 $0x1  }
0x17: {  	s4 =	simm.s32 $0x1BF5;
	[smem:$0x3FB9] =	sst s0  }
0x18: {  	s0 =	sld [smem:$0x3F9C];
	_ =	swait.ge [sflag:s4], $0x0  }
0x19: {  	s7 =	sld [smem:$0x3F9D]  }
0x1a: {  	s8 =	sadd.s32 $0xFFFFE003, lr  }
0x1b: {  	s9 =	sadd.s32 $0xFFFFFEF7, lr;
	s5 =	simm.s32 $0xFFFFFFFF;
	p2 =	slt.u32 s8, $0xFFFFF086  }
0x1c: {  	p1 =	slt.u32 s9, $0xF7A;
	s5 =	simm.s32 @!p2 $0x0  }
0x1d: {  	s5 =	simm.s32 @p1 $0x1;
	p0 =	seq.s32 s7, s2  }
0x1e: {  	s7 =	smul.u32 @!p0 $0xF7A, s2;
	p2 =	seq.s32 @!p0 s5, $0x0  }
0x1f: {  	s9 =	smul.u32 $0xF7A, s1;
	s8 =	simm.s32 @!p0 $0x1BF5;
	p2 =	por !p2, p0  }
0x20: {  	[sflag:s8] =	ssyncset.s32 @!p0 $0xFFFFF086;
	s6 =	sadd.s32 @!p0 s3, s7;
	s7 =	simm.s32 @!p0 $0x108  }
0x21: {  	s3 =	sadd.s32 s3, s9;
	s6 =	sadd.s32 @!p0 $0x88, s6;
	s7 =	simm.s32 @p2 $0x1082  }
0x22: {  	[simem:s7], [sflag:s8] =	dma.local @!p0 [hbm:s6], $0xF7A  }
0x23: {  	s9 =	sor.u32 $0xD0000000, s2;
	s6 =	simm.s32 $0x108;
	_ =	swait.ge @!p0 [sflag:s8], $0x0  }
0x24: {  	s3 =	sadd.s32 $0x88, s3;
	s6 =	simm.s32 @!p1 $0x1082;
	[sflag:s4] =	ssyncset.s32 $0xFFFFF086  }
0x25: {  	[simem:s6], [sflag:s4] =	dma.local [hbm:s3], $0xF7A  }
0x26: {  	[smem:$0x3F9D] =	sst s1;
	(tag) =	ssettag s2;
	_ =	strace s9  }
0x27: {  	s1 =	sld [smem:$0x3FAD]  }
0x28: {  	s2 =	sld [smem:$0x3FAE]  }
0x29: {  	s4 =	sld [smem:$0x3FB0]  }
0x2a: {  	p0 =	seq.s32 s5, $0x0;
	s5 =	sld [smem:$0x3FB1]  }
0x2b: {  	s6 =	sld [smem:$0x3FB2]  }
0x2c: {  	s7 =	sld [smem:$0x3FB3]  }
0x2d: {  	s3 =	simm.s32 $0x108;
	s8 =	sld [smem:$0x3FB4]  }
0x2e: {  	s3 =	simm.s32 @!p0 $0x1082;
	s9 =	sld [smem:$0x3FB5]  }
0x2f: {  	lr =	sadd.s32 s0, s3;
	s0 =	sld [smem:$0x3FAC]  }
0x30: {  	s3 =	sld [smem:$0x3FAF]  }
0x31: {  	[smem:$0x3FB8] =	sst s10  }
0x32: {  	s10 =	sld [smem:$0x3FB6];
	_ =	sdelay $0x3  }
0x33: {  	p0 =	seq.s32 s10, $0x1;
	s10 =	sld [smem:$0x3FB8];
	_ =	sdelay $0x3  }
0x34: {  	[smem:$0x3FB8] =	sst s10  }
0x35: {  	s10 =	sld [smem:$0x3FB7];
	_ =	sdelay $0x3  }
0x36: {  	p1 =	seq.s32 s10, $0x1;
	s10 =	sld [smem:$0x3FB8];
	_ =	sdelay $0x3  }
0x37: {  	[smem:$0x3FB8] =	sst s10  }
0x38: {  	s10 =	sld [smem:$0x3FB9]  }
0x39: {  	_ = 	snop;
	(pc) =	sbr.ind lr, $3  }
0x3a: {  	_ = 	snop  }
0x3b: {  	_ = 	snop  }
0x3c: {  	p2 =	seq.s32 s10, $0x1;
	s10 =	sld [smem:$0x3FB8]  }
0x3d: {  	_ =	shalt  }
0x3e: {  	_ =	shalt  }
0x3f: {  	_ =	shalt  }
0x40: {  	_ =	shalt  }
0x41: {  	_ =	shalt  }
0x42: {  	_ =	shalt  }
0x43: {  	_ =	shalt  }
0x44: {  	_ =	shalt  }
0x45: {  	_ =	shalt  }
0x46: {  	_ =	shalt  }
0x47: {  	_ =	shalt  }
0x48: {  	_ =	shalt  }
0x49: {  	_ =	shalt  }
0x4a: {  	_ =	shalt  }
0x4b: {  	_ =	shalt  }
0x4c: {  	_ =	shalt  }
0x4d: {  	_ =	shalt  }
0x4e: {  	_ =	shalt  }
0x4f: {  	_ =	shalt  }
0x50: {  	_ =	shalt  }
0x51: {  	_ =	shalt  }
0x52: {  	_ =	shalt  }
0x53: {  	_ =	shalt  }
0x54: {  	_ =	shalt  }
0x55: {  	_ =	shalt  }
0x56: {  	_ =	shalt  }
0x57: {  	_ =	shalt  }
0x58: {  	_ =	shalt  }
0x59: {  	_ =	shalt  }
0x5a: {  	_ =	shalt  }
0x5b: {  	_ =	shalt  }
0x5c: {  	_ =	shalt  }
0x5d: {  	_ =	shalt  }
0x5e: {  	_ =	shalt  }
0x5f: {  	_ =	shalt  }
0x60: {  	_ =	shalt  }
0x61: {  	_ =	shalt  }
0x62: {  	_ =	shalt  }
0x63: {  	_ =	shalt  }
0x64: {  	_ =	shalt  }
0x65: {  	_ =	shalt  }
0x66: {  	_ =	shalt  }
0x67: {  	_ =	shalt  }
0x68: {  	_ =	shalt  }
0x69: {  	_ =	shalt  }
0x6a: {  	_ =	shalt  }
0x6b: {  	_ =	shalt  }
0x6c: {  	_ =	shalt  }
0x6d: {  	_ =	shalt  }
0x6e: {  	_ =	shalt  }
0x6f: {  	_ =	shalt  }
0x70: {  	_ =	shalt  }
0x71: {  	_ =	shalt  }
0x72: {  	_ =	shalt  }
0x73: {  	_ =	shalt  }
0x74: {  	_ =	shalt  }
0x75: {  	_ =	shalt  }
0x76: {  	_ =	shalt  }
0x77: {  	_ =	shalt  }
0x78: {  	_ =	shalt  }
0x79: {  	_ =	shalt  }
0x7a: {  	_ =	shalt  }
0x7b: {  	_ =	shalt  }
0x7c: {  	_ =	shalt  }
0x7d: {  	_ =	shalt  }
0x7e: {  	_ =	shalt  }
0x7f: {  	_ =	shalt  }
0x80: {  	_ =	shalt  }
0x81: {  	_ =	shalt  }
0x82: {  	_ =	shalt  }
0x83: {  	_ =	shalt  }
0x84: {  	_ =	shalt  }
0x85: {  	_ =	shalt  }
0x86: {  	_ =	shalt  }
0x87: {  	_ =	shalt  }
.Lfunc_end0:
.L_simem_size_0:
called_computation_lowered:
.L_overlay_start_0:
0x88: {  	s2 =	sld [smem:$0x3FD9]  }
0x89: {  	s3 =	sld [smem:$0x3FFE];
	_ =	sdelay $0x1  }
0x8a: {  	s1 =	srdreg.scid  }
0x8b: {  	s0 =	sand.u32 $0x1, s1  }
0x8c: {  	s17 =	sshll.u32 s0, $0xA;
	s2 =	sadd.s32 s3, s2  }
0x8d: {  	s2 =	sadd.s32 s2, s17  }
0x8e: {  	[smem:$0x3FC4] =	sst s2  }
0x8f: {  	_ = 	snop  }
0x90: {  	s2 =	sld [smem:$0x3FC8]  }
0x91: {  	s18 =	sld [smem:$0x3FC7]  }
0x92: {  	s4 =	sld [smem:$0x3FC6]  }
0x93: {  	s5 =	sld [smem:$0x3FD0];
	(tm) =	ssettm $0x1  }
0x94: {  	s6 =	sld [smem:$0x3FFB];
	_ =	sdelay $0x3  }
0x95: {  	_ =	strace s6  }
0x96: {  	s6 =	sld [smem:$0x3FFC];
	_ =	sdelay $0x3  }
0x97: {  	_ =	strace s6  }
0x98: {  	s6 =	sld [smem:$0x3FFD];
	_ =	sdelay $0x3  }
0x99: {  	_ =	strace s6  }
0x9a: {  	_ =	strace $0x8FFFFFFF  }
0x9b: {  	s19 =	sld [smem:$0x3FDB];
	_ =	sdelay $0x1  }
0x9c: {  	s7 =	simm.s32 $_scs_section_size  }
0x9d: {  	s8 =	simm.s32 $_size__tile_overlayer_lowered;
	s9 =	simm.s32 $_tile_overlayer_lowered  }
0x9e: {  	s22 =	simm.s32 $0x1BFF;
	s21 =	sshll.u32 s9, $0x1;
	s6 =	sadd.s32 s7, s19  }
0x9f: {  	s10 =	simm.s32 $0x0;
	s20 =	sshll.u32 s8, $0x1;
	s8 =	sadd.s32 s21, s6  }
0xa0: {  	[timem:s10], [sflag:s22] =	dma.local [hbm:s8], s20  }
0xa1: {  	_ =	swait.ge [sflag:s22], s20  }
0xa2: {  	s7 =	ssub.s32 $0x0, s20;
	[sflag:s22] =	ssyncset.done $0x0  }
0xa3: {  	[sflag:s22] =	ssyncadd.s32 s7;
	_ =	sdelay $0x1  }
0xa4: {  	s23 =	simm.s32 $0x1B8B  }
0xa5: {  	_ =	swait.ge [sflag:s23], $0x1  }
0xa6: {  	[sflag:s23] =	ssyncset.done $0x0  }
0xa7: {  	s25 =	simm.s32 $0x1B8E;
	s24 =	sld [smem:$0x3FFE];
	[sflag:s23] =	ssyncadd.s32 $0xFFFFFFFF  }
0xa8: {  	s26 =	simm.s32 $execute0_lowered;
	[smem:$0x3FD2] =	sst s25  }
0xa9: {  	s8 =	sshll.u32 s26, $0x1;
	_ =	strace $0x80000046;
	[dreg:$0x1] =	wrdreg $0xFFFFFFFF  }
0xaa: {  	s28 =	simm.s32 $_size_execute0_lowered;
	s6 =	sadd.s32 s6, s8;
	[dreg:$0x0] =	wrdreg $0x0  }
0xab: {  	s8 =	sshll.u32 s28, $0x1;
	[dreg:$0x2] =	wrdreg s6  }
0xac: {  	[dreg:$0x3] =	wrdreg s8  }
0xad: {  	[dreg:$0x4] =	wrdreg $0xC0  }
0xae: {  	_ =	task [dreg:s10], $0x5FFFF  }
0xaf: {  	[dreg:$0x1] =	wrdreg $0xFFFFFFFF  }
0xb0: {  	[dreg:$0x0] =	wrdreg $0x60  }
0xb1: {  	[dreg:$0x2] =	wrdreg s24  }
0xb2: {  	[dreg:$0x3] =	wrdreg s18  }
0xb3: {  	[dreg:$0x4] =	wrdreg s4  }
0xb4: {  	[dreg:$0x5] =	wrdreg s2  }
0xb5: {  	[dreg:$0x6] =	wrdreg s5  }
0xb6: {  	[dreg:$0x7] =	wrdreg $0x9  }
0xb7: {  	_ =	task.clear_ibuf [dreg:s10], $0x8FFFF;
	_ =	strace $0x90000046  }
0xb8: {  	s29 =	simm.s32 $0x9;
	_ =	strace $0x80000048  }
0xb9: {  	_ =	swait.ge [sflag:s29], $0x1  }
0xba: {  	[sflag:s29] =	ssyncadd.s32 $0xFFFFFFFF  }
0xbb: {  	_ =	strace $0x90000048  }
0xbc: {  	_ =	sfence  }
0xbd: {  	s30 =	sld [smem:$0x0];
	_ =	sdelay $0x2  }
0xbe: {  	s31 =	sshll.u32 s1, $0xD;
	s1 =	sshrl.u32 s1, $0x2  }
0xbf: {  	s3 =	sand.u32 $0x4000, s31;
	s1 =	sadd.s32 s1, s30  }
0xc0: {  	s0 =	sor.u32 s3, s0;
	s1 =	sshll.u32 s1, $0x11  }
0xc1: {  	s0 =	sor.u32 s1, s0  }
0xc2: {  	s0 =	sadd.s32 $0x8F2B, s0  }
0xc3: {  	[sflag:s0] =	ssyncadd.remote.s32 $0x1  }
0xc4: {  	_ =	sfence.sel $0xFFFF  }
0xc5: {  	[dreg:$0x0] =	wrdreg $0xFFFFFFFF;
	(pc) =	sbr.abs _section_cstart, $3  }
0xc6: {  	[dreg:$0x1] =	wrdreg $0xFFFFFFFF  }
0xc7: {  	_ =	task.clear_ibuf [dreg:s10], $0x2FFFF;
	_ =	strace $0x9FFFFFFF  }
0xc8: {  	(tm) =	ssettm $0x7FFFFFFF  }
0xc9: {  	_ =	shalt  }
tec
execute0_lowered:
.L_overlay_start_1:
0x0: {  	(tag) =	ssettag $0x1  }
0x1: {  	s6 =	rddreg [dreg:$0x0]  }
0x2: {  	s0 =	rddreg [dreg:$0x1]  }
0x3: {  	s1 =	rddreg [dreg:$0x2]  }
0x4: {  	s2 =	rddreg [dreg:$0x3]  }
0x5: {  	v0 =	vimm.s32 $0xFEDCBA98;
	s7 =	rddreg [dreg:$0x4];
	v1 =	vimm.s32 $0x76543210  }
0x6: {  	s4 =	simm.s32 $0x0;
	s5 =	srdreg.scid;
	s3 =	stileid.u32;
	v2 =	vimm.s32 $0x3210FEDC;
	v3 =	vimm.s32 $0xBA987654;
	v4 =	vimm.s32 $0x10FEDCBA  }
0x7: {  	v5 =	vimm.s32 $0x98765432;
	s11 =	simm.s32 $0x9C00;
	s12 =	simm.s32 $0x64;
	s13 =	simm.s32 $0x9E80  }
0x8: {  	v6 =	vimm.s32 $0xFEDCBA9;
	v7 =	vimm.s32 $0x87654321;
	s14 =	simm.s32 $0x80;
	s15 =	simm.s32 $0xD280;
	s16 =	simm.s32 $0x100  }
0x9: {  	s17 =	simm.s32 $0x10680;
	s18 =	simm.s32 $0x180;
	s19 =	simm.s32 $0x13A80;
	v0 =	vunpack.c.l.s4.s8 v0;
	v1 =	vunpack.c.l.s4.s8 v1;
	v2 =	vunpack.c.l.s4.s8 v2  }
0xa: {  	s20 =	simm.s32 $0x1;
	s21 =	simm.s32 $0x2;
	s22 =	simm.s32 $0x3;
	v3 =	vunpack.c.l.s4.s8 v3;
	v4 =	vunpack.c.l.s4.s8 v4;
	v5 =	vunpack.c.l.s4.s8 v5  }
0xb: {  	s23 =	simm.s32 $0x4;
	s24 =	simm.s32 $0x9C80;
	s25 =	simm.s32 $0x0;
	v6 =	vunpack.c.l.s4.s8 v6;
	v7 =	vunpack.c.l.s4.s8 v7;
	v0 =	vunpack.c.0.s8.s32 v0  }
0xc: {  	[smem:$0x7FF] =	sst s4;
	s8 =	sand.u32 $0x1, s5;
	s9 =	sshll.u32 s3, $0x1;
	v2 =	vunpack.c.0.s8.s32 v2;
	v3 =	vunpack.c.0.s8.s32 v3;
	v4 =	vunpack.c.0.s8.s32 v4  }
.Ltmp0:
0xd: {  	s5 =	rddreg [dreg:$0x5];
	s9 =	sor.u32 s8, s9;
	v5 =	vunpack.c.0.s8.s32 v5;
	v6 =	vunpack.c.0.s8.s32 v6;
	v7 =	vunpack.c.0.s8.s32 v7;
	(pc) =	sbr.rel .LBB2_1-.Ltmp0, $4  }
0xe: {  	_ =	strace $0x80000047;
	s8 =	ssub.s32 $0x2, s8;
	s10 =	sshll.u32 s9, $0xC;
	v1 =	vunpack.c.0.s8.s32 v1;
	v2 =	vcombine.low v3, v2  }
0xf: {  	s31 =	sshrl.u32 s8, $0x1;
	s9 =	sshll.u32 s9, $0x6;
	s6 =	sadd.s32 s10, s6;
	v3 =	vcombine.low v5, v4;
	v4 =	vcombine.low v7, v6;
	v0 =	vand.u32 $0xF, v0  }
0x10: {  	s8 =	ssub.s32 s8, s31;
	s7 =	sadd.s32 s7, s9;
	s9 =	simm.s32 $0x5;
	v0 =	vcombine.low v0, v1  }
0x11: {  	s10 =	simm.s32 $0x8000;
	s6 =	sadd.s32 $0x400, s6;
	s8 =	smax.u32 s8, $0x1;
	v1 =	vand.u32 $0xF, v2;
	v2 =	vand.u32 $0xF, v3;
	v3 =	vand.u32 $0xF, v4  }
.LBB2_20:
0x12: {  	s25 =	sadd.s32 $0x1, s25  }
0x13: {  	p0 =	sne.s32 s25, s8  }
.Ltmp1:
0x14: {  	[tilespmem:$0x9E70] =	vst v5;
	(pc) =	sbr.rel @!p0 .LBB2_21-.Ltmp1, $4  }
0x15: {  	[hbm4b:s7+s4] =	stream.linear.scatter [tilespmem:s24], [sflag:$0x5], $0x200, $0x38;
	[tilespmem:$0x16E80] =	vst v63  }
0x16: {  	_ =	swait.ge [sflag:s9], $0x200  }
0x17: {  	[sflag:s9] =	ssyncset.done $0x0  }
0x18: {  	[sflag:s9] =	ssyncadd.s32 $0xFFFFFE00  }
.LBB2_1:
0x19: {  	[tilespmem:s4], [sflag:$0x5] =	stream.linear.gather [hbm4b:s6+s4], $0x8000, $0x38;
	[tilespmem:$0x16E80] =	vst v63  }
0x1a: {  	_ =	swait.ge [sflag:s9], $0x8000  }
0x1b: {  	[sflag:s9] =	ssyncset.done $0x0  }
0x1c: {  	[sflag:s9] =	ssyncadd.s32 $0xFFFF8000  }
0x1d: {  	[tilespmem:s10], [sflag:$0x5] =	stream.linear.gather [hbm4b:s0+s4], $0x1900, $0x38;
	[tilespmem:$0x16E80] =	vst v63  }
0x1e: {  	_ =	swait.ge [sflag:s9], $0x1900  }
0x1f: {  	[sflag:s9] =	ssyncset.done $0x0  }
0x20: {  	[sflag:s9] =	ssyncadd.s32 $0xFFFFE700  }
0x21: {  	[tilespmem:s11], [sflag:$0x5] =	stream.linear.gather [hbm4b:s1+s4], $0x80, $0x38;
	[tilespmem:$0x16E80] =	vst v63  }
0x22: {  	_ =	swait.ge [sflag:s9], $0x80  }
0x23: {  	[sflag:s9] =	ssyncset.done $0x0  }
0x24: {  	[sflag:s9] =	ssyncadd.s32 $0xFFFFFF80  }
0x25: {  	[tilespmem:s13], [sflag:$0x1] =	stream.indirect.gather [hbm4b:s2+s12], $0x80, s4, s12, $0xb8;
	[tilespmem:$0x16E80] =	vst v63  }
0x26: {  	_ = 	snop  }
0x27: {  	[tilespmem:s15], [sflag:$0x2] =	stream.indirect.gather [hbm4b:s2+s12], $0x80, s14, s12, $0xb8;
	[tilespmem:$0x16E80] =	vst v63  }
0x28: {  	_ = 	snop  }
0x29: {  	[tilespmem:s17], [sflag:$0x3] =	stream.indirect.gather [hbm4b:s2+s12], $0x80, s16, s12, $0xb8;
	[tilespmem:$0x16E80] =	vst v63  }
0x2a: {  	_ = 	snop  }
0x2b: {  	[tilespmem:s19], [sflag:$0x4] =	stream.indirect.gather [hbm4b:s2+s12], $0x80, s18, s12, $0xb8;
	[tilespmem:$0x16E80] =	vst v63  }
0x2c: {  	s26 =	simm.s32 $0x0;
	v4 =	vld [tilespmem:$0x9C00]  }
.LBB2_2:
0x2d: {  	_ =	swait.ge [sflag:s20], $0x3200  }
0x2e: {  	[sflag:s20] =	ssyncset.done $0x0  }
0x2f: {  	s28 =	simm.s32 $0x0;
	[sflag:s20] =	ssyncadd.s32 $0xFFFFCE00  }
0x30: {  	v5 =	vld [tilespmem:s28+$0x8070]  }
0x31: {  	v7 =	vld [tilespmem:s28+$0x8060]  }
0x32: {  	v6 =	vld [tilespmem:s28+$0x8050]  }
0x33: {  	v8 =	vld [tilespmem:s28+$0x8040]  }
0x34: {  	v9 =	vld [tilespmem:s28+$0x8030]  }
0x35: {  	v10 =	vld [tilespmem:s28+$0x8020]  }
0x36: {  	v11 =	vld [tilespmem:s28+$0x8010]  }
0x37: {  	v14 =	vld [tilespmem:s28+$0x8000]  }
0x38: {  	v12 =	vimm.f32 $0.0e+00;
	s29 =	simm.s32 $0x200;
	v13 =	vimm.f32 $0.0e+00;
	v15 =	vld [tilespmem:s28+$0x9E80]  }
.LBB2_3:
0x39: {  	p0 =	sne.s32 s29, $0x6200;
	v16 =	vld [tilespmem:s28+$0xB780]  }
0x3a: {  	v17 =	vld [tilespmem:s28+$0x9E90]  }
0x3b: {  	v18 =	vld [tilespmem:s28+$0xB790]  }
0x3c: {  	v19 =	vld [tilespmem:s28+$0x9EA0]  }
0x3d: {  	v20 =	vld [tilespmem:s28+$0xB7A0]  }
0x3e: {  	v15 =	vmul.f32 v15, v14;
	v14 =	vmul.f32 v16, v14;
	v16 =	vld [tilespmem:s28+$0x9EB0]  }
0x3f: {  	v17 =	vmul.f32 v17, v11;
	v21 =	vld [tilespmem:s28+$0xB7B0]  }
0x40: {  	v12 =	vadd.f32 v15, v12;
	v13 =	vadd.f32 v14, v13;
	v11 =	vmul.f32 v18, v11;
	v14 =	vld [tilespmem:s28+$0x9EC0]  }
0x41: {  	v15 =	vmul.f32 v19, v10;
	v18 =	vld [tilespmem:s28+$0xB7C0]  }
0x42: {  	v12 =	vadd.f32 v17, v12;
	v11 =	vadd.f32 v11, v13;
	v10 =	vmul.f32 v20, v10;
	v13 =	vld [tilespmem:s28+$0x9ED0]  }
0x43: {  	v16 =	vmul.f32 v16, v9;
	v17 =	vld [tilespmem:s28+$0xB7D0]  }
0x44: {  	v12 =	vadd.f32 v15, v12;
	v10 =	vadd.f32 v10, v11;
	v9 =	vmul.f32 v21, v9;
	v11 =	vld [tilespmem:s28+$0x9EE0]  }
0x45: {  	v14 =	vmul.f32 v14, v8;
	v15 =	vld [tilespmem:s28+$0xB7E0]  }
0x46: {  	v12 =	vadd.f32 v16, v12;
	v9 =	vadd.f32 v9, v10;
	v8 =	vmul.f32 v18, v8;
	v10 =	vld [tilespmem:s28+$0x9EF0]  }
0x47: {  	v13 =	vmul.f32 v13, v6;
	v16 =	vld [tilespmem:s28+$0xB7F0];
	s28 =	sshra.s32 s29, $0x2  }
0x48: {  	v12 =	vadd.f32 v14, v12;
	v18 =	vld [tilespmem:s28+$0x8070];
	v8 =	vadd.f32 v8, v9;
	v9 =	vmul.f32 v17, v6  }
0x49: {  	v14 =	vld [tilespmem:s28+$0x8060];
	v11 =	vmul.f32 v11, v7  }
0x4a: {  	v12 =	vadd.f32 v13, v12;
	v6 =	vld [tilespmem:s28+$0x8050];
	v13 =	vadd.f32 v9, v8;
	v7 =	vmul.f32 v15, v7  }
0x4b: {  	v8 =	vld [tilespmem:s28+$0x8040];
	v15 =	vmul.f32 v10, v5  }
.Ltmp2:
0x4c: {  	v12 =	vadd.f32 v11, v12;
	v9 =	vld [tilespmem:s28+$0x8030];
	v17 =	vadd.f32 v7, v13;
	v13 =	vmul.f32 v16, v5;
	(pc) =	sbr.rel @p0 .LBB2_3-.Ltmp2, $4  }
0x4d: {  	v10 =	vld [tilespmem:s28+$0x8020];
	v5 =	vmov v18  }
0x4e: {  	v12 =	vadd.f32 v15, v12;
	v11 =	vld [tilespmem:s28+$0x8010];
	v13 =	vadd.f32 v13, v17;
	v7 =	vmov v14  }
0x4f: {  	v14 =	vld [tilespmem:s28+$0x8000]  }
0x50: {  	s29 =	sadd.s32 $0x200, s29;
	v15 =	vld [tilespmem:s28+$0x9E80]  }
0x51: {  	v16 =	vld [tilespmem:s28+$0xB780]  }
0x52: {  	v17 =	vld [tilespmem:s28+$0x9E90]  }
0x53: {  	v18 =	vld [tilespmem:s28+$0xB790]  }
0x54: {  	v19 =	vld [tilespmem:s28+$0x9EA0]  }
0x55: {  	v20 =	vld [tilespmem:s28+$0xB7A0]  }
0x56: {  	v15 =	vmul.f32 v15, v14;
	v14 =	vmul.f32 v16, v14;
	v16 =	vld [tilespmem:s28+$0x9EB0]  }
0x57: {  	v21 =	vld [tilespmem:s28+$0xB7B0];
	v17 =	vmul.f32 v17, v11  }
0x58: {  	v11 =	vmul.f32 v18, v11;
	v12 =	vadd.f32 v15, v12;
	v13 =	vadd.f32 v14, v13;
	v14 =	vld [tilespmem:s28+$0x9EC0]  }
0x59: {  	v18 =	vld [tilespmem:s28+$0xB7C0];
	v15 =	vmul.f32 v19, v10  }
0x5a: {  	v10 =	vmul.f32 v20, v10;
	v12 =	vadd.f32 v17, v12;
	v11 =	vadd.f32 v11, v13;
	v13 =	vld [tilespmem:s28+$0x9ED0]  }
0x5b: {  	v17 =	vld [tilespmem:s28+$0xB7D0];
	v16 =	vmul.f32 v16, v9  }
0x5c: {  	v12 =	vadd.f32 v15, v12;
	v9 =	vmul.f32 v21, v9;
	v10 =	vadd.f32 v10, v11;
	v11 =	vld [tilespmem:s28+$0x9EE0]  }
0x5d: {  	v15 =	vld [tilespmem:s28+$0xB7E0];
	v14 =	vmul.f32 v14, v8  }
0x5e: {  	v12 =	vadd.f32 v16, v12;
	v8 =	vmul.f32 v18, v8;
	v9 =	vadd.f32 v9, v10;
	v10 =	vld [tilespmem:s28+$0x9EF0]  }
0x5f: {  	v16 =	vld [tilespmem:s28+$0xB7F0];
	v13 =	vmul.f32 v13, v6  }
0x60: {  	v12 =	vadd.f32 v14, v12;
	v6 =	vmul.f32 v17, v6;
	v8 =	vadd.f32 v8, v9  }
0x61: {  	v9 =	vmul.f32 v11, v7  }
0x62: {  	v11 =	vadd.f32 v13, v12;
	v7 =	vmul.f32 v15, v7;
	v6 =	vadd.f32 v6, v8  }
0x63: {  	v8 =	vmul.f32 v10, v5  }
0x64: {  	v9 =	vadd.f32 v9, v11;
	v5 =	vmul.f32 v16, v5;
	v6 =	vadd.f32 v7, v6  }
0x65: {  	s28 =	sshll.u32 s26, $0xA  }
0x66: {  	s28 =	sand.u32 $0x3FFFFC00, s28;
	v7 =	vadd.f32 v8, v9;
	v5 =	vadd.f32 v5, v6  }
0x67: {  	s29 =	sor.u32 $0x200, s28  }
0x68: {  	[tilespmem:s13], [sflag:$0x1] =	stream.indirect.gather [hbm4b:s2+s12], $0x80, s29, s12, $0xb8;
	v6 =	vperm.xlane v7, v0;
	v8 =	vperm.xlane v5, v0;
	[tilespmem:$0x16E80] =	vst v63  }
0x69: {  	_ =	swait.ge [sflag:s21], $0x3200  }
0x6a: {  	[sflag:s21] =	ssyncset.done $0x0;
	v6 =	vadd.f32 v6, v7;
	v5 =	vadd.f32 v8, v5  }
0x6b: {  	s29 =	simm.s32 $0x0;
	[sflag:s21] =	ssyncadd.s32 $0xFFFFCE00  }
0x6c: {  	v9 =	vld [tilespmem:s29+$0x8070];
	v7 =	vperm.xlane v6, v1;
	v8 =	vperm.xlane v5, v1  }
0x6d: {  	v11 =	vld [tilespmem:s29+$0x8060]  }
0x6e: {  	v10 =	vld [tilespmem:s29+$0x8050];
	v6 =	vadd.f32 v7, v6;
	v7 =	vadd.f32 v8, v5  }
0x6f: {  	v12 =	vld [tilespmem:s29+$0x8040]  }
0x70: {  	v13 =	vld [tilespmem:s29+$0x8030];
	v5 =	vperm.xlane v6, v2;
	v8 =	vperm.xlane v7, v2  }
0x71: {  	v14 =	vld [tilespmem:s29+$0x8020]  }
0x72: {  	v15 =	vld [tilespmem:s29+$0x8010];
	v5 =	vadd.f32 v5, v6;
	v6 =	vadd.f32 v8, v7  }
0x73: {  	v17 =	vimm.f32 $0.0e+00;
	v18 =	vld [tilespmem:s29+$0x8000]  }
0x74: {  	s30 =	simm.s32 $0x200;
	v16 =	vimm.f32 $0.0e+00;
	v19 =	vld [tilespmem:s29+$0xD280];
	v7 =	vperm.xlane v5, v3;
	v8 =	vperm.xlane v6, v3  }
.LBB2_5:
0x75: {  	p0 =	sne.s32 s30, $0x6200;
	v20 =	vld [tilespmem:s29+$0xEB80]  }
0x76: {  	v21 =	vld [tilespmem:s29+$0xD290]  }
0x77: {  	v22 =	vld [tilespmem:s29+$0xEB90]  }
0x78: {  	v23 =	vld [tilespmem:s29+$0xD2A0]  }
0x79: {  	v24 =	vld [tilespmem:s29+$0xEBA0]  }
0x7a: {  	v19 =	vmul.f32 v19, v18;
	v18 =	vmul.f32 v20, v18;
	v20 =	vld [tilespmem:s29+$0xD2B0]  }
0x7b: {  	v21 =	vmul.f32 v21, v15;
	v25 =	vld [tilespmem:s29+$0xEBB0]  }
0x7c: {  	v16 =	vadd.f32 v19, v16;
	v17 =	vadd.f32 v18, v17;
	v15 =	vmul.f32 v22, v15;
	v18 =	vld [tilespmem:s29+$0xD2C0]  }
0x7d: {  	v19 =	vmul.f32 v23, v14;
	v22 =	vld [tilespmem:s29+$0xEBC0]  }
0x7e: {  	v16 =	vadd.f32 v21, v16;
	v15 =	vadd.f32 v15, v17;
	v14 =	vmul.f32 v24, v14;
	v17 =	vld [tilespmem:s29+$0xD2D0]  }
0x7f: {  	v20 =	vmul.f32 v20, v13;
	v21 =	vld [tilespmem:s29+$0xEBD0]  }
0x80: {  	v16 =	vadd.f32 v19, v16;
	v14 =	vadd.f32 v14, v15;
	v13 =	vmul.f32 v25, v13;
	v15 =	vld [tilespmem:s29+$0xD2E0]  }
0x81: {  	v18 =	vmul.f32 v18, v12;
	v19 =	vld [tilespmem:s29+$0xEBE0]  }
0x82: {  	v16 =	vadd.f32 v20, v16;
	v13 =	vadd.f32 v13, v14;
	v12 =	vmul.f32 v22, v12;
	v14 =	vld [tilespmem:s29+$0xD2F0]  }
0x83: {  	v17 =	vmul.f32 v17, v10;
	v20 =	vld [tilespmem:s29+$0xEBF0];
	s29 =	sshra.s32 s30, $0x2  }
0x84: {  	v16 =	vadd.f32 v18, v16;
	v22 =	vld [tilespmem:s29+$0x8070];
	v12 =	vadd.f32 v12, v13;
	v13 =	vmul.f32 v21, v10  }
0x85: {  	v18 =	vld [tilespmem:s29+$0x8060];
	v15 =	vmul.f32 v15, v11  }
0x86: {  	v16 =	vadd.f32 v17, v16;
	v10 =	vld [tilespmem:s29+$0x8050];
	v17 =	vadd.f32 v13, v12;
	v11 =	vmul.f32 v19, v11  }
0x87: {  	v12 =	vld [tilespmem:s29+$0x8040];
	v19 =	vmul.f32 v14, v9  }
.Ltmp3:
0x88: {  	v16 =	vadd.f32 v15, v16;
	v13 =	vld [tilespmem:s29+$0x8030];
	v21 =	vadd.f32 v11, v17;
	v17 =	vmul.f32 v20, v9;
	(pc) =	sbr.rel @p0 .LBB2_5-.Ltmp3, $4  }
0x89: {  	v14 =	vld [tilespmem:s29+$0x8020];
	v9 =	vmov v22  }
0x8a: {  	v16 =	vadd.f32 v19, v16;
	v15 =	vld [tilespmem:s29+$0x8010];
	v17 =	vadd.f32 v17, v21;
	v11 =	vmov v18  }
0x8b: {  	v18 =	vld [tilespmem:s29+$0x8000]  }
0x8c: {  	s30 =	sadd.s32 $0x200, s30;
	v19 =	vld [tilespmem:s29+$0xD280]  }
0x8d: {  	v20 =	vld [tilespmem:s29+$0xEB80]  }
0x8e: {  	v21 =	vld [tilespmem:s29+$0xD290]  }
0x8f: {  	v22 =	vld [tilespmem:s29+$0xEB90]  }
0x90: {  	v23 =	vld [tilespmem:s29+$0xD2A0]  }
0x91: {  	v24 =	vld [tilespmem:s29+$0xEBA0]  }
0x92: {  	v19 =	vmul.f32 v19, v18;
	v18 =	vmul.f32 v20, v18;
	v20 =	vld [tilespmem:s29+$0xD2B0]  }
0x93: {  	v25 =	vld [tilespmem:s29+$0xEBB0];
	v21 =	vmul.f32 v21, v15  }
0x94: {  	v15 =	vmul.f32 v22, v15;
	v16 =	vadd.f32 v19, v16;
	v17 =	vadd.f32 v18, v17;
	v18 =	vld [tilespmem:s29+$0xD2C0]  }
0x95: {  	v22 =	vld [tilespmem:s29+$0xEBC0];
	v19 =	vmul.f32 v23, v14  }
0x96: {  	v14 =	vmul.f32 v24, v14;
	v16 =	vadd.f32 v21, v16;
	v15 =	vadd.f32 v15, v17;
	v17 =	vld [tilespmem:s29+$0xD2D0]  }
0x97: {  	v21 =	vld [tilespmem:s29+$0xEBD0];
	v20 =	vmul.f32 v20, v13  }
0x98: {  	v16 =	vadd.f32 v19, v16;
	v13 =	vmul.f32 v25, v13;
	v14 =	vadd.f32 v14, v15;
	v15 =	vld [tilespmem:s29+$0xD2E0]  }
0x99: {  	v19 =	vld [tilespmem:s29+$0xEBE0];
	v18 =	vmul.f32 v18, v12  }
0x9a: {  	v16 =	vadd.f32 v20, v16;
	v12 =	vmul.f32 v22, v12;
	v13 =	vadd.f32 v13, v14;
	v14 =	vld [tilespmem:s29+$0xD2F0]  }
0x9b: {  	v20 =	vld [tilespmem:s29+$0xEBF0];
	v17 =	vmul.f32 v17, v10  }
0x9c: {  	v16 =	vadd.f32 v18, v16;
	v10 =	vmul.f32 v21, v10;
	v12 =	vadd.f32 v12, v13  }
0x9d: {  	v13 =	vmul.f32 v15, v11  }
0x9e: {  	v15 =	vadd.f32 v17, v16;
	v11 =	vmul.f32 v19, v11;
	v10 =	vadd.f32 v10, v12  }
0x9f: {  	v12 =	vmul.f32 v14, v9  }
0xa0: {  	v13 =	vadd.f32 v13, v15;
	v9 =	vmul.f32 v20, v9;
	v10 =	vadd.f32 v11, v10;
	_ =	sdelay $0x1  }
0xa1: {  	v11 =	vadd.f32 v12, v13;
	v9 =	vadd.f32 v9, v10  }
0xa2: {  	s29 =	sadd.s32 $0x280, s28  }
0xa3: {  	[tilespmem:s15], [sflag:$0x2] =	stream.indirect.gather [hbm4b:s2+s12], $0x80, s29, s12, $0xb8;
	v10 =	vperm.xlane v11, v0;
	v12 =	vperm.xlane v9, v0;
	[tilespmem:$0x16E80] =	vst v63  }
0xa4: {  	_ =	swait.ge [sflag:s22], $0x3200  }
0xa5: {  	[sflag:s22] =	ssyncset.done $0x0;
	v10 =	vadd.f32 v10, v11;
	v9 =	vadd.f32 v12, v9  }
0xa6: {  	s29 =	simm.s32 $0x0;
	[sflag:s22] =	ssyncadd.s32 $0xFFFFCE00  }
0xa7: {  	v15 =	vld [tilespmem:s29+$0x8060];
	v11 =	vperm.xlane v10, v1;
	v12 =	vperm.xlane v9, v1  }
0xa8: {  	v14 =	vld [tilespmem:s29+$0x8050]  }
0xa9: {  	v16 =	vld [tilespmem:s29+$0x8040];
	v10 =	vadd.f32 v11, v10;
	v9 =	vadd.f32 v12, v9  }
0xaa: {  	v17 =	vld [tilespmem:s29+$0x8030]  }
0xab: {  	v18 =	vld [tilespmem:s29+$0x8020];
	v11 =	vperm.xlane v10, v2;
	v12 =	vperm.xlane v9, v2  }
0xac: {  	v19 =	vld [tilespmem:s29+$0x8010]  }
0xad: {  	v22 =	vld [tilespmem:s29+$0x8000];
	v10 =	vadd.f32 v11, v10;
	v9 =	vadd.f32 v12, v9  }
0xae: {  	v21 =	vimm.f32 $0.0e+00;
	v23 =	vld [tilespmem:s29+$0x10680]  }
0xaf: {  	s30 =	simm.s32 $0x200;
	v20 =	vimm.f32 $0.0e+00;
	v13 =	vld [tilespmem:s29+$0x8070];
	v12 =	vperm.xlane v10, v3;
	v11 =	vperm.xlane v9, v3  }
.LBB2_7:
0xb0: {  	p0 =	sne.s32 s30, $0x6200;
	v24 =	vld [tilespmem:s29+$0x11F80]  }
0xb1: {  	v25 =	vld [tilespmem:s29+$0x10690]  }
0xb2: {  	v26 =	vld [tilespmem:s29+$0x11F90]  }
0xb3: {  	v27 =	vld [tilespmem:s29+$0x106A0]  }
0xb4: {  	v28 =	vld [tilespmem:s29+$0x11FA0]  }
0xb5: {  	v23 =	vmul.f32 v23, v22;
	v22 =	vmul.f32 v24, v22;
	v24 =	vld [tilespmem:s29+$0x106B0]  }
0xb6: {  	v25 =	vmul.f32 v25, v19;
	v29 =	vld [tilespmem:s29+$0x11FB0]  }
0xb7: {  	v20 =	vadd.f32 v23, v20;
	v21 =	vadd.f32 v22, v21;
	v19 =	vmul.f32 v26, v19;
	v22 =	vld [tilespmem:s29+$0x106C0]  }
0xb8: {  	v23 =	vmul.f32 v27, v18;
	v26 =	vld [tilespmem:s29+$0x11FC0]  }
0xb9: {  	v20 =	vadd.f32 v25, v20;
	v19 =	vadd.f32 v19, v21;
	v18 =	vmul.f32 v28, v18;
	v21 =	vld [tilespmem:s29+$0x106D0]  }
0xba: {  	v24 =	vmul.f32 v24, v17;
	v25 =	vld [tilespmem:s29+$0x11FD0]  }
0xbb: {  	v20 =	vadd.f32 v23, v20;
	v18 =	vadd.f32 v18, v19;
	v17 =	vmul.f32 v29, v17;
	v19 =	vld [tilespmem:s29+$0x106E0]  }
0xbc: {  	v22 =	vmul.f32 v22, v16;
	v23 =	vld [tilespmem:s29+$0x11FE0]  }
0xbd: {  	v20 =	vadd.f32 v24, v20;
	v17 =	vadd.f32 v17, v18;
	v16 =	vmul.f32 v26, v16;
	v18 =	vld [tilespmem:s29+$0x106F0]  }
0xbe: {  	v21 =	vmul.f32 v21, v14;
	v24 =	vld [tilespmem:s29+$0x11FF0];
	s29 =	sshra.s32 s30, $0x2  }
0xbf: {  	v20 =	vadd.f32 v22, v20;
	v26 =	vld [tilespmem:s29+$0x8070];
	v16 =	vadd.f32 v16, v17;
	v17 =	vmul.f32 v25, v14  }
0xc0: {  	v22 =	vld [tilespmem:s29+$0x8060];
	v19 =	vmul.f32 v19, v15  }
0xc1: {  	v20 =	vadd.f32 v21, v20;
	v14 =	vld [tilespmem:s29+$0x8050];
	v21 =	vadd.f32 v17, v16;
	v15 =	vmul.f32 v23, v15  }
0xc2: {  	v16 =	vld [tilespmem:s29+$0x8040];
	v23 =	vmul.f32 v18, v13  }
.Ltmp4:
0xc3: {  	v20 =	vadd.f32 v19, v20;
	v17 =	vld [tilespmem:s29+$0x8030];
	v25 =	vadd.f32 v15, v21;
	v21 =	vmul.f32 v24, v13;
	(pc) =	sbr.rel @p0 .LBB2_7-.Ltmp4, $4  }
0xc4: {  	v18 =	vld [tilespmem:s29+$0x8020];
	v13 =	vmov v26  }
0xc5: {  	v20 =	vadd.f32 v23, v20;
	v19 =	vld [tilespmem:s29+$0x8010];
	v21 =	vadd.f32 v21, v25;
	v15 =	vmov v22  }
0xc6: {  	v22 =	vld [tilespmem:s29+$0x8000]  }
0xc7: {  	s30 =	sadd.s32 $0x200, s30;
	v23 =	vld [tilespmem:s29+$0x10680]  }
0xc8: {  	v24 =	vld [tilespmem:s29+$0x11F80]  }
0xc9: {  	v25 =	vld [tilespmem:s29+$0x10690]  }
0xca: {  	v26 =	vld [tilespmem:s29+$0x11F90]  }
0xcb: {  	v27 =	vld [tilespmem:s29+$0x106A0]  }
0xcc: {  	v28 =	vld [tilespmem:s29+$0x11FA0]  }
0xcd: {  	v23 =	vmul.f32 v23, v22;
	v22 =	vmul.f32 v24, v22;
	v24 =	vld [tilespmem:s29+$0x106B0]  }
0xce: {  	v29 =	vld [tilespmem:s29+$0x11FB0];
	v25 =	vmul.f32 v25, v19  }
0xcf: {  	v19 =	vmul.f32 v26, v19;
	v20 =	vadd.f32 v23, v20;
	v21 =	vadd.f32 v22, v21;
	v22 =	vld [tilespmem:s29+$0x106C0]  }
0xd0: {  	v26 =	vld [tilespmem:s29+$0x11FC0];
	v23 =	vmul.f32 v27, v18  }
0xd1: {  	v18 =	vmul.f32 v28, v18;
	v20 =	vadd.f32 v25, v20;
	v19 =	vadd.f32 v19, v21;
	v21 =	vld [tilespmem:s29+$0x106D0]  }
0xd2: {  	v25 =	vld [tilespmem:s29+$0x11FD0];
	v24 =	vmul.f32 v24, v17  }
0xd3: {  	v20 =	vadd.f32 v23, v20;
	v17 =	vmul.f32 v29, v17;
	v18 =	vadd.f32 v18, v19;
	v19 =	vld [tilespmem:s29+$0x106E0]  }
0xd4: {  	v23 =	vld [tilespmem:s29+$0x11FE0];
	v22 =	vmul.f32 v22, v16  }
0xd5: {  	v20 =	vadd.f32 v24, v20;
	v16 =	vmul.f32 v26, v16;
	v17 =	vadd.f32 v17, v18;
	v18 =	vld [tilespmem:s29+$0x106F0]  }
0xd6: {  	v24 =	vld [tilespmem:s29+$0x11FF0];
	v21 =	vmul.f32 v21, v14  }
0xd7: {  	v20 =	vadd.f32 v22, v20;
	v14 =	vmul.f32 v25, v14;
	v16 =	vadd.f32 v16, v17  }
0xd8: {  	v17 =	vmul.f32 v19, v15  }
0xd9: {  	v19 =	vadd.f32 v21, v20;
	v15 =	vmul.f32 v23, v15;
	v14 =	vadd.f32 v14, v16  }
0xda: {  	v16 =	vmul.f32 v18, v13  }
0xdb: {  	v17 =	vadd.f32 v17, v19;
	v13 =	vmul.f32 v24, v13;
	v14 =	vadd.f32 v15, v14;
	_ =	sdelay $0x1  }
0xdc: {  	v15 =	vadd.f32 v16, v17;
	v13 =	vadd.f32 v13, v14  }
0xdd: {  	s29 =	sadd.s32 $0x300, s28  }
0xde: {  	[tilespmem:s17], [sflag:$0x3] =	stream.indirect.gather [hbm4b:s2+s12], $0x80, s29, s12, $0xb8;
	v14 =	vperm.xlane v15, v0;
	v16 =	vperm.xlane v13, v0;
	[tilespmem:$0x16E80] =	vst v63  }
0xdf: {  	_ =	swait.ge [sflag:s23], $0x3200  }
0xe0: {  	[sflag:s23] =	ssyncset.done $0x0;
	v14 =	vadd.f32 v14, v15;
	v13 =	vadd.f32 v16, v13  }
0xe1: {  	s29 =	simm.s32 $0x0;
	[sflag:s23] =	ssyncadd.s32 $0xFFFFCE00  }
0xe2: {  	v19 =	vld [tilespmem:s29+$0x8060];
	v15 =	vperm.xlane v14, v1;
	v16 =	vperm.xlane v13, v1  }
0xe3: {  	v18 =	vld [tilespmem:s29+$0x8050]  }
0xe4: {  	v20 =	vld [tilespmem:s29+$0x8040];
	v14 =	vadd.f32 v15, v14;
	v13 =	vadd.f32 v16, v13  }
0xe5: {  	v21 =	vld [tilespmem:s29+$0x8030]  }
0xe6: {  	v22 =	vld [tilespmem:s29+$0x8020];
	v15 =	vperm.xlane v14, v2;
	v16 =	vperm.xlane v13, v2  }
0xe7: {  	v23 =	vld [tilespmem:s29+$0x8010]  }
0xe8: {  	v26 =	vld [tilespmem:s29+$0x8000];
	v14 =	vadd.f32 v15, v14;
	v13 =	vadd.f32 v16, v13  }
0xe9: {  	v25 =	vimm.f32 $0.0e+00;
	v27 =	vld [tilespmem:s29+$0x13A80]  }
0xea: {  	s30 =	simm.s32 $0x200;
	v24 =	vimm.f32 $0.0e+00;
	v17 =	vld [tilespmem:s29+$0x8070];
	v16 =	vperm.xlane v14, v3;
	v15 =	vperm.xlane v13, v3  }
.LBB2_9:
0xeb: {  	p0 =	sne.s32 s30, $0x6200;
	v28 =	vld [tilespmem:s29+$0x15380]  }
0xec: {  	v29 =	vld [tilespmem:s29+$0x13A90]  }
0xed: {  	v30 =	vld [tilespmem:s29+$0x15390]  }
0xee: {  	v31 =	vld [tilespmem:s29+$0x13AA0]  }
0xef: {  	v32 =	vld [tilespmem:s29+$0x153A0]  }
0xf0: {  	v27 =	vmul.f32 v27, v26;
	v26 =	vmul.f32 v28, v26;
	v28 =	vld [tilespmem:s29+$0x13AB0]  }
0xf1: {  	v29 =	vmul.f32 v29, v23;
	v33 =	vld [tilespmem:s29+$0x153B0]  }
0xf2: {  	v24 =	vadd.f32 v27, v24;
	v25 =	vadd.f32 v26, v25;
	v23 =	vmul.f32 v30, v23;
	v26 =	vld [tilespmem:s29+$0x13AC0]  }
0xf3: {  	v27 =	vmul.f32 v31, v22;
	v30 =	vld [tilespmem:s29+$0x153C0]  }
0xf4: {  	v24 =	vadd.f32 v29, v24;
	v23 =	vadd.f32 v23, v25;
	v22 =	vmul.f32 v32, v22;
	v25 =	vld [tilespmem:s29+$0x13AD0]  }
0xf5: {  	v28 =	vmul.f32 v28, v21;
	v29 =	vld [tilespmem:s29+$0x153D0]  }
0xf6: {  	v24 =	vadd.f32 v27, v24;
	v22 =	vadd.f32 v22, v23;
	v21 =	vmul.f32 v33, v21;
	v23 =	vld [tilespmem:s29+$0x13AE0]  }
0xf7: {  	v26 =	vmul.f32 v26, v20;
	v27 =	vld [tilespmem:s29+$0x153E0]  }
0xf8: {  	v24 =	vadd.f32 v28, v24;
	v21 =	vadd.f32 v21, v22;
	v20 =	vmul.f32 v30, v20;
	v22 =	vld [tilespmem:s29+$0x13AF0]  }
0xf9: {  	v25 =	vmul.f32 v25, v18;
	v28 =	vld [tilespmem:s29+$0x153F0];
	s29 =	sshra.s32 s30, $0x2  }
0xfa: {  	v24 =	vadd.f32 v26, v24;
	v30 =	vld [tilespmem:s29+$0x8070];
	v20 =	vadd.f32 v20, v21;
	v21 =	vmul.f32 v29, v18  }
0xfb: {  	v26 =	vld [tilespmem:s29+$0x8060];
	v23 =	vmul.f32 v23, v19  }
0xfc: {  	v24 =	vadd.f32 v25, v24;
	v18 =	vld [tilespmem:s29+$0x8050];
	v25 =	vadd.f32 v21, v20;
	v19 =	vmul.f32 v27, v19  }
0xfd: {  	v20 =	vld [tilespmem:s29+$0x8040];
	v27 =	vmul.f32 v22, v17  }
.Ltmp5:
0xfe: {  	v24 =	vadd.f32 v23, v24;
	v21 =	vld [tilespmem:s29+$0x8030];
	v29 =	vadd.f32 v19, v25;
	v25 =	vmul.f32 v28, v17;
	(pc) =	sbr.rel @p0 .LBB2_9-.Ltmp5, $4  }
0xff: {  	v22 =	vld [tilespmem:s29+$0x8020];
	v17 =	vmov v30  }
0x100: {  	v24 =	vadd.f32 v27, v24;
	v23 =	vld [tilespmem:s29+$0x8010];
	v25 =	vadd.f32 v25, v29;
	v19 =	vmov v26  }
0x101: {  	v26 =	vld [tilespmem:s29+$0x8000]  }
0x102: {  	s30 =	sadd.s32 $0x200, s30;
	v27 =	vld [tilespmem:s29+$0x13A80]  }
0x103: {  	v28 =	vld [tilespmem:s29+$0x15380]  }
0x104: {  	v29 =	vld [tilespmem:s29+$0x13A90]  }
0x105: {  	v30 =	vld [tilespmem:s29+$0x15390]  }
0x106: {  	v31 =	vld [tilespmem:s29+$0x13AA0]  }
0x107: {  	v32 =	vld [tilespmem:s29+$0x153A0]  }
0x108: {  	v27 =	vmul.f32 v27, v26;
	v26 =	vmul.f32 v28, v26;
	v28 =	vld [tilespmem:s29+$0x13AB0]  }
0x109: {  	v33 =	vld [tilespmem:s29+$0x153B0];
	v29 =	vmul.f32 v29, v23  }
0x10a: {  	v23 =	vmul.f32 v30, v23;
	v24 =	vadd.f32 v27, v24;
	v25 =	vadd.f32 v26, v25;
	v26 =	vld [tilespmem:s29+$0x13AC0]  }
0x10b: {  	v30 =	vld [tilespmem:s29+$0x153C0];
	v27 =	vmul.f32 v31, v22  }
0x10c: {  	v22 =	vmul.f32 v32, v22;
	v24 =	vadd.f32 v29, v24;
	v23 =	vadd.f32 v23, v25;
	v25 =	vld [tilespmem:s29+$0x13AD0]  }
0x10d: {  	v29 =	vld [tilespmem:s29+$0x153D0];
	v28 =	vmul.f32 v28, v21  }
0x10e: {  	v24 =	vadd.f32 v27, v24;
	v21 =	vmul.f32 v33, v21;
	v22 =	vadd.f32 v22, v23;
	v23 =	vld [tilespmem:s29+$0x13AE0]  }
0x10f: {  	v27 =	vld [tilespmem:s29+$0x153E0];
	v26 =	vmul.f32 v26, v20  }
0x110: {  	v24 =	vadd.f32 v28, v24;
	v20 =	vmul.f32 v30, v20;
	v21 =	vadd.f32 v21, v22;
	v22 =	vld [tilespmem:s29+$0x13AF0]  }
0x111: {  	v28 =	vld [tilespmem:s29+$0x153F0];
	v25 =	vmul.f32 v25, v18  }
0x112: {  	v24 =	vadd.f32 v26, v24;
	v18 =	vmul.f32 v29, v18;
	v20 =	vadd.f32 v20, v21  }
0x113: {  	v21 =	vmul.f32 v23, v19  }
0x114: {  	v23 =	vadd.f32 v25, v24;
	v19 =	vmul.f32 v27, v19;
	v18 =	vadd.f32 v18, v20  }
0x115: {  	v20 =	vmul.f32 v22, v17  }
0x116: {  	v21 =	vadd.f32 v21, v23;
	v17 =	vmul.f32 v28, v17;
	v18 =	vadd.f32 v19, v18;
	_ =	sdelay $0x1  }
0x117: {  	v19 =	vadd.f32 v20, v21;
	v17 =	vadd.f32 v17, v18  }
0x118: {  	s29 =	sadd.s32 $0x380, s28  }
0x119: {  	[tilespmem:s19], [sflag:$0x4] =	stream.indirect.gather [hbm4b:s2+s12], $0x80, s29, s12, $0xb8;
	v18 =	vperm.xlane v19, v0;
	v20 =	vperm.xlane v17, v0;
	[tilespmem:$0x16E80] =	vst v63  }
0x11a: {  	_ =	swait.ge [sflag:s20], $0x3200  }
0x11b: {  	[sflag:s20] =	ssyncset.done $0x0;
	v18 =	vadd.f32 v18, v19;
	v17 =	vadd.f32 v20, v17  }
0x11c: {  	s29 =	simm.s32 $0x0;
	[sflag:s20] =	ssyncadd.s32 $0xFFFFCE00  }
0x11d: {  	v23 =	vld [tilespmem:s29+$0x8060];
	v19 =	vperm.xlane v18, v1;
	v20 =	vperm.xlane v17, v1  }
0x11e: {  	v22 =	vld [tilespmem:s29+$0x8050]  }
0x11f: {  	v24 =	vld [tilespmem:s29+$0x8040];
	v18 =	vadd.f32 v19, v18;
	v17 =	vadd.f32 v20, v17  }
0x120: {  	v25 =	vld [tilespmem:s29+$0x8030]  }
0x121: {  	v26 =	vld [tilespmem:s29+$0x8020];
	v19 =	vperm.xlane v18, v2;
	v20 =	vperm.xlane v17, v2  }
0x122: {  	v27 =	vld [tilespmem:s29+$0x8010]  }
0x123: {  	v30 =	vld [tilespmem:s29+$0x8000];
	v18 =	vadd.f32 v19, v18;
	v17 =	vadd.f32 v20, v17  }
0x124: {  	v29 =	vimm.f32 $0.0e+00;
	v31 =	vld [tilespmem:s29+$0x9E80]  }
0x125: {  	s30 =	simm.s32 $0x200;
	v28 =	vimm.f32 $0.0e+00;
	v21 =	vld [tilespmem:s29+$0x8070];
	v20 =	vperm.xlane v18, v3;
	v19 =	vperm.xlane v17, v3  }
.LBB2_11:
0x126: {  	p0 =	sne.s32 s30, $0x6200;
	v32 =	vld [tilespmem:s29+$0xB780]  }
0x127: {  	v33 =	vld [tilespmem:s29+$0x9E90]  }
0x128: {  	v34 =	vld [tilespmem:s29+$0xB790]  }
0x129: {  	v35 =	vld [tilespmem:s29+$0x9EA0]  }
0x12a: {  	v36 =	vld [tilespmem:s29+$0xB7A0]  }
0x12b: {  	v31 =	vmul.f32 v31, v30;
	v30 =	vmul.f32 v32, v30;
	v32 =	vld [tilespmem:s29+$0x9EB0]  }
0x12c: {  	v33 =	vmul.f32 v33, v27;
	v37 =	vld [tilespmem:s29+$0xB7B0]  }
0x12d: {  	v28 =	vadd.f32 v31, v28;
	v29 =	vadd.f32 v30, v29;
	v27 =	vmul.f32 v34, v27;
	v30 =	vld [tilespmem:s29+$0x9EC0]  }
0x12e: {  	v31 =	vmul.f32 v35, v26;
	v34 =	vld [tilespmem:s29+$0xB7C0]  }
0x12f: {  	v28 =	vadd.f32 v33, v28;
	v27 =	vadd.f32 v27, v29;
	v26 =	vmul.f32 v36, v26;
	v29 =	vld [tilespmem:s29+$0x9ED0]  }
0x130: {  	v32 =	vmul.f32 v32, v25;
	v33 =	vld [tilespmem:s29+$0xB7D0]  }
0x131: {  	v28 =	vadd.f32 v31, v28;
	v26 =	vadd.f32 v26, v27;
	v25 =	vmul.f32 v37, v25;
	v27 =	vld [tilespmem:s29+$0x9EE0]  }
0x132: {  	v30 =	vmul.f32 v30, v24;
	v31 =	vld [tilespmem:s29+$0xB7E0]  }
0x133: {  	v28 =	vadd.f32 v32, v28;
	v25 =	vadd.f32 v25, v26;
	v24 =	vmul.f32 v34, v24;
	v26 =	vld [tilespmem:s29+$0x9EF0]  }
0x134: {  	v29 =	vmul.f32 v29, v22;
	v32 =	vld [tilespmem:s29+$0xB7F0];
	s29 =	sshra.s32 s30, $0x2  }
0x135: {  	v28 =	vadd.f32 v30, v28;
	v34 =	vld [tilespmem:s29+$0x8070];
	v24 =	vadd.f32 v24, v25;
	v25 =	vmul.f32 v33, v22  }
0x136: {  	v30 =	vld [tilespmem:s29+$0x8060];
	v27 =	vmul.f32 v27, v23  }
0x137: {  	v28 =	vadd.f32 v29, v28;
	v22 =	vld [tilespmem:s29+$0x8050];
	v29 =	vadd.f32 v25, v24;
	v23 =	vmul.f32 v31, v23  }
0x138: {  	v24 =	vld [tilespmem:s29+$0x8040];
	v31 =	vmul.f32 v26, v21  }
.Ltmp6:
0x139: {  	v28 =	vadd.f32 v27, v28;
	v25 =	vld [tilespmem:s29+$0x8030];
	v33 =	vadd.f32 v23, v29;
	v29 =	vmul.f32 v32, v21;
	(pc) =	sbr.rel @p0 .LBB2_11-.Ltmp6, $4  }
0x13a: {  	v26 =	vld [tilespmem:s29+$0x8020];
	v21 =	vmov v34  }
0x13b: {  	v28 =	vadd.f32 v31, v28;
	v27 =	vld [tilespmem:s29+$0x8010];
	v29 =	vadd.f32 v29, v33;
	v23 =	vmov v30  }
0x13c: {  	v30 =	vld [tilespmem:s29+$0x8000]  }
0x13d: {  	s30 =	sadd.s32 $0x200, s30;
	v31 =	vld [tilespmem:s29+$0x9E80]  }
0x13e: {  	v32 =	vld [tilespmem:s29+$0xB780]  }
0x13f: {  	v33 =	vld [tilespmem:s29+$0x9E90]  }
0x140: {  	v34 =	vld [tilespmem:s29+$0xB790]  }
0x141: {  	v35 =	vld [tilespmem:s29+$0x9EA0]  }
0x142: {  	v36 =	vld [tilespmem:s29+$0xB7A0];
	v31 =	vmul.f32 v31, v30  }
0x143: {  	v41 =	vld [tilespmem:s29+$0x9EB0];
	v40 =	vmul.f32 v32, v30  }
0x144: {  	v37 =	vld [tilespmem:s29+$0xB7B0];
	v33 =	vmul.f32 v33, v27;
	v28 =	vadd.f32 v31, v28  }
0x145: {  	v43 =	vld [tilespmem:s29+$0x9EC0];
	v42 =	vmul.f32 v34, v27;
	v29 =	vadd.f32 v40, v29  }
0x146: {  	v45 =	vld [tilespmem:s29+$0xB7C0];
	v44 =	vmul.f32 v35, v26;
	v28 =	vadd.f32 v33, v28  }
0x147: {  	v47 =	vld [tilespmem:s29+$0x9ED0];
	v46 =	vmul.f32 v36, v26;
	v27 =	vadd.f32 v42, v29  }
0x148: {  	v48 =	vld [tilespmem:s29+$0xB7D0];
	v32 =	vmul.f32 v41, v25;
	v28 =	vadd.f32 v44, v28  }
0x149: {  	v50 =	vld [tilespmem:s29+$0x9EE0];
	v49 =	vmul.f32 v37, v25;
	v26 =	vadd.f32 v46, v27  }
0x14a: {  	v51 =	vld [tilespmem:s29+$0xB7E0];
	v30 =	vmul.f32 v43, v24;
	v28 =	vadd.f32 v32, v28  }
0x14b: {  	v53 =	vld [tilespmem:s29+$0x9EF0];
	v52 =	vmul.f32 v45, v24;
	v25 =	vadd.f32 v49, v26  }
0x14c: {  	v54 =	vld [tilespmem:s29+$0xB7F0];
	v29 =	vmul.f32 v47, v22;
	v28 =	vadd.f32 v30, v28  }
0x14d: {  	v55 =	vmul.f32 v48, v22;
	v24 =	vadd.f32 v52, v25  }
0x14e: {  	v56 =	vmul.f32 v50, v23;
	v57 =	vadd.f32 v29, v28  }
0x14f: {  	v58 =	vmul.f32 v51, v23;
	v22 =	vadd.f32 v55, v24  }
0x150: {  	v59 =	vmul.f32 v53, v21;
	v25 =	vadd.f32 v56, v57  }
0x151: {  	v60 =	vmul.f32 v54, v21;
	v22 =	vadd.f32 v58, v22  }
0x152: {  	v61 =	vadd.f32 v59, v25  }
0x153: {  	v21 =	vadd.f32 v60, v22  }
0x154: {  	v62 =	vperm.xlane v61, v0  }
0x155: {  	v63 =	vperm.xlane v21, v0  }
0x156: {  	v5 =	vadd.f32 v7, v5;
	v22 =	vadd.f32 v62, v61  }
0x157: {  	p0 =	seq.s32 s26, $0x1F;
	v6 =	vadd.f32 v8, v6;
	v21 =	vadd.f32 v63, v21  }
0x158: {  	vm0 =	vmmov $0x1;
	s29 =	sadd.s32 @!p0 $0x400, s28;
	s30 =	simm.s32 @!p0 $0x64;
	s31 =	simm.s32 @!p0 $0x9E80;
	v7 =	vperm.xlane v22, v1  }
0x159: {  	[tilespmem:s31], [sflag:$0x1] =	stream.indirect.gather @!p0 [hbm4b:s2+s30], $0x80, s29, s30, $0xb8;
	v5 =	vsel vm0, v5, v6;
	v6 =	vadd.f32 v12, v10;
	v8 =	vperm.xlane v21, v1;
	[tilespmem:$0x16E80] =	vst v63  }
0x15a: {  	vm8 =	vmmov $0x3;
	v9 =	vadd.f32 v11, v9;
	_ =	swait.ge [sflag:s21], $0x3200;
	v7 =	vadd.f32 v7, v22  }
0x15b: {  	vm9 =	vmmov $0x7;
	[sflag:s21] =	ssyncset.done $0x0;
	v5 =	vsel vm8, v5, v6;
	v10 =	vadd.f32 v8, v21  }
0x15c: {  	s29 =	simm.s32 $0x0;
	[sflag:s21] =	ssyncadd.s32 $0xFFFFCE00;
	v5 =	vsel vm9, v5, v9;
	v9 =	vadd.f32 v16, v14;
	v8 =	vperm.xlane v7, v2  }
0x15d: {  	vm10 =	vmmov $0xf;
	v6 =	vld [tilespmem:s29+$0x8070];
	v11 =	vperm.xlane v10, v2  }
0x15e: {  	v12 =	vadd.f32 v15, v13;
	v5 =	vsel vm10, v5, v9;
	v9 =	vld [tilespmem:s29+$0x8040];
	v13 =	vadd.f32 v8, v7  }
0x15f: {  	vm11 =	vmmov $0x1f;
	v8 =	vld [tilespmem:s29+$0x8060];
	v14 =	vadd.f32 v11, v10  }
0x160: {  	v5 =	vsel vm11, v5, v12;
	v7 =	vld [tilespmem:s29+$0x8050];
	v11 =	vadd.f32 v20, v18;
	v12 =	vperm.xlane v13, v3  }
0x161: {  	vm12 =	vmmov $0x3f;
	v15 =	vadd.f32 v19, v17;
	v10 =	vld [tilespmem:s29+$0x8030];
	v16 =	vperm.xlane v14, v3  }
0x162: {  	vm13 =	vmmov $0x7f;
	v5 =	vsel vm12, v5, v11;
	v11 =	vld [tilespmem:s29+$0x8020];
	v13 =	vadd.f32 v12, v13  }
0x163: {  	vm14 =	vmmov $0xff;
	v5 =	vsel vm13, v5, v15;
	v12 =	vld [tilespmem:s29+$0x8010];
	v14 =	vadd.f32 v16, v14  }
0x164: {  	vm15 =	vmmov $0x1ff;
	v15 =	vld [tilespmem:s29+$0x8000];
	v5 =	vsel vm14, v5, v13  }
0x165: {  	s30 =	simm.s32 $0x200;
	v16 =	vld [tilespmem:s29+$0xD280];
	v13 =	vimm.f32 $0.0e+00;
	v5 =	vsel vm15, v5, v14;
	v14 =	vimm.f32 $0.0e+00  }
.LBB2_13:
0x166: {  	p1 =	sne.s32 s30, $0x6200;
	v17 =	vld [tilespmem:s29+$0xEB80]  }
0x167: {  	v18 =	vld [tilespmem:s29+$0xD290]  }
0x168: {  	v19 =	vld [tilespmem:s29+$0xEB90]  }
0x169: {  	v20 =	vld [tilespmem:s29+$0xD2A0]  }
0x16a: {  	v21 =	vld [tilespmem:s29+$0xEBA0]  }
0x16b: {  	v16 =	vmul.f32 v16, v15;
	v15 =	vmul.f32 v17, v15;
	v17 =	vld [tilespmem:s29+$0xD2B0]  }
0x16c: {  	v18 =	vmul.f32 v18, v12;
	v22 =	vld [tilespmem:s29+$0xEBB0]  }
0x16d: {  	v13 =	vadd.f32 v16, v13;
	v14 =	vadd.f32 v15, v14;
	v12 =	vmul.f32 v19, v12;
	v15 =	vld [tilespmem:s29+$0xD2C0]  }
0x16e: {  	v16 =	vmul.f32 v20, v11;
	v19 =	vld [tilespmem:s29+$0xEBC0]  }
0x16f: {  	v13 =	vadd.f32 v18, v13;
	v12 =	vadd.f32 v12, v14;
	v11 =	vmul.f32 v21, v11;
	v14 =	vld [tilespmem:s29+$0xD2D0]  }
0x170: {  	v17 =	vmul.f32 v17, v10;
	v18 =	vld [tilespmem:s29+$0xEBD0]  }
0x171: {  	v13 =	vadd.f32 v16, v13;
	v11 =	vadd.f32 v11, v12;
	v10 =	vmul.f32 v22, v10;
	v12 =	vld [tilespmem:s29+$0xD2E0]  }
0x172: {  	v15 =	vmul.f32 v15, v9;
	v16 =	vld [tilespmem:s29+$0xEBE0]  }
0x173: {  	v13 =	vadd.f32 v17, v13;
	v10 =	vadd.f32 v10, v11;
	v9 =	vmul.f32 v19, v9;
	v11 =	vld [tilespmem:s29+$0xD2F0]  }
0x174: {  	v14 =	vmul.f32 v14, v7;
	v17 =	vld [tilespmem:s29+$0xEBF0];
	s29 =	sshra.s32 s30, $0x2  }
0x175: {  	v13 =	vadd.f32 v15, v13;
	v19 =	vld [tilespmem:s29+$0x8070];
	v9 =	vadd.f32 v9, v10;
	v10 =	vmul.f32 v18, v7  }
0x176: {  	v15 =	vld [tilespmem:s29+$0x8060];
	v12 =	vmul.f32 v12, v8  }
0x177: {  	v13 =	vadd.f32 v14, v13;
	v7 =	vld [tilespmem:s29+$0x8050];
	v14 =	vadd.f32 v10, v9;
	v8 =	vmul.f32 v16, v8  }
0x178: {  	v9 =	vld [tilespmem:s29+$0x8040];
	v16 =	vmul.f32 v11, v6  }
.Ltmp7:
0x179: {  	v13 =	vadd.f32 v12, v13;
	v10 =	vld [tilespmem:s29+$0x8030];
	v18 =	vadd.f32 v8, v14;
	v14 =	vmul.f32 v17, v6;
	(pc) =	sbr.rel @p1 .LBB2_13-.Ltmp7, $4  }
0x17a: {  	v11 =	vld [tilespmem:s29+$0x8020];
	v6 =	vmov v19  }
0x17b: {  	v13 =	vadd.f32 v16, v13;
	v12 =	vld [tilespmem:s29+$0x8010];
	v14 =	vadd.f32 v14, v18;
	v8 =	vmov v15  }
0x17c: {  	v15 =	vld [tilespmem:s29+$0x8000]  }
0x17d: {  	s30 =	sadd.s32 $0x200, s30;
	v16 =	vld [tilespmem:s29+$0xD280]  }
0x17e: {  	v17 =	vld [tilespmem:s29+$0xEB80]  }
0x17f: {  	v18 =	vld [tilespmem:s29+$0xD290]  }
0x180: {  	v19 =	vld [tilespmem:s29+$0xEB90]  }
0x181: {  	v20 =	vld [tilespmem:s29+$0xD2A0]  }
0x182: {  	v21 =	vld [tilespmem:s29+$0xEBA0];
	v16 =	vmul.f32 v16, v15  }
0x183: {  	v15 =	vmul.f32 v17, v15;
	v17 =	vld [tilespmem:s29+$0xD2B0]  }
0x184: {  	v22 =	vld [tilespmem:s29+$0xEBB0];
	v18 =	vmul.f32 v18, v12;
	v13 =	vadd.f32 v16, v13  }
0x185: {  	v12 =	vmul.f32 v19, v12;
	v14 =	vadd.f32 v15, v14;
	v15 =	vld [tilespmem:s29+$0xD2C0]  }
0x186: {  	v19 =	vld [tilespmem:s29+$0xEBC0];
	v16 =	vmul.f32 v20, v11;
	v13 =	vadd.f32 v18, v13  }
0x187: {  	v11 =	vmul.f32 v21, v11;
	v12 =	vadd.f32 v12, v14;
	v14 =	vld [tilespmem:s29+$0xD2D0]  }
0x188: {  	v18 =	vld [tilespmem:s29+$0xEBD0];
	v17 =	vmul.f32 v17, v10;
	v13 =	vadd.f32 v16, v13  }
0x189: {  	v10 =	vmul.f32 v22, v10;
	v11 =	vadd.f32 v11, v12;
	v12 =	vld [tilespmem:s29+$0xD2E0]  }
0x18a: {  	v16 =	vld [tilespmem:s29+$0xEBE0];
	v15 =	vmul.f32 v15, v9;
	v13 =	vadd.f32 v17, v13  }
0x18b: {  	v9 =	vmul.f32 v19, v9;
	v10 =	vadd.f32 v10, v11;
	v11 =	vld [tilespmem:s29+$0xD2F0]  }
0x18c: {  	v17 =	vld [tilespmem:s29+$0xEBF0];
	v14 =	vmul.f32 v14, v7;
	v13 =	vadd.f32 v15, v13  }
0x18d: {  	v7 =	vmul.f32 v18, v7;
	v9 =	vadd.f32 v9, v10  }
0x18e: {  	v10 =	vmul.f32 v12, v8;
	v12 =	vadd.f32 v14, v13  }
0x18f: {  	v8 =	vmul.f32 v16, v8;
	v7 =	vadd.f32 v7, v9  }
0x190: {  	v9 =	vmul.f32 v11, v6;
	v10 =	vadd.f32 v10, v12  }
0x191: {  	v6 =	vmul.f32 v17, v6;
	v7 =	vadd.f32 v8, v7  }
0x192: {  	v8 =	vadd.f32 v9, v10  }
0x193: {  	v6 =	vadd.f32 v6, v7  }
0x194: {  	v7 =	vperm.xlane v8, v0  }
0x195: {  	v9 =	vperm.xlane v6, v0  }
0x196: {  	v7 =	vadd.f32 v7, v8  }
0x197: {  	v6 =	vadd.f32 v9, v6  }
0x198: {  	s30 =	simm.s32 @!p0 $0x64;
	s31 =	simm.s32 @!p0 $0xD280;
	s29 =	sadd.s32 @!p0 $0x480, s28;
	v8 =	vperm.xlane v7, v1  }
0x199: {  	[tilespmem:s31], [sflag:$0x2] =	stream.indirect.gather @!p0 [hbm4b:s2+s30], $0x80, s29, s30, $0xb8;
	v9 =	vperm.xlane v6, v1;
	[tilespmem:$0x16E80] =	vst v63  }
0x19a: {  	_ =	swait.ge [sflag:s22], $0x3200;
	v7 =	vadd.f32 v8, v7  }
0x19b: {  	[sflag:s22] =	ssyncset.done $0x0;
	v9 =	vadd.f32 v9, v6  }
0x19c: {  	s29 =	simm.s32 $0x0;
	[sflag:s22] =	ssyncadd.s32 $0xFFFFCE00;
	v8 =	vperm.xlane v7, v2  }
0x19d: {  	v15 =	vld [tilespmem:s29+$0x8000];
	v10 =	vperm.xlane v9, v2  }
0x19e: {  	v16 =	vld [tilespmem:s29+$0x10680];
	v11 =	vadd.f32 v8, v7  }
0x19f: {  	v6 =	vld [tilespmem:s29+$0x8070];
	v12 =	vadd.f32 v10, v9  }
0x1a0: {  	v8 =	vld [tilespmem:s29+$0x8060];
	v13 =	vperm.xlane v11, v3  }
0x1a1: {  	v7 =	vld [tilespmem:s29+$0x8050];
	v14 =	vperm.xlane v12, v3  }
0x1a2: {  	v9 =	vld [tilespmem:s29+$0x8040];
	v13 =	vadd.f32 v13, v11  }
0x1a3: {  	vm0 =	vmmov $0x3ff;
	v10 =	vld [tilespmem:s29+$0x8030];
	v14 =	vadd.f32 v14, v12  }
0x1a4: {  	vm15 =	vmmov $0x7ff;
	v11 =	vld [tilespmem:s29+$0x8020];
	v5 =	vsel vm0, v5, v13  }
0x1a5: {  	s30 =	simm.s32 $0x200;
	v12 =	vld [tilespmem:s29+$0x8010];
	v13 =	vimm.f32 $0.0e+00;
	v5 =	vsel vm15, v5, v14;
	v14 =	vimm.f32 $0.0e+00  }
.LBB2_15:
0x1a6: {  	p1 =	sne.s32 s30, $0x6200;
	v17 =	vld [tilespmem:s29+$0x11F80]  }
0x1a7: {  	v18 =	vld [tilespmem:s29+$0x10690]  }
0x1a8: {  	v19 =	vld [tilespmem:s29+$0x11F90]  }
0x1a9: {  	v20 =	vld [tilespmem:s29+$0x106A0]  }
0x1aa: {  	v21 =	vld [tilespmem:s29+$0x11FA0]  }
0x1ab: {  	v16 =	vmul.f32 v16, v15;
	v15 =	vmul.f32 v17, v15;
	v17 =	vld [tilespmem:s29+$0x106B0]  }
0x1ac: {  	v18 =	vmul.f32 v18, v12;
	v22 =	vld [tilespmem:s29+$0x11FB0]  }
0x1ad: {  	v13 =	vadd.f32 v16, v13;
	v14 =	vadd.f32 v15, v14;
	v12 =	vmul.f32 v19, v12;
	v15 =	vld [tilespmem:s29+$0x106C0]  }
0x1ae: {  	v16 =	vmul.f32 v20, v11;
	v19 =	vld [tilespmem:s29+$0x11FC0]  }
0x1af: {  	v13 =	vadd.f32 v18, v13;
	v12 =	vadd.f32 v12, v14;
	v11 =	vmul.f32 v21, v11;
	v14 =	vld [tilespmem:s29+$0x106D0]  }
0x1b0: {  	v17 =	vmul.f32 v17, v10;
	v18 =	vld [tilespmem:s29+$0x11FD0]  }
0x1b1: {  	v13 =	vadd.f32 v16, v13;
	v11 =	vadd.f32 v11, v12;
	v10 =	vmul.f32 v22, v10;
	v12 =	vld [tilespmem:s29+$0x106E0]  }
0x1b2: {  	v15 =	vmul.f32 v15, v9;
	v16 =	vld [tilespmem:s29+$0x11FE0]  }
0x1b3: {  	v13 =	vadd.f32 v17, v13;
	v10 =	vadd.f32 v10, v11;
	v9 =	vmul.f32 v19, v9;
	v11 =	vld [tilespmem:s29+$0x106F0]  }
0x1b4: {  	v14 =	vmul.f32 v14, v7;
	v17 =	vld [tilespmem:s29+$0x11FF0];
	s29 =	sshra.s32 s30, $0x2  }
0x1b5: {  	v13 =	vadd.f32 v15, v13;
	v19 =	vld [tilespmem:s29+$0x8070];
	v9 =	vadd.f32 v9, v10;
	v10 =	vmul.f32 v18, v7  }
0x1b6: {  	v15 =	vld [tilespmem:s29+$0x8060];
	v12 =	vmul.f32 v12, v8  }
0x1b7: {  	v13 =	vadd.f32 v14, v13;
	v7 =	vld [tilespmem:s29+$0x8050];
	v14 =	vadd.f32 v10, v9;
	v8 =	vmul.f32 v16, v8  }
0x1b8: {  	v9 =	vld [tilespmem:s29+$0x8040];
	v16 =	vmul.f32 v11, v6  }
.Ltmp8:
0x1b9: {  	v13 =	vadd.f32 v12, v13;
	v10 =	vld [tilespmem:s29+$0x8030];
	v18 =	vadd.f32 v8, v14;
	v14 =	vmul.f32 v17, v6;
	(pc) =	sbr.rel @p1 .LBB2_15-.Ltmp8, $4  }
0x1ba: {  	v11 =	vld [tilespmem:s29+$0x8020];
	v6 =	vmov v19  }
0x1bb: {  	v13 =	vadd.f32 v16, v13;
	v12 =	vld [tilespmem:s29+$0x8010];
	v14 =	vadd.f32 v14, v18;
	v8 =	vmov v15  }
0x1bc: {  	v15 =	vld [tilespmem:s29+$0x8000]  }
0x1bd: {  	s30 =	sadd.s32 $0x200, s30;
	v16 =	vld [tilespmem:s29+$0x10680]  }
0x1be: {  	v17 =	vld [tilespmem:s29+$0x11F80]  }
0x1bf: {  	v18 =	vld [tilespmem:s29+$0x10690]  }
0x1c0: {  	v19 =	vld [tilespmem:s29+$0x11F90]  }
0x1c1: {  	v20 =	vld [tilespmem:s29+$0x106A0]  }
0x1c2: {  	v21 =	vld [tilespmem:s29+$0x11FA0];
	v16 =	vmul.f32 v16, v15  }
0x1c3: {  	v15 =	vmul.f32 v17, v15;
	v17 =	vld [tilespmem:s29+$0x106B0]  }
0x1c4: {  	v22 =	vld [tilespmem:s29+$0x11FB0];
	v18 =	vmul.f32 v18, v12;
	v13 =	vadd.f32 v16, v13  }
0x1c5: {  	v12 =	vmul.f32 v19, v12;
	v14 =	vadd.f32 v15, v14;
	v15 =	vld [tilespmem:s29+$0x106C0]  }
0x1c6: {  	v19 =	vld [tilespmem:s29+$0x11FC0];
	v16 =	vmul.f32 v20, v11;
	v13 =	vadd.f32 v18, v13  }
0x1c7: {  	v11 =	vmul.f32 v21, v11;
	v12 =	vadd.f32 v12, v14;
	v14 =	vld [tilespmem:s29+$0x106D0]  }
0x1c8: {  	v18 =	vld [tilespmem:s29+$0x11FD0];
	v17 =	vmul.f32 v17, v10;
	v13 =	vadd.f32 v16, v13  }
0x1c9: {  	v10 =	vmul.f32 v22, v10;
	v11 =	vadd.f32 v11, v12;
	v12 =	vld [tilespmem:s29+$0x106E0]  }
0x1ca: {  	v16 =	vld [tilespmem:s29+$0x11FE0];
	v15 =	vmul.f32 v15, v9;
	v13 =	vadd.f32 v17, v13  }
0x1cb: {  	v9 =	vmul.f32 v19, v9;
	v10 =	vadd.f32 v10, v11;
	v11 =	vld [tilespmem:s29+$0x106F0]  }
0x1cc: {  	v17 =	vld [tilespmem:s29+$0x11FF0];
	v14 =	vmul.f32 v14, v7;
	v13 =	vadd.f32 v15, v13  }
0x1cd: {  	v7 =	vmul.f32 v18, v7;
	v9 =	vadd.f32 v9, v10  }
0x1ce: {  	v10 =	vmul.f32 v12, v8;
	v12 =	vadd.f32 v14, v13  }
0x1cf: {  	v8 =	vmul.f32 v16, v8;
	v7 =	vadd.f32 v7, v9  }
0x1d0: {  	v9 =	vmul.f32 v11, v6;
	v10 =	vadd.f32 v10, v12  }
0x1d1: {  	v6 =	vmul.f32 v17, v6;
	v7 =	vadd.f32 v8, v7  }
0x1d2: {  	v8 =	vadd.f32 v9, v10  }
0x1d3: {  	v6 =	vadd.f32 v6, v7  }
0x1d4: {  	v7 =	vperm.xlane v8, v0  }
0x1d5: {  	v9 =	vperm.xlane v6, v0  }
0x1d6: {  	v7 =	vadd.f32 v7, v8  }
0x1d7: {  	v6 =	vadd.f32 v9, v6  }
0x1d8: {  	s30 =	simm.s32 @!p0 $0x64;
	s31 =	simm.s32 @!p0 $0x10680;
	s29 =	sadd.s32 @!p0 $0x500, s28;
	v8 =	vperm.xlane v7, v1  }
0x1d9: {  	[tilespmem:s31], [sflag:$0x3] =	stream.indirect.gather @!p0 [hbm4b:s2+s30], $0x80, s29, s30, $0xb8;
	v9 =	vperm.xlane v6, v1;
	[tilespmem:$0x16E80] =	vst v63  }
0x1da: {  	_ =	swait.ge [sflag:s23], $0x3200;
	v7 =	vadd.f32 v8, v7  }
0x1db: {  	[sflag:s23] =	ssyncset.done $0x0;
	v9 =	vadd.f32 v9, v6  }
0x1dc: {  	s29 =	simm.s32 $0x0;
	[sflag:s23] =	ssyncadd.s32 $0xFFFFCE00;
	v8 =	vperm.xlane v7, v2  }
0x1dd: {  	v15 =	vld [tilespmem:s29+$0x8000];
	v10 =	vperm.xlane v9, v2  }
0x1de: {  	v16 =	vld [tilespmem:s29+$0x13A80];
	v11 =	vadd.f32 v8, v7  }
0x1df: {  	v6 =	vld [tilespmem:s29+$0x8070];
	v12 =	vadd.f32 v10, v9  }
0x1e0: {  	v8 =	vld [tilespmem:s29+$0x8060];
	v13 =	vperm.xlane v11, v3  }
0x1e1: {  	v7 =	vld [tilespmem:s29+$0x8050];
	v14 =	vperm.xlane v12, v3  }
0x1e2: {  	v9 =	vld [tilespmem:s29+$0x8040];
	v13 =	vadd.f32 v13, v11  }
0x1e3: {  	vm0 =	vmmov $0xfff;
	v10 =	vld [tilespmem:s29+$0x8030];
	v14 =	vadd.f32 v14, v12  }
0x1e4: {  	vm15 =	vmmov $0x1fff;
	v11 =	vld [tilespmem:s29+$0x8020];
	v5 =	vsel vm0, v5, v13  }
0x1e5: {  	s30 =	simm.s32 $0x200;
	v12 =	vld [tilespmem:s29+$0x8010];
	v13 =	vimm.f32 $0.0e+00;
	v5 =	vsel vm15, v5, v14;
	v14 =	vimm.f32 $0.0e+00  }
.LBB2_17:
0x1e6: {  	p1 =	sne.s32 s30, $0x6200;
	v17 =	vld [tilespmem:s29+$0x15380]  }
0x1e7: {  	v18 =	vld [tilespmem:s29+$0x13A90]  }
0x1e8: {  	v19 =	vld [tilespmem:s29+$0x15390]  }
0x1e9: {  	v20 =	vld [tilespmem:s29+$0x13AA0]  }
0x1ea: {  	v21 =	vld [tilespmem:s29+$0x153A0]  }
0x1eb: {  	v16 =	vmul.f32 v16, v15;
	v15 =	vmul.f32 v17, v15;
	v17 =	vld [tilespmem:s29+$0x13AB0]  }
0x1ec: {  	v18 =	vmul.f32 v18, v12;
	v22 =	vld [tilespmem:s29+$0x153B0]  }
0x1ed: {  	v13 =	vadd.f32 v16, v13;
	v14 =	vadd.f32 v15, v14;
	v12 =	vmul.f32 v19, v12;
	v15 =	vld [tilespmem:s29+$0x13AC0]  }
0x1ee: {  	v16 =	vmul.f32 v20, v11;
	v19 =	vld [tilespmem:s29+$0x153C0]  }
0x1ef: {  	v13 =	vadd.f32 v18, v13;
	v12 =	vadd.f32 v12, v14;
	v11 =	vmul.f32 v21, v11;
	v14 =	vld [tilespmem:s29+$0x13AD0]  }
0x1f0: {  	v17 =	vmul.f32 v17, v10;
	v18 =	vld [tilespmem:s29+$0x153D0]  }
0x1f1: {  	v13 =	vadd.f32 v16, v13;
	v11 =	vadd.f32 v11, v12;
	v10 =	vmul.f32 v22, v10;
	v12 =	vld [tilespmem:s29+$0x13AE0]  }
0x1f2: {  	v15 =	vmul.f32 v15, v9;
	v16 =	vld [tilespmem:s29+$0x153E0]  }
0x1f3: {  	v13 =	vadd.f32 v17, v13;
	v10 =	vadd.f32 v10, v11;
	v9 =	vmul.f32 v19, v9;
	v11 =	vld [tilespmem:s29+$0x13AF0]  }
0x1f4: {  	v14 =	vmul.f32 v14, v7;
	v17 =	vld [tilespmem:s29+$0x153F0];
	s29 =	sshra.s32 s30, $0x2  }
0x1f5: {  	v13 =	vadd.f32 v15, v13;
	v19 =	vld [tilespmem:s29+$0x8070];
	v9 =	vadd.f32 v9, v10;
	v10 =	vmul.f32 v18, v7  }
0x1f6: {  	v15 =	vld [tilespmem:s29+$0x8060];
	v12 =	vmul.f32 v12, v8  }
0x1f7: {  	v13 =	vadd.f32 v14, v13;
	v7 =	vld [tilespmem:s29+$0x8050];
	v14 =	vadd.f32 v10, v9;
	v8 =	vmul.f32 v16, v8  }
0x1f8: {  	v9 =	vld [tilespmem:s29+$0x8040];
	v16 =	vmul.f32 v11, v6  }
.Ltmp9:
0x1f9: {  	v13 =	vadd.f32 v12, v13;
	v10 =	vld [tilespmem:s29+$0x8030];
	v18 =	vadd.f32 v8, v14;
	v14 =	vmul.f32 v17, v6;
	(pc) =	sbr.rel @p1 .LBB2_17-.Ltmp9, $4  }
0x1fa: {  	v11 =	vld [tilespmem:s29+$0x8020];
	v6 =	vmov v19  }
0x1fb: {  	v13 =	vadd.f32 v16, v13;
	v12 =	vld [tilespmem:s29+$0x8010];
	v14 =	vadd.f32 v14, v18;
	v8 =	vmov v15  }
0x1fc: {  	v15 =	vld [tilespmem:s29+$0x8000]  }
0x1fd: {  	s30 =	sadd.s32 $0x200, s30;
	v16 =	vld [tilespmem:s29+$0x13A80]  }
0x1fe: {  	v17 =	vld [tilespmem:s29+$0x15380]  }
0x1ff: {  	v18 =	vld [tilespmem:s29+$0x13A90]  }
0x200: {  	v19 =	vld [tilespmem:s29+$0x15390]  }
0x201: {  	v20 =	vld [tilespmem:s29+$0x13AA0]  }
0x202: {  	v21 =	vld [tilespmem:s29+$0x153A0];
	v16 =	vmul.f32 v16, v15  }
0x203: {  	v44 =	vld [tilespmem:s29+$0x13AB0];
	v43 =	vmul.f32 v17, v15  }
0x204: {  	v22 =	vld [tilespmem:s29+$0x153B0];
	v18 =	vmul.f32 v18, v12;
	v13 =	vadd.f32 v16, v13  }
0x205: {  	v46 =	vld [tilespmem:s29+$0x13AC0];
	v45 =	vmul.f32 v19, v12;
	v14 =	vadd.f32 v43, v14  }
0x206: {  	v48 =	vld [tilespmem:s29+$0x153C0];
	v47 =	vmul.f32 v20, v11;
	v13 =	vadd.f32 v18, v13  }
0x207: {  	v50 =	vld [tilespmem:s29+$0x13AD0];
	v49 =	vmul.f32 v21, v11;
	v12 =	vadd.f32 v45, v14  }
0x208: {  	v51 =	vld [tilespmem:s29+$0x153D0];
	v17 =	vmul.f32 v44, v10;
	v13 =	vadd.f32 v47, v13  }
0x209: {  	v53 =	vld [tilespmem:s29+$0x13AE0];
	v52 =	vmul.f32 v22, v10;
	v11 =	vadd.f32 v49, v12  }
0x20a: {  	v54 =	vld [tilespmem:s29+$0x153E0];
	v15 =	vmul.f32 v46, v9;
	v13 =	vadd.f32 v17, v13  }
0x20b: {  	v56 =	vld [tilespmem:s29+$0x13AF0];
	v55 =	vmul.f32 v48, v9;
	v10 =	vadd.f32 v52, v11  }
0x20c: {  	v57 =	vld [tilespmem:s29+$0x153F0];
	v14 =	vmul.f32 v50, v7;
	v13 =	vadd.f32 v15, v13  }
0x20d: {  	v7 =	vmul.f32 v51, v7;
	v9 =	vadd.f32 v55, v10  }
0x20e: {  	v58 =	vmul.f32 v53, v8;
	v59 =	vadd.f32 v14, v13  }
0x20f: {  	v60 =	vmul.f32 v54, v8;
	v7 =	vadd.f32 v7, v9  }
0x210: {  	v61 =	vmul.f32 v56, v6;
	v10 =	vadd.f32 v58, v59  }
0x211: {  	v6 =	vmul.f32 v57, v6;
	v7 =	vadd.f32 v60, v7  }
0x212: {  	v62 =	vadd.f32 v61, v10  }
0x213: {  	v6 =	vadd.f32 v6, v7  }
0x214: {  	v7 =	vperm.xlane v62, v0  }
0x215: {  	v63 =	vperm.xlane v6, v0  }
0x216: {  	v7 =	vadd.f32 v7, v62  }
0x217: {  	v6 =	vadd.f32 v63, v6  }
0x218: {  	v8 =	vperm.xlane v7, v1  }
0x219: {  	v9 =	vperm.xlane v6, v1  }
0x21a: {  	v7 =	vadd.f32 v8, v7  }
0x21b: {  	v6 =	vadd.f32 v9, v6  }
0x21c: {  	v8 =	vperm.xlane v7, v2  }
0x21d: {  	v9 =	vperm.xlane v6, v2  }
0x21e: {  	v7 =	vadd.f32 v8, v7  }
0x21f: {  	v6 =	vadd.f32 v9, v6  }
0x220: {  	v8 =	vperm.xlane v7, v3  }
0x221: {  	v9 =	vperm.xlane v6, v3  }
.Ltmp10:
0x222: {  	v7 =	vadd.f32 v8, v7;
	(pc) =	sbr.rel @p0 .LBB2_20-.Ltmp10, $4  }
0x223: {  	vm0 =	vmmov $0x3fff;
	v6 =	vadd.f32 v9, v6  }
0x224: {  	vm15 =	vmmov $0x7fff;
	v5 =	vsel vm0, v5, v7  }
0x225: {  	v5 =	vsel vm15, v5, v6  }
0x226: {  	v5 =	vadd.f32 v5, v4  }
.Ltmp11:
0x227: {  	(pc) =	sbr.rel .LBB2_2-.Ltmp11, $4  }
0x228: {  	s28 =	sadd.s32 $0x580, s28;
	s31 =	sshll.u32 s26, $0x4  }
0x229: {  	[tilespmem:s19], [sflag:$0x4] =	stream.indirect.gather [hbm4b:s2+s12], $0x80, s28, s12, $0xb8;
	[tilespmem:$0x16E80] =	vst v63  }
0x22a: {  	s28 =	sand.u32 $0x3FFFFFF0, s31  }
0x22b: {  	s26 =	sadd.s32 $0x1, s26;
	[tilespmem:s28+$0x9C80] =	vst v5  }
.LBB2_21:
0x22c: {  	_ =	sfence.sel $0x180000  }
0x22d: {  	[bflag:$0x0] =	sbarrier.arrive $0xFFFF  }
0x22e: {  	p0 =	sne.s32 s3, $0x0;
	_ =	strace $0x90000047  }
0x22f: {  	s0 =	sadd.s32 @!p0 $0x100000, s5;
	[bflag:$0x2] =	sbarrier.arrive $0xFFFF  }
0x230: {  	[sflag:s0] =	ssyncadd.tile.s32 @!p0 $0x1;
	_ =	shalt  }
.Lfunc_end2:
_tile_overlayer_lowered:
.L_overlay_start_2:
0x231: {  	(tag) =	ssettag $0x2  }
0x232: {  	s0 =	rddreg [dreg:$0x0];
	s2 =	stileid.u32  }
0x233: {  	s1 =	rddreg [dreg:$0x1];
	p0 =	sne.s32 s2, $0x0  }
0x234: {  	s3 =	rddreg [dreg:$0x2];
	[bflag:$0x3] =	sbarrier.arrive $0xFFFF;
	s2 =	simm.s32 @!p0 $0x1C05  }
0x235: {  	[timem:s3], [sflag:s2] =	dma.local @!p0 [hbm:s0], s1  }
0x236: {  	s0 =	simm.s32 @!p0 $0x5  }
0x237: {  	_ =	swait.ge @!p0 [sflag:s0], s1  }
0x238: {  	s1 =	ssub.s32 @!p0 $0x0, s1;
	[sflag:s0] =	ssyncset.done @!p0 $0x0  }
0x239: {  	[sflag:s0] =	ssyncadd.s32 @!p0 s1  }
0x23a: {  	[bflag:$0x3] =	sbarrier.arrive $0xFFFF  }
0x23b: {  	_ =	shalt  }

</sc_bundles>
